<compile_context>
chip_gen: v7x
topology: tpu7x:2x2x1
jax: 0.10.2.dev20260603
libtpu: 0.0.44.dev20260713+nightly
codegen_flags: <defaults>
</compile_context>

<pallas_src>
import functools

import jax
import jax.numpy as jnp
from jax import lax
from jax.experimental import pallas as pl
from jax.experimental.pallas import tpu as pltpu
from jax.experimental.pallas import tpu_sc as plsc

_IGNORE_LABEL = 255
_TOP_K_PCT = 0.2
_LOSS_WEIGHT = 1.0

_NB = 2048
_S1 = 20
_S2 = 9
_HALF = 32768


def _loss_kernel(y_true_ref, y_pred_ref, w_ref, bits_ref):
    x = y_pred_ref[0]
    lbl = y_true_ref[0, 0]
    w = w_ref[0, 0]

    m = jnp.max(x, axis=0)
    s = jnp.sum(jnp.exp(x - m[None]), axis=0)
    lse = jnp.log(s) + m
    cidx = lax.broadcasted_iota(jnp.int32, x.shape, 0)
    chosen = jnp.sum(jnp.where(cidx == lbl[None], x, 0.0), axis=0)
    nll = lse - chosen
    loss = jnp.where(lbl != _IGNORE_LABEL, nll, 0.0) * w
    loss = jnp.maximum(loss, 0.0)
    bits_ref[...] = lax.bitcast_convert_type(loss, jnp.int32)[None]


def _make_sc_select(B, n_per_sample, k):
    info = plsc.get_sparse_core_info()
    NC, NS, L = info.num_cores, info.num_subcores, info.num_lanes
    WPS = (NC * NS) // B
    SPC = B // NC
    CH = n_per_sample // WPS
    NHALF = CH // _HALF
    mesh = plsc.VectorSubcoreMesh(core_axis_name="c", subcore_axis_name="s")

    @functools.partial(
        pl.kernel, mesh=mesh,
        out_type=jax.ShapeDtypeStruct((B, L), jnp.int32),
        scratch_types=[
            pltpu.VMEM((_HALF,), jnp.int32),
            pltpu.VMEM((L * _NB,), jnp.int32),
            pltpu.VMEM((_NB,), jnp.int32),
            pltpu.VMEM((4 * _NB,), jnp.int32),
            pltpu.VMEM((L,), jnp.int32),
            pltpu.VMEM_SHARED((NS, _NB), jnp.int32),
        ],
        compiler_params=pltpu.CompilerParams(needs_layout_passes=False),
    )
    def sc_select(bits_hbm, out_hbm, buf, hist, red, grp, tmpv, stage):
        cid = lax.axis_index("c")
        sid = lax.axis_index("s")
        q = sid % WPS
        samp = cid * SPC + sid // WPS
        base = samp * n_per_sample + q * CH
        g0 = sid - q

        lanes = lax.iota(jnp.int32, L)
        lanebase = lanes * _NB
        ones = jnp.ones((L,), jnp.int32)
        zeros = jnp.zeros((L,), jnp.int32)

        def zero_hist(_i, c):
            hist[pl.ds(_i * L, L)] = zeros
            return c

        def histogram(level, kk_unused):
            lax.fori_loop(0, (L * _NB) // L, zero_hist, 0)
            for h in range(NHALF):
                pltpu.sync_copy(
                    bits_hbm.at[pl.ds(base + h * _HALF, _HALF)], buf)

                def scat(i, c):
                    for u in range(8):
                        v = buf[pl.ds((i * 8 + u) * L, L)]
                        if level == 0:
                            idx = lanebase + jnp.right_shift(v, _S1)
                            plsc.addupdate_scatter(hist, [idx], ones)
                        else:
                            b1v, = c
                            msk = jnp.right_shift(v, _S1) == b1v
                            idx = lanebase + jnp.bitwise_and(
                                jnp.right_shift(v, _S2), _NB - 1)
                            plsc.addupdate_scatter(hist, [idx], ones,
                                                   mask=msk)
                    return c
                lax.fori_loop(0, _HALF // (8 * L), scat, kk_unused)

            def lred(i, c):
                acc = hist[pl.ds(i * L, L)]
                for l in range(1, L):
                    acc = acc + hist[pl.ds(l * _NB + i * L, L)]
                red[pl.ds(i * L, L)] = acc
                return c
            lax.fori_loop(0, _NB // L, lred, 0)

            pltpu.sync_copy(red, stage.at[sid])
            plsc.subcore_barrier()
            for r in range(WPS):
                pltpu.sync_copy(stage.at[g0 + r],
                                grp.at[pl.ds(r * _NB, _NB)])
            plsc.subcore_barrier()

            def merge(i, c):
                acc = grp[pl.ds(i * L, L)]
                for r in range(1, WPS):
                    acc = acc + grp[pl.ds(r * _NB + i * L, L)]
                red[pl.ds(i * L, L)] = acc
                return c
            lax.fori_loop(0, _NB // L, merge, 0)

        def scan(kk):
            def body(j, carry):
                done, bin_sel, above_sel, running = carry
                jc = (_NB // L) - 1 - j
                v = red[pl.ds(jc * L, L)]
                rv = lax.rev(v, (0,))
                cum = running + plsc.cumsum(rv)
                excl = cum - rv
                mfound = cum >= kk
                i_first = jnp.min(jnp.where(mfound, lanes, L))
                has = i_first < L
                bin_j = jc * L + (L - 1) - i_first
                above_j = jnp.sum(jnp.where(lanes == i_first, excl, 0))
                new = jnp.logical_and(has, done == 0)
                done = jnp.where(new, 1, done)
                bin_sel = jnp.where(new, bin_j, bin_sel)
                above_sel = jnp.where(new, above_j, above_sel)
                running = running + jnp.sum(v)
                return done, bin_sel, above_sel, running
            done, bin_sel, above_sel, _ = lax.fori_loop(
                0, _NB // L, body,
                (jnp.int32(0), jnp.int32(0), jnp.int32(0), jnp.int32(0)))
            return bin_sel, above_sel

        histogram(0, (jnp.int32(0),))
        b1, above1 = scan(k)
        histogram(1, (b1,))
        b2, _above2 = scan(k - above1)
        edge = jnp.bitwise_or(lax.shift_left(b1, _S1),
                              lax.shift_left(b2, _S2))

        @pl.when(q == 0)
        def _write():
            tmpv[...] = jnp.full((L,), edge, jnp.int32)
            pltpu.sync_copy(tmpv, out_hbm.at[samp])

    return sc_select


def _final_kernel(bits_ref, edge_ref, out_ref, *, k, inv_total):
    bits = bits_ref[0]
    edge = jnp.max(edge_ref[0, 0])
    t_hi = edge + (1 << _S2) - 1
    gt = bits > t_hi
    cnt_gt = jnp.sum(gt.astype(jnp.int32))
    vals = lax.bitcast_convert_type(bits, jnp.float32)
    sum_gt = jnp.sum(jnp.where(gt, vals, 0.0))
    tmid = lax.bitcast_convert_type(edge + (1 << (_S2 - 1)), jnp.float32)
    samp = sum_gt + (k - cnt_gt).astype(jnp.float32) * tmid
    out_ref[...] = jnp.full((1, 1, 1), samp * inv_total, jnp.float32)


def kernel(y_true, y_pred, weights):
    B, C, H, W = y_pred.shape
    BW = 128
    nw = W // BW
    n = H * W
    k = int(round(_TOP_K_PCT * n))
    inv_total = _LOSS_WEIGHT / (B * k)

    bits = pl.pallas_call(
        _loss_kernel,
        grid=(B, nw),
        in_specs=[
            pl.BlockSpec((1, 1, H, BW), lambda b, w: (b, 0, 0, w)),
            pl.BlockSpec((1, C, H, BW), lambda b, w: (b, 0, 0, w)),
            pl.BlockSpec((1, 1, H, BW), lambda b, w: (b, 0, 0, w)),
        ],
        out_specs=pl.BlockSpec((1, H, BW), lambda b, w: (b, 0, w)),
        out_shape=jax.ShapeDtypeStruct((B, H, W), jnp.int32),
    )(y_true, y_pred, weights)

    edges = _make_sc_select(B, n, k)(bits.reshape(B * n))

    out = pl.pallas_call(
        functools.partial(_final_kernel, k=k, inv_total=inv_total),
        grid=(B,),
        in_specs=[
            pl.BlockSpec((1, H, W), lambda b: (b, 0, 0)),
            pl.BlockSpec((1, 1, 16), lambda b: (b, 0, 0)),
        ],
        out_specs=pl.BlockSpec((1, 1, 1), lambda b: (b, 0, 0)),
        out_shape=jax.ShapeDtypeStruct((B, 1, 1), jnp.float32),
    )(bits, edges.reshape(B, 1, 16))
    return jnp.sum(out)

# --- scband reference (transcript-rebuilt; emitter-appended) ---
"""Pipeline reference for scband-top-kcross-entropy-loss-63161789055480 (READ-ONLY COPY).

The authoritative reference and input builder live on the scoring server;
editing this copy changes nothing except your own understanding.
"""

import jax, jax.numpy as jnp
import numpy as np

IGNORE_LABEL = 255
TOP_K_PCT = 0.2
LOSS_WEIGHT = 1.0


def setup_inputs(seed: int = 0) -> dict:
    key = jax.random.key(seed)
    k1, k2, k3 = jax.random.split(key, 3)
    y_true = jax.random.randint(k1, (8, 1, 512, 512), 0, 19, dtype=jnp.int32)
    y_pred = jax.random.normal(k2, (8, 19, 512, 512), dtype=jnp.float32)
    weights = jax.random.uniform(k3, (8, 1, 512, 512), dtype=jnp.float32)
    return {"y_true": y_true, "y_pred": y_pred, "weights": weights}


def _compute_average_top_k_loss(loss, top_k_percentage):
    loss = loss.reshape(loss.shape[0], -1)
    if top_k_percentage != 1.0:
        num_elements_per_sample = loss.shape[1]
        top_k_pixels = int(round(top_k_percentage * num_elements_per_sample))
        loss, _ = jax.lax.top_k(loss, top_k_pixels)
    return loss.mean()


def reference(y_true, y_pred, weights):
    # y_true: [B, 1, H, W] int labels; y_pred: [B, C, H, W]; weights: [B, 1, H, W]
    labels = y_true[:, 0]  # squeeze(1) -> [B, H, W]
    logp = jax.nn.log_softmax(y_pred, axis=1)  # [B, C, H, W]
    nll = -jnp.take_along_axis(logp, y_true, axis=1)[:, 0]  # [B, H, W]
    mask = labels != IGNORE_LABEL
    pixel_losses = jnp.where(mask, nll, 0.0)  # ignore_index -> loss 0 with reduction='none'
    weighted_pixel_losses = pixel_losses[:, None, :, :] * weights  # [B, 1, H, W]
    return _compute_average_top_k_loss(weighted_pixel_losses, TOP_K_PCT) * LOSS_WEIGHT

if __name__ == "__main__":
    import jax
    _d = setup_inputs()
    print(jax.jit(kernel)(*tuple(_d.values())))

</pallas_src>

<mosaic_0001>
#map = affine_map<(d0, d1) -> (0)>
#map1 = affine_map<(d0, d1) -> (0, 0)>
module attributes {stable_mosaic.version = 14 : i64} {
  func.func @sc_select(%arg0: i32, %arg1: i32, %arg2: memref<2097152xi32, #tpu.memory_space<hbm>>, %arg3: memref<8x16xi32, #tpu.memory_space<hbm>>, %arg4: memref<32768xi32, #tpu.memory_space<vmem>>, %arg5: memref<32768xi32, #tpu.memory_space<vmem>>, %arg6: memref<2048xi32, #tpu.memory_space<vmem>>, %arg7: memref<8192xi32, #tpu.memory_space<vmem>>, %arg8: memref<16xi32, #tpu.memory_space<vmem>>, %arg9: memref<16x2048xi32, #tpu.memory_space<vmem_shared>>) attributes {dimension_semantics = [#tpu.dimension_semantics<core_parallel>, #tpu.dimension_semantics<subcore_parallel>], iteration_bounds = array<i64: 2, 16>, scalar_prefetch = 0 : i64, scratch_operands = 6 : i64, tpu.core_type = #tpu.core_type<sc_vector_subcore>, window_params = [{transform_indices = #map}, {transform_indices = #map1}]} {
    %jit3A = arith.constant 4 : i32
    %eq3A = arith.constant 0 : i32
    %eq3A_0 = arith.cmpi eq, %jit3A, %eq3A : i32
    %jit3A_1 = arith.constant 1 : i32
    %select_n3A = arith.select %eq3A_0, %jit3A_1, %jit3A : i32
    %rem3A = arith.remsi %arg1, %select_n3A : i32
    %ne3A = arith.constant 0 : i32
    %ne3A_2 = arith.cmpi ne, %rem3A, %ne3A : i32
    %lt3A = arith.constant 0 : i32
    %lt3A_3 = arith.cmpi slt, %rem3A, %lt3A : i32
    %lt3A_4 = arith.constant 0 : i32
    %lt3A_5 = arith.cmpi slt, %select_n3A, %lt3A_4 : i32
    %ne3A_6 = arith.xori %lt3A_3, %lt3A_5 : i1
    %and3A = arith.andi %ne3A_6, %ne3A_2 : i1
    %add3A = arith.addi %rem3A, %select_n3A : i32
    %select_n3A_7 = arith.select %and3A, %add3A, %rem3A : i32
    %mul3A = arith.constant 4 : i32
    %mul3A_8 = arith.muli %arg0, %mul3A : i32
    %jit3A_9 = arith.constant 4 : i32
    %div3A = arith.divsi %arg1, %jit3A_9 : i32
    %sign3A = arith.constant 0 : i32
    %sign3A_10 = arith.cmpi sgt, %arg1, %sign3A : i32
    %sign3A_11 = arith.extui %sign3A_10 : i1 to i32
    %sign3A_12 = arith.constant 0 : i32
    %sign3A_13 = arith.cmpi slt, %arg1, %sign3A_12 : i32
    %sign3A_14 = arith.extui %sign3A_13 : i1 to i32
    %sign3A_15 = arith.subi %sign3A_11, %sign3A_14 : i32
    %sign3A_16 = arith.constant 0 : i32
    %sign3A_17 = arith.cmpi sgt, %jit3A_9, %sign3A_16 : i32
    %sign3A_18 = arith.extui %sign3A_17 : i1 to i32
    %sign3A_19 = arith.constant 0 : i32
    %sign3A_20 = arith.cmpi slt, %jit3A_9, %sign3A_19 : i32
    %sign3A_21 = arith.extui %sign3A_20 : i1 to i32
    %sign3A_22 = arith.subi %sign3A_18, %sign3A_21 : i32
    %ne3A_23 = arith.cmpi ne, %sign3A_15, %sign3A_22 : i32
    %rem3A_24 = arith.remsi %arg1, %jit3A_9 : i32
    %ne3A_25 = arith.constant 0 : i32
    %ne3A_26 = arith.cmpi ne, %rem3A_24, %ne3A_25 : i32
    %and3A_27 = arith.andi %ne3A_23, %ne3A_26 : i1
    %sub3A = arith.constant 1 : i32
    %sub3A_28 = arith.subi %div3A, %sub3A : i32
    %select_n3A_29 = arith.select %and3A_27, %sub3A_28, %div3A : i32
    %add3A_30 = arith.addi %mul3A_8, %select_n3A_29 : i32
    %mul3A_31 = arith.constant 262144 : i32
    %mul3A_32 = arith.muli %add3A_30, %mul3A_31 : i32
    %mul3A_33 = arith.constant 65536 : i32
    %mul3A_34 = arith.muli %select_n3A_7, %mul3A_33 : i32
    %add3A_35 = arith.addi %mul3A_32, %mul3A_34 : i32
    %sub3A_36 = arith.subi %arg1, %select_n3A_7 : i32
    %iota3A = tpu.iota {dimensions = array<i32: 0>} : vector<16xi32>
    %mul3A_37 = arith.constant 2048 : i32
    %mul3A_38 = vector.broadcast %mul3A_37 : i32 to vector<16xi32>
    %mul3A_39 = arith.muli %iota3A, %mul3A_38 : vector<16xi32>
    %broadcast_in_dim3A = arith.constant 1 : i32
    %broadcast_in_dim3A_40 = vector.broadcast %broadcast_in_dim3A : i32 to vector<16xi32>
    %broadcast_in_dim3A_41 = arith.constant 0 : i32
    %broadcast_in_dim3A_42 = vector.broadcast %broadcast_in_dim3A_41 : i32 to vector<16xi32>
    %scan3A = arith.constant 0 : i32
    %scan3A_43 = arith.constant 0 : i32
    %scan3A_44 = arith.constant 2048 : i32
    %scan3A_45 = arith.addi %scan3A_43, %scan3A_44 : i32
    %scan3A_46 = arith.constant 1 : i32
    scf.for %scan3A_155 = %scan3A_43 to %scan3A_45 step %scan3A_46  : i32 {
      %mul3A_156 = arith.constant 16 : i32
      %mul3A_157 = arith.muli %scan3A_155, %mul3A_156 : i32
      %swap3A = arith.index_cast %mul3A_157 : i32 to index
      %swap3A_158 = tpu.vector_load %arg5[%swap3A] {strides = array<i32>} : memref<32768xi32, #tpu.memory_space<vmem>>, vector<16xi32>,
      tpu.vector_store %arg5[%swap3A], %broadcast_in_dim3A_42 {strides = array<i32>} : memref<32768xi32, #tpu.memory_space<vmem>>, vector<16xi32>,
    }
    %scan3A_47 = arith.constant 2048 : i32
    %add3A_48 = arith.constant 0 : i32
    %add3A_49 = arith.addi %add3A_35, %add3A_48 : i32
    "tpu.region"() ({
      %run_scoped3A = tpu.sem_alloc : memref<!tpu.dma_semaphore, #tpu.memory_space<semaphore_mem>>
      %dma_start3A = tpu.memref_slice %arg2[%add3A_49] : memref<2097152xi32, #tpu.memory_space<hbm>> -> memref<32768xi32, #tpu.memory_space<hbm>>
      %dma_start3A_155 = tpu.memref_slice %arg2[%add3A_49] : memref<2097152xi32, #tpu.memory_space<hbm>> -> memref<32768xi32, #tpu.memory_space<hbm>>
      tpu.enqueue_dma source(%dma_start3A_155 : memref<32768xi32, #tpu.memory_space<hbm>>) target(%arg4 : memref<32768xi32, #tpu.memory_space<vmem>>) target_semaphore(%run_scoped3A : memref<!tpu.dma_semaphore, #tpu.memory_space<semaphore_mem>>)
      %dma_wait3A = tpu.memref_slice %arg2[%add3A_49] : memref<2097152xi32, #tpu.memory_space<hbm>> -> memref<32768xi32, #tpu.memory_space<hbm>>
      %dma_wait3A_156 = tpu.memref_slice %arg2[%add3A_49] : memref<2097152xi32, #tpu.memory_space<hbm>> -> memref<32768xi32, #tpu.memory_space<hbm>>
      tpu.wait_dma2 semaphore(%run_scoped3A : memref<!tpu.dma_semaphore, #tpu.memory_space<semaphore_mem>>) src(%dma_wait3A_156 : memref<32768xi32, #tpu.memory_space<hbm>>) dst(%arg4 : memref<32768xi32, #tpu.memory_space<vmem>>)
      tpu.yield
    }) : () -> ()
    %scan3A_50 = arith.constant 0 : i32
    %scan3A_51 = arith.constant 0 : i32
    %scan3A_52 = arith.constant 256 : i32
    %scan3A_53 = arith.addi %scan3A_51, %scan3A_52 : i32
    %scan3A_54 = arith.constant 1 : i32
    scf.for %scan3A_155 = %scan3A_51 to %scan3A_53 step %scan3A_54  : i32 {
      %mul3A_156 = arith.constant 8 : i32
      %mul3A_157 = arith.muli %scan3A_155, %mul3A_156 : i32
      %add3A_158 = arith.constant 0 : i32
      %add3A_159 = arith.addi %mul3A_157, %add3A_158 : i32
      %mul3A_160 = arith.constant 16 : i32
      %mul3A_161 = arith.muli %add3A_159, %mul3A_160 : i32
      %get3A = arith.index_cast %mul3A_161 : i32 to index
      %get3A_162 = tpu.vector_load %arg4[%get3A] {strides = array<i32>} : memref<32768xi32, #tpu.memory_space<vmem>>, vector<16xi32>,
      %shift_right_arithmetic3A = arith.constant 20 : i32
      %shift_right_arithmetic3A_163 = vector.broadcast %shift_right_arithmetic3A : i32 to vector<16xi32>
      %shift_right_arithmetic3A_164 = arith.shrsi %get3A_162, %shift_right_arithmetic3A_163 : vector<16xi32>
      %add3A_165 = arith.addi %mul3A_39, %shift_right_arithmetic3A_164 : vector<16xi32>
      tpu.vector_store_idx %arg5[%add3A_165], %broadcast_in_dim3A_40 {add = true} : memref<32768xi32, #tpu.memory_space<vmem>>[vector<16xi32>], vector<16xi32>,
      %mul3A_166 = arith.constant 8 : i32
      %mul3A_167 = arith.muli %scan3A_155, %mul3A_166 : i32
      %add3A_168 = arith.constant 1 : i32
      %add3A_169 = arith.addi %mul3A_167, %add3A_168 : i32
      %mul3A_170 = arith.constant 16 : i32
      %mul3A_171 = arith.muli %add3A_169, %mul3A_170 : i32
      %get3A_172 = arith.index_cast %mul3A_171 : i32 to index
      %get3A_173 = tpu.vector_load %arg4[%get3A_172] {strides = array<i32>} : memref<32768xi32, #tpu.memory_space<vmem>>, vector<16xi32>,
      %shift_right_arithmetic3A_174 = arith.constant 20 : i32
      %shift_right_arithmetic3A_175 = vector.broadcast %shift_right_arithmetic3A_174 : i32 to vector<16xi32>
      %shift_right_arithmetic3A_176 = arith.shrsi %get3A_173, %shift_right_arithmetic3A_175 : vector<16xi32>
      %add3A_177 = arith.addi %mul3A_39, %shift_right_arithmetic3A_176 : vector<16xi32>
      tpu.vector_store_idx %arg5[%add3A_177], %broadcast_in_dim3A_40 {add = true} : memref<32768xi32, #tpu.memory_space<vmem>>[vector<16xi32>], vector<16xi32>,
      %mul3A_178 = arith.constant 8 : i32
      %mul3A_179 = arith.muli %scan3A_155, %mul3A_178 : i32
      %add3A_180 = arith.constant 2 : i32
      %add3A_181 = arith.addi %mul3A_179, %add3A_180 : i32
      %mul3A_182 = arith.constant 16 : i32
      %mul3A_183 = arith.muli %add3A_181, %mul3A_182 : i32
      %get3A_184 = arith.index_cast %mul3A_183 : i32 to index
      %get3A_185 = tpu.vector_load %arg4[%get3A_184] {strides = array<i32>} : memref<32768xi32, #tpu.memory_space<vmem>>, vector<16xi32>,
      %shift_right_arithmetic3A_186 = arith.constant 20 : i32
      %shift_right_arithmetic3A_187 = vector.broadcast %shift_right_arithmetic3A_186 : i32 to vector<16xi32>
      %shift_right_arithmetic3A_188 = arith.shrsi %get3A_185, %shift_right_arithmetic3A_187 : vector<16xi32>
      %add3A_189 = arith.addi %mul3A_39, %shift_right_arithmetic3A_188 : vector<16xi32>
      tpu.vector_store_idx %arg5[%add3A_189], %broadcast_in_dim3A_40 {add = true} : memref<32768xi32, #tpu.memory_space<vmem>>[vector<16xi32>], vector<16xi32>,
      %mul3A_190 = arith.constant 8 : i32
      %mul3A_191 = arith.muli %scan3A_155, %mul3A_190 : i32
      %add3A_192 = arith.constant 3 : i32
      %add3A_193 = arith.addi %mul3A_191, %add3A_192 : i32
      %mul3A_194 = arith.constant 16 : i32
      %mul3A_195 = arith.muli %add3A_193, %mul3A_194 : i32
      %get3A_196 = arith.index_cast %mul3A_195 : i32 to index
      %get3A_197 = tpu.vector_load %arg4[%get3A_196] {strides = array<i32>} : memref<32768xi32, #tpu.memory_space<vmem>>, vector<16xi32>,
      %shift_right_arithmetic3A_198 = arith.constant 20 : i32
      %shift_right_arithmetic3A_199 = vector.broadcast %shift_right_arithmetic3A_198 : i32 to vector<16xi32>
      %shift_right_arithmetic3A_200 = arith.shrsi %get3A_197, %shift_right_arithmetic3A_199 : vector<16xi32>
      %add3A_201 = arith.addi %mul3A_39, %shift_right_arithmetic3A_200 : vector<16xi32>
      tpu.vector_store_idx %arg5[%add3A_201], %broadcast_in_dim3A_40 {add = true} : memref<32768xi32, #tpu.memory_space<vmem>>[vector<16xi32>], vector<16xi32>,
      %mul3A_202 = arith.constant 8 : i32
      %mul3A_203 = arith.muli %scan3A_155, %mul3A_202 : i32
      %add3A_204 = arith.constant 4 : i32
      %add3A_205 = arith.addi %mul3A_203, %add3A_204 : i32
      %mul3A_206 = arith.constant 16 : i32
      %mul3A_207 = arith.muli %add3A_205, %mul3A_206 : i32
      %get3A_208 = arith.index_cast %mul3A_207 : i32 to index
      %get3A_209 = tpu.vector_load %arg4[%get3A_208] {strides = array<i32>} : memref<32768xi32, #tpu.memory_space<vmem>>, vector<16xi32>,
      %shift_right_arithmetic3A_210 = arith.constant 20 : i32
      %shift_right_arithmetic3A_211 = vector.broadcast %shift_right_arithmetic3A_210 : i32 to vector<16xi32>
      %shift_right_arithmetic3A_212 = arith.shrsi %get3A_209, %shift_right_arithmetic3A_211 : vector<16xi32>
      %add3A_213 = arith.addi %mul3A_39, %shift_right_arithmetic3A_212 : vector<16xi32>
      tpu.vector_store_idx %arg5[%add3A_213], %broadcast_in_dim3A_40 {add = true} : memref<32768xi32, #tpu.memory_space<vmem>>[vector<16xi32>], vector<16xi32>,
      %mul3A_214 = arith.constant 8 : i32
      %mul3A_215 = arith.muli %scan3A_155, %mul3A_214 : i32
      %add3A_216 = arith.constant 5 : i32
      %add3A_217 = arith.addi %mul3A_215, %add3A_216 : i32
      %mul3A_218 = arith.constant 16 : i32
      %mul3A_219 = arith.muli %add3A_217, %mul3A_218 : i32
      %get3A_220 = arith.index_cast %mul3A_219 : i32 to index
      %get3A_221 = tpu.vector_load %arg4[%get3A_220] {strides = array<i32>} : memref<32768xi32, #tpu.memory_space<vmem>>, vector<16xi32>,
      %shift_right_arithmetic3A_222 = arith.constant 20 : i32
      %shift_right_arithmetic3A_223 = vector.broadcast %shift_right_arithmetic3A_222 : i32 to vector<16xi32>
      %shift_right_arithmetic3A_224 = arith.shrsi %get3A_221, %shift_right_arithmetic3A_223 : vector<16xi32>
      %add3A_225 = arith.addi %mul3A_39, %shift_right_arithmetic3A_224 : vector<16xi32>
      tpu.vector_store_idx %arg5[%add3A_225], %broadcast_in_dim3A_40 {add = true} : memref<32768xi32, #tpu.memory_space<vmem>>[vector<16xi32>], vector<16xi32>,
      %mul3A_226 = arith.constant 8 : i32
      %mul3A_227 = arith.muli %scan3A_155, %mul3A_226 : i32
      %add3A_228 = arith.constant 6 : i32
      %add3A_229 = arith.addi %mul3A_227, %add3A_228 : i32
      %mul3A_230 = arith.constant 16 : i32
      %mul3A_231 = arith.muli %add3A_229, %mul3A_230 : i32
      %get3A_232 = arith.index_cast %mul3A_231 : i32 to index
      %get3A_233 = tpu.vector_load %arg4[%get3A_232] {strides = array<i32>} : memref<32768xi32, #tpu.memory_space<vmem>>, vector<16xi32>,
      %shift_right_arithmetic3A_234 = arith.constant 20 : i32
      %shift_right_arithmetic3A_235 = vector.broadcast %shift_right_arithmetic3A_234 : i32 to vector<16xi32>
      %shift_right_arithmetic3A_236 = arith.shrsi %get3A_233, %shift_right_arithmetic3A_235 : vector<16xi32>
      %add3A_237 = arith.addi %mul3A_39, %shift_right_arithmetic3A_236 : vector<16xi32>
      tpu.vector_store_idx %arg5[%add3A_237], %broadcast_in_dim3A_40 {add = true} : memref<32768xi32, #tpu.memory_space<vmem>>[vector<16xi32>], vector<16xi32>,
      %mul3A_238 = arith.constant 8 : i32
      %mul3A_239 = arith.muli %scan3A_155, %mul3A_238 : i32
      %add3A_240 = arith.constant 7 : i32
      %add3A_241 = arith.addi %mul3A_239, %add3A_240 : i32
      %mul3A_242 = arith.constant 16 : i32
      %mul3A_243 = arith.muli %add3A_241, %mul3A_242 : i32
      %get3A_244 = arith.index_cast %mul3A_243 : i32 to index
      %get3A_245 = tpu.vector_load %arg4[%get3A_244] {strides = array<i32>} : memref<32768xi32, #tpu.memory_space<vmem>>, vector<16xi32>,
      %shift_right_arithmetic3A_246 = arith.constant 20 : i32
      %shift_right_arithmetic3A_247 = vector.broadcast %shift_right_arithmetic3A_246 : i32 to vector<16xi32>
      %shift_right_arithmetic3A_248 = arith.shrsi %get3A_245, %shift_right_arithmetic3A_247 : vector<16xi32>
      %add3A_249 = arith.addi %mul3A_39, %shift_right_arithmetic3A_248 : vector<16xi32>
      tpu.vector_store_idx %arg5[%add3A_249], %broadcast_in_dim3A_40 {add = true} : memref<32768xi32, #tpu.memory_space<vmem>>[vector<16xi32>], vector<16xi32>,
    }
    %scan3A_55 = arith.constant 256 : i32
    %add3A_56 = arith.constant 32768 : i32
    %add3A_57 = arith.addi %add3A_35, %add3A_56 : i32
    "tpu.region"() ({
      %run_scoped3A = tpu.sem_alloc : memref<!tpu.dma_semaphore, #tpu.memory_space<semaphore_mem>>
      %dma_start3A = tpu.memref_slice %arg2[%add3A_57] : memref<2097152xi32, #tpu.memory_space<hbm>> -> memref<32768xi32, #tpu.memory_space<hbm>>
      %dma_start3A_155 = tpu.memref_slice %arg2[%add3A_57] : memref<2097152xi32, #tpu.memory_space<hbm>> -> memref<32768xi32, #tpu.memory_space<hbm>>
      tpu.enqueue_dma source(%dma_start3A_155 : memref<32768xi32, #tpu.memory_space<hbm>>) target(%arg4 : memref<32768xi32, #tpu.memory_space<vmem>>) target_semaphore(%run_scoped3A : memref<!tpu.dma_semaphore, #tpu.memory_space<semaphore_mem>>)
      %dma_wait3A = tpu.memref_slice %arg2[%add3A_57] : memref<2097152xi32, #tpu.memory_space<hbm>> -> memref<32768xi32, #tpu.memory_space<hbm>>
      %dma_wait3A_156 = tpu.memref_slice %arg2[%add3A_57] : memref<2097152xi32, #tpu.memory_space<hbm>> -> memref<32768xi32, #tpu.memory_space<hbm>>
      tpu.wait_dma2 semaphore(%run_scoped3A : memref<!tpu.dma_semaphore, #tpu.memory_space<semaphore_mem>>) src(%dma_wait3A_156 : memref<32768xi32, #tpu.memory_space<hbm>>) dst(%arg4 : memref<32768xi32, #tpu.memory_space<vmem>>)
      tpu.yield
    }) : () -> ()
    %scan3A_58 = arith.constant 0 : i32
    %scan3A_59 = arith.constant 0 : i32
    %scan3A_60 = arith.constant 256 : i32
    %scan3A_61 = arith.addi %scan3A_59, %scan3A_60 : i32
    %scan3A_62 = arith.constant 1 : i32
    scf.for %scan3A_155 = %scan3A_59 to %scan3A_61 step %scan3A_62  : i32 {
      %mul3A_156 = arith.constant 8 : i32
      %mul3A_157 = arith.muli %scan3A_155, %mul3A_156 : i32
      %add3A_158 = arith.constant 0 : i32
      %add3A_159 = arith.addi %mul3A_157, %add3A_158 : i32
      %mul3A_160 = arith.constant 16 : i32
      %mul3A_161 = arith.muli %add3A_159, %mul3A_160 : i32
      %get3A = arith.index_cast %mul3A_161 : i32 to index
      %get3A_162 = tpu.vector_load %arg4[%get3A] {strides = array<i32>} : memref<32768xi32, #tpu.memory_space<vmem>>, vector<16xi32>,
      %shift_right_arithmetic3A = arith.constant 20 : i32
      %shift_right_arithmetic3A_163 = vector.broadcast %shift_right_arithmetic3A : i32 to vector<16xi32>
      %shift_right_arithmetic3A_164 = arith.shrsi %get3A_162, %shift_right_arithmetic3A_163 : vector<16xi32>
      %add3A_165 = arith.addi %mul3A_39, %shift_right_arithmetic3A_164 : vector<16xi32>
      tpu.vector_store_idx %arg5[%add3A_165], %broadcast_in_dim3A_40 {add = true} : memref<32768xi32, #tpu.memory_space<vmem>>[vector<16xi32>], vector<16xi32>,
      %mul3A_166 = arith.constant 8 : i32
      %mul3A_167 = arith.muli %scan3A_155, %mul3A_166 : i32
      %add3A_168 = arith.constant 1 : i32
      %add3A_169 = arith.addi %mul3A_167, %add3A_168 : i32
      %mul3A_170 = arith.constant 16 : i32
      %mul3A_171 = arith.muli %add3A_169, %mul3A_170 : i32
      %get3A_172 = arith.index_cast %mul3A_171 : i32 to index
      %get3A_173 = tpu.vector_load %arg4[%get3A_172] {strides = array<i32>} : memref<32768xi32, #tpu.memory_space<vmem>>, vector<16xi32>,
      %shift_right_arithmetic3A_174 = arith.constant 20 : i32
      %shift_right_arithmetic3A_175 = vector.broadcast %shift_right_arithmetic3A_174 : i32 to vector<16xi32>
      %shift_right_arithmetic3A_176 = arith.shrsi %get3A_173, %shift_right_arithmetic3A_175 : vector<16xi32>
      %add3A_177 = arith.addi %mul3A_39, %shift_right_arithmetic3A_176 : vector<16xi32>
      tpu.vector_store_idx %arg5[%add3A_177], %broadcast_in_dim3A_40 {add = true} : memref<32768xi32, #tpu.memory_space<vmem>>[vector<16xi32>], vector<16xi32>,
      %mul3A_178 = arith.constant 8 : i32
      %mul3A_179 = arith.muli %scan3A_155, %mul3A_178 : i32
      %add3A_180 = arith.constant 2 : i32
      %add3A_181 = arith.addi %mul3A_179, %add3A_180 : i32
      %mul3A_182 = arith.constant 16 : i32
      %mul3A_183 = arith.muli %add3A_181, %mul3A_182 : i32
      %get3A_184 = arith.index_cast %mul3A_183 : i32 to index
      %get3A_185 = tpu.vector_load %arg4[%get3A_184] {strides = array<i32>} : memref<32768xi32, #tpu.memory_space<vmem>>, vector<16xi32>,
      %shift_right_arithmetic3A_186 = arith.constant 20 : i32
      %shift_right_arithmetic3A_187 = vector.broadcast %shift_right_arithmetic3A_186 : i32 to vector<16xi32>
      %shift_right_arithmetic3A_188 = arith.shrsi %get3A_185, %shift_right_arithmetic3A_187 : vector<16xi32>
      %add3A_189 = arith.addi %mul3A_39, %shift_right_arithmetic3A_188 : vector<16xi32>
      tpu.vector_store_idx %arg5[%add3A_189], %broadcast_in_dim3A_40 {add = true} : memref<32768xi32, #tpu.memory_space<vmem>>[vector<16xi32>], vector<16xi32>,
      %mul3A_190 = arith.constant 8 : i32
      %mul3A_191 = arith.muli %scan3A_155, %mul3A_190 : i32
      %add3A_192 = arith.constant 3 : i32
      %add3A_193 = arith.addi %mul3A_191, %add3A_192 : i32
      %mul3A_194 = arith.constant 16 : i32
      %mul3A_195 = arith.muli %add3A_193, %mul3A_194 : i32
      %get3A_196 = arith.index_cast %mul3A_195 : i32 to index
      %get3A_197 = tpu.vector_load %arg4[%get3A_196] {strides = array<i32>} : memref<32768xi32, #tpu.memory_space<vmem>>, vector<16xi32>,
      %shift_right_arithmetic3A_198 = arith.constant 20 : i32
      %shift_right_arithmetic3A_199 = vector.broadcast %shift_right_arithmetic3A_198 : i32 to vector<16xi32>
      %shift_right_arithmetic3A_200 = arith.shrsi %get3A_197, %shift_right_arithmetic3A_199 : vector<16xi32>
      %add3A_201 = arith.addi %mul3A_39, %shift_right_arithmetic3A_200 : vector<16xi32>
      tpu.vector_store_idx %arg5[%add3A_201], %broadcast_in_dim3A_40 {add = true} : memref<32768xi32, #tpu.memory_space<vmem>>[vector<16xi32>], vector<16xi32>,
      %mul3A_202 = arith.constant 8 : i32
      %mul3A_203 = arith.muli %scan3A_155, %mul3A_202 : i32
      %add3A_204 = arith.constant 4 : i32
      %add3A_205 = arith.addi %mul3A_203, %add3A_204 : i32
      %mul3A_206 = arith.constant 16 : i32
      %mul3A_207 = arith.muli %add3A_205, %mul3A_206 : i32
      %get3A_208 = arith.index_cast %mul3A_207 : i32 to index
      %get3A_209 = tpu.vector_load %arg4[%get3A_208] {strides = array<i32>} : memref<32768xi32, #tpu.memory_space<vmem>>, vector<16xi32>,
      %shift_right_arithmetic3A_210 = arith.constant 20 : i32
      %shift_right_arithmetic3A_211 = vector.broadcast %shift_right_arithmetic3A_210 : i32 to vector<16xi32>
      %shift_right_arithmetic3A_212 = arith.shrsi %get3A_209, %shift_right_arithmetic3A_211 : vector<16xi32>
      %add3A_213 = arith.addi %mul3A_39, %shift_right_arithmetic3A_212 : vector<16xi32>
      tpu.vector_store_idx %arg5[%add3A_213], %broadcast_in_dim3A_40 {add = true} : memref<32768xi32, #tpu.memory_space<vmem>>[vector<16xi32>], vector<16xi32>,
      %mul3A_214 = arith.constant 8 : i32
      %mul3A_215 = arith.muli %scan3A_155, %mul3A_214 : i32
      %add3A_216 = arith.constant 5 : i32
      %add3A_217 = arith.addi %mul3A_215, %add3A_216 : i32
      %mul3A_218 = arith.constant 16 : i32
      %mul3A_219 = arith.muli %add3A_217, %mul3A_218 : i32
      %get3A_220 = arith.index_cast %mul3A_219 : i32 to index
      %get3A_221 = tpu.vector_load %arg4[%get3A_220] {strides = array<i32>} : memref<32768xi32, #tpu.memory_space<vmem>>, vector<16xi32>,
      %shift_right_arithmetic3A_222 = arith.constant 20 : i32
      %shift_right_arithmetic3A_223 = vector.broadcast %shift_right_arithmetic3A_222 : i32 to vector<16xi32>
      %shift_right_arithmetic3A_224 = arith.shrsi %get3A_221, %shift_right_arithmetic3A_223 : vector<16xi32>
      %add3A_225 = arith.addi %mul3A_39, %shift_right_arithmetic3A_224 : vector<16xi32>
      tpu.vector_store_idx %arg5[%add3A_225], %broadcast_in_dim3A_40 {add = true} : memref<32768xi32, #tpu.memory_space<vmem>>[vector<16xi32>], vector<16xi32>,
      %mul3A_226 = arith.constant 8 : i32
      %mul3A_227 = arith.muli %scan3A_155, %mul3A_226 : i32
      %add3A_228 = arith.constant 6 : i32
      %add3A_229 = arith.addi %mul3A_227, %add3A_228 : i32
      %mul3A_230 = arith.constant 16 : i32
      %mul3A_231 = arith.muli %add3A_229, %mul3A_230 : i32
      %get3A_232 = arith.index_cast %mul3A_231 : i32 to index
      %get3A_233 = tpu.vector_load %arg4[%get3A_232] {strides = array<i32>} : memref<32768xi32, #tpu.memory_space<vmem>>, vector<16xi32>,
      %shift_right_arithmetic3A_234 = arith.constant 20 : i32
      %shift_right_arithmetic3A_235 = vector.broadcast %shift_right_arithmetic3A_234 : i32 to vector<16xi32>
      %shift_right_arithmetic3A_236 = arith.shrsi %get3A_233, %shift_right_arithmetic3A_235 : vector<16xi32>
      %add3A_237 = arith.addi %mul3A_39, %shift_right_arithmetic3A_236 : vector<16xi32>
      tpu.vector_store_idx %arg5[%add3A_237], %broadcast_in_dim3A_40 {add = true} : memref<32768xi32, #tpu.memory_space<vmem>>[vector<16xi32>], vector<16xi32>,
      %mul3A_238 = arith.constant 8 : i32
      %mul3A_239 = arith.muli %scan3A_155, %mul3A_238 : i32
      %add3A_240 = arith.constant 7 : i32
      %add3A_241 = arith.addi %mul3A_239, %add3A_240 : i32
      %mul3A_242 = arith.constant 16 : i32
      %mul3A_243 = arith.muli %add3A_241, %mul3A_242 : i32
      %get3A_244 = arith.index_cast %mul3A_243 : i32 to index
      %get3A_245 = tpu.vector_load %arg4[%get3A_244] {strides = array<i32>} : memref<32768xi32, #tpu.memory_space<vmem>>, vector<16xi32>,
      %shift_right_arithmetic3A_246 = arith.constant 20 : i32
      %shift_right_arithmetic3A_247 = vector.broadcast %shift_right_arithmetic3A_246 : i32 to vector<16xi32>
      %shift_right_arithmetic3A_248 = arith.shrsi %get3A_245, %shift_right_arithmetic3A_247 : vector<16xi32>
      %add3A_249 = arith.addi %mul3A_39, %shift_right_arithmetic3A_248 : vector<16xi32>
      tpu.vector_store_idx %arg5[%add3A_249], %broadcast_in_dim3A_40 {add = true} : memref<32768xi32, #tpu.memory_space<vmem>>[vector<16xi32>], vector<16xi32>,
    }
    %scan3A_63 = arith.constant 256 : i32
    %scan3A_64 = arith.constant 0 : i32
    %scan3A_65 = arith.constant 0 : i32
    %scan3A_66 = arith.constant 128 : i32
    %scan3A_67 = arith.addi %scan3A_65, %scan3A_66 : i32
    %scan3A_68 = arith.constant 1 : i32
    scf.for %scan3A_155 = %scan3A_65 to %scan3A_67 step %scan3A_68  : i32 {
      %mul3A_156 = arith.constant 16 : i32
      %mul3A_157 = arith.muli %scan3A_155, %mul3A_156 : i32
      %get3A = arith.index_cast %mul3A_157 : i32 to index
      %get3A_158 = tpu.vector_load %arg5[%get3A] {strides = array<i32>} : memref<32768xi32, #tpu.memory_space<vmem>>, vector<16xi32>,
      %mul3A_159 = arith.constant 16 : i32
      %mul3A_160 = arith.muli %scan3A_155, %mul3A_159 : i32
      %add3A_161 = arith.constant 2048 : i32
      %add3A_162 = arith.addi %add3A_161, %mul3A_160 : i32
      %get3A_163 = arith.index_cast %add3A_162 : i32 to index
      %get3A_164 = tpu.vector_load %arg5[%get3A_163] {strides = array<i32>} : memref<32768xi32, #tpu.memory_space<vmem>>, vector<16xi32>,
      %add3A_165 = arith.addi %get3A_158, %get3A_164 : vector<16xi32>
      %mul3A_166 = arith.constant 16 : i32
      %mul3A_167 = arith.muli %scan3A_155, %mul3A_166 : i32
      %add3A_168 = arith.constant 4096 : i32
      %add3A_169 = arith.addi %add3A_168, %mul3A_167 : i32
      %get3A_170 = arith.index_cast %add3A_169 : i32 to index
      %get3A_171 = tpu.vector_load %arg5[%get3A_170] {strides = array<i32>} : memref<32768xi32, #tpu.memory_space<vmem>>, vector<16xi32>,
      %add3A_172 = arith.addi %add3A_165, %get3A_171 : vector<16xi32>
      %mul3A_173 = arith.constant 16 : i32
      %mul3A_174 = arith.muli %scan3A_155, %mul3A_173 : i32
      %add3A_175 = arith.constant 6144 : i32
      %add3A_176 = arith.addi %add3A_175, %mul3A_174 : i32
      %get3A_177 = arith.index_cast %add3A_176 : i32 to index
      %get3A_178 = tpu.vector_load %arg5[%get3A_177] {strides = array<i32>} : memref<32768xi32, #tpu.memory_space<vmem>>, vector<16xi32>,
      %add3A_179 = arith.addi %add3A_172, %get3A_178 : vector<16xi32>
      %mul3A_180 = arith.constant 16 : i32
      %mul3A_181 = arith.muli %scan3A_155, %mul3A_180 : i32
      %add3A_182 = arith.constant 8192 : i32
      %add3A_183 = arith.addi %add3A_182, %mul3A_181 : i32
      %get3A_184 = arith.index_cast %add3A_183 : i32 to index
      %get3A_185 = tpu.vector_load %arg5[%get3A_184] {strides = array<i32>} : memref<32768xi32, #tpu.memory_space<vmem>>, vector<16xi32>,
      %add3A_186 = arith.addi %add3A_179, %get3A_185 : vector<16xi32>
      %mul3A_187 = arith.constant 16 : i32
      %mul3A_188 = arith.muli %scan3A_155, %mul3A_187 : i32
      %add3A_189 = arith.constant 10240 : i32
      %add3A_190 = arith.addi %add3A_189, %mul3A_188 : i32
      %get3A_191 = arith.index_cast %add3A_190 : i32 to index
      %get3A_192 = tpu.vector_load %arg5[%get3A_191] {strides = array<i32>} : memref<32768xi32, #tpu.memory_space<vmem>>, vector<16xi32>,
      %add3A_193 = arith.addi %add3A_186, %get3A_192 : vector<16xi32>
      %mul3A_194 = arith.constant 16 : i32
      %mul3A_195 = arith.muli %scan3A_155, %mul3A_194 : i32
      %add3A_196 = arith.constant 12288 : i32
      %add3A_197 = arith.addi %add3A_196, %mul3A_195 : i32
      %get3A_198 = arith.index_cast %add3A_197 : i32 to index
      %get3A_199 = tpu.vector_load %arg5[%get3A_198] {strides = array<i32>} : memref<32768xi32, #tpu.memory_space<vmem>>, vector<16xi32>,
      %add3A_200 = arith.addi %add3A_193, %get3A_199 : vector<16xi32>
      %mul3A_201 = arith.constant 16 : i32
      %mul3A_202 = arith.muli %scan3A_155, %mul3A_201 : i32
      %add3A_203 = arith.constant 14336 : i32
      %add3A_204 = arith.addi %add3A_203, %mul3A_202 : i32
      %get3A_205 = arith.index_cast %add3A_204 : i32 to index
      %get3A_206 = tpu.vector_load %arg5[%get3A_205] {strides = array<i32>} : memref<32768xi32, #tpu.memory_space<vmem>>, vector<16xi32>,
      %add3A_207 = arith.addi %add3A_200, %get3A_206 : vector<16xi32>
      %mul3A_208 = arith.constant 16 : i32
      %mul3A_209 = arith.muli %scan3A_155, %mul3A_208 : i32
      %add3A_210 = arith.constant 16384 : i32
      %add3A_211 = arith.addi %add3A_210, %mul3A_209 : i32
      %get3A_212 = arith.index_cast %add3A_211 : i32 to index
      %get3A_213 = tpu.vector_load %arg5[%get3A_212] {strides = array<i32>} : memref<32768xi32, #tpu.memory_space<vmem>>, vector<16xi32>,
      %add3A_214 = arith.addi %add3A_207, %get3A_213 : vector<16xi32>
      %mul3A_215 = arith.constant 16 : i32
      %mul3A_216 = arith.muli %scan3A_155, %mul3A_215 : i32
      %add3A_217 = arith.constant 18432 : i32
      %add3A_218 = arith.addi %add3A_217, %mul3A_216 : i32
      %get3A_219 = arith.index_cast %add3A_218 : i32 to index
      %get3A_220 = tpu.vector_load %arg5[%get3A_219] {strides = array<i32>} : memref<32768xi32, #tpu.memory_space<vmem>>, vector<16xi32>,
      %add3A_221 = arith.addi %add3A_214, %get3A_220 : vector<16xi32>
      %mul3A_222 = arith.constant 16 : i32
      %mul3A_223 = arith.muli %scan3A_155, %mul3A_222 : i32
      %add3A_224 = arith.constant 20480 : i32
      %add3A_225 = arith.addi %add3A_224, %mul3A_223 : i32
      %get3A_226 = arith.index_cast %add3A_225 : i32 to index
      %get3A_227 = tpu.vector_load %arg5[%get3A_226] {strides = array<i32>} : memref<32768xi32, #tpu.memory_space<vmem>>, vector<16xi32>,
      %add3A_228 = arith.addi %add3A_221, %get3A_227 : vector<16xi32>
      %mul3A_229 = arith.constant 16 : i32
      %mul3A_230 = arith.muli %scan3A_155, %mul3A_229 : i32
      %add3A_231 = arith.constant 22528 : i32
      %add3A_232 = arith.addi %add3A_231, %mul3A_230 : i32
      %get3A_233 = arith.index_cast %add3A_232 : i32 to index
      %get3A_234 = tpu.vector_load %arg5[%get3A_233] {strides = array<i32>} : memref<32768xi32, #tpu.memory_space<vmem>>, vector<16xi32>,
      %add3A_235 = arith.addi %add3A_228, %get3A_234 : vector<16xi32>
      %mul3A_236 = arith.constant 16 : i32
      %mul3A_237 = arith.muli %scan3A_155, %mul3A_236 : i32
      %add3A_238 = arith.constant 24576 : i32
      %add3A_239 = arith.addi %add3A_238, %mul3A_237 : i32
      %get3A_240 = arith.index_cast %add3A_239 : i32 to index
      %get3A_241 = tpu.vector_load %arg5[%get3A_240] {strides = array<i32>} : memref<32768xi32, #tpu.memory_space<vmem>>, vector<16xi32>,
      %add3A_242 = arith.addi %add3A_235, %get3A_241 : vector<16xi32>
      %mul3A_243 = arith.constant 16 : i32
      %mul3A_244 = arith.muli %scan3A_155, %mul3A_243 : i32
      %add3A_245 = arith.constant 26624 : i32
      %add3A_246 = arith.addi %add3A_245, %mul3A_244 : i32
      %get3A_247 = arith.index_cast %add3A_246 : i32 to index
      %get3A_248 = tpu.vector_load %arg5[%get3A_247] {strides = array<i32>} : memref<32768xi32, #tpu.memory_space<vmem>>, vector<16xi32>,
      %add3A_249 = arith.addi %add3A_242, %get3A_248 : vector<16xi32>
      %mul3A_250 = arith.constant 16 : i32
      %mul3A_251 = arith.muli %scan3A_155, %mul3A_250 : i32
      %add3A_252 = arith.constant 28672 : i32
      %add3A_253 = arith.addi %add3A_252, %mul3A_251 : i32
      %get3A_254 = arith.index_cast %add3A_253 : i32 to index
      %get3A_255 = tpu.vector_load %arg5[%get3A_254] {strides = array<i32>} : memref<32768xi32, #tpu.memory_space<vmem>>, vector<16xi32>,
      %add3A_256 = arith.addi %add3A_249, %get3A_255 : vector<16xi32>
      %mul3A_257 = arith.constant 16 : i32
      %mul3A_258 = arith.muli %scan3A_155, %mul3A_257 : i32
      %add3A_259 = arith.constant 30720 : i32
      %add3A_260 = arith.addi %add3A_259, %mul3A_258 : i32
      %get3A_261 = arith.index_cast %add3A_260 : i32 to index
      %get3A_262 = tpu.vector_load %arg5[%get3A_261] {strides = array<i32>} : memref<32768xi32, #tpu.memory_space<vmem>>, vector<16xi32>,
      %add3A_263 = arith.addi %add3A_256, %get3A_262 : vector<16xi32>
      %mul3A_264 = arith.constant 16 : i32
      %mul3A_265 = arith.muli %scan3A_155, %mul3A_264 : i32
      %swap3A = arith.index_cast %mul3A_265 : i32 to index
      %swap3A_266 = tpu.vector_load %arg6[%swap3A] {strides = array<i32>} : memref<2048xi32, #tpu.memory_space<vmem>>, vector<16xi32>,
      tpu.vector_store %arg6[%swap3A], %add3A_263 {strides = array<i32>} : memref<2048xi32, #tpu.memory_space<vmem>>, vector<16xi32>,
    }
    %scan3A_69 = arith.constant 128 : i32
    "tpu.region"() ({
      %run_scoped3A = tpu.sem_alloc : memref<!tpu.dma_semaphore, #tpu.memory_space<semaphore_mem>>
      %dma_start3A = arith.constant 0 : i32
      %dma_start3A_155 = tpu.memref_slice %arg9[%arg1, %dma_start3A] : memref<16x2048xi32, #tpu.memory_space<vmem_shared>> -> memref<1x2048xi32, #tpu.memory_space<vmem_shared>>
      %dma_start3A_156 = tpu.memref_squeeze %dma_start3A_155 : memref<1x2048xi32, #tpu.memory_space<vmem_shared>> -> memref<2048xi32, #tpu.memory_space<vmem_shared>>
      %dma_start3A_157 = arith.constant 0 : i32
      %dma_start3A_158 = tpu.memref_slice %arg9[%arg1, %dma_start3A_157] : memref<16x2048xi32, #tpu.memory_space<vmem_shared>> -> memref<1x2048xi32, #tpu.memory_space<vmem_shared>>
      %dma_start3A_159 = tpu.memref_squeeze %dma_start3A_158 : memref<1x2048xi32, #tpu.memory_space<vmem_shared>> -> memref<2048xi32, #tpu.memory_space<vmem_shared>>
      tpu.enqueue_dma source(%arg6 : memref<2048xi32, #tpu.memory_space<vmem>>) target(%dma_start3A_159 : memref<2048xi32, #tpu.memory_space<vmem_shared>>) target_semaphore(%run_scoped3A : memref<!tpu.dma_semaphore, #tpu.memory_space<semaphore_mem>>)
      %dma_wait3A = arith.constant 0 : i32
      %dma_wait3A_160 = tpu.memref_slice %arg9[%arg1, %dma_wait3A] : memref<16x2048xi32, #tpu.memory_space<vmem_shared>> -> memref<1x2048xi32, #tpu.memory_space<vmem_shared>>
      %dma_wait3A_161 = tpu.memref_squeeze %dma_wait3A_160 : memref<1x2048xi32, #tpu.memory_space<vmem_shared>> -> memref<2048xi32, #tpu.memory_space<vmem_shared>>
      %dma_wait3A_162 = arith.constant 0 : i32
      %dma_wait3A_163 = tpu.memref_slice %arg9[%arg1, %dma_wait3A_162] : memref<16x2048xi32, #tpu.memory_space<vmem_shared>> -> memref<1x2048xi32, #tpu.memory_space<vmem_shared>>
      %dma_wait3A_164 = tpu.memref_squeeze %dma_wait3A_163 : memref<1x2048xi32, #tpu.memory_space<vmem_shared>> -> memref<2048xi32, #tpu.memory_space<vmem_shared>>
      tpu.wait_dma2 semaphore(%run_scoped3A : memref<!tpu.dma_semaphore, #tpu.memory_space<semaphore_mem>>) src(%arg6 : memref<2048xi32, #tpu.memory_space<vmem>>) dst(%dma_wait3A_164 : memref<2048xi32, #tpu.memory_space<vmem_shared>>)
      tpu.yield
    }) : () -> ()
    %barrier3A = arith.constant 0 : index
    tpu.barrier barrier_id(%barrier3A)
    %add3A_70 = arith.constant 0 : i32
    %add3A_71 = arith.addi %sub3A_36, %add3A_70 : i32
    "tpu.region"() ({
      %run_scoped3A = tpu.sem_alloc : memref<!tpu.dma_semaphore, #tpu.memory_space<semaphore_mem>>
      %dma_start3A = arith.constant 0 : i32
      %dma_start3A_155 = tpu.memref_slice %arg7[%dma_start3A] : memref<8192xi32, #tpu.memory_space<vmem>> -> memref<2048xi32, #tpu.memory_space<vmem>>
      %dma_start3A_156 = arith.constant 0 : i32
      %dma_start3A_157 = tpu.memref_slice %arg9[%add3A_71, %dma_start3A_156] : memref<16x2048xi32, #tpu.memory_space<vmem_shared>> -> memref<1x2048xi32, #tpu.memory_space<vmem_shared>>
      %dma_start3A_158 = tpu.memref_squeeze %dma_start3A_157 : memref<1x2048xi32, #tpu.memory_space<vmem_shared>> -> memref<2048xi32, #tpu.memory_space<vmem_shared>>
      %dma_start3A_159 = arith.constant 0 : i32
      %dma_start3A_160 = tpu.memref_slice %arg7[%dma_start3A_159] : memref<8192xi32, #tpu.memory_space<vmem>> -> memref<2048xi32, #tpu.memory_space<vmem>>
      %dma_start3A_161 = arith.constant 0 : i32
      %dma_start3A_162 = tpu.memref_slice %arg9[%add3A_71, %dma_start3A_161] : memref<16x2048xi32, #tpu.memory_space<vmem_shared>> -> memref<1x2048xi32, #tpu.memory_space<vmem_shared>>
      %dma_start3A_163 = tpu.memref_squeeze %dma_start3A_162 : memref<1x2048xi32, #tpu.memory_space<vmem_shared>> -> memref<2048xi32, #tpu.memory_space<vmem_shared>>
      tpu.enqueue_dma source(%dma_start3A_163 : memref<2048xi32, #tpu.memory_space<vmem_shared>>) target(%dma_start3A_160 : memref<2048xi32, #tpu.memory_space<vmem>>) target_semaphore(%run_scoped3A : memref<!tpu.dma_semaphore, #tpu.memory_space<semaphore_mem>>)
      %dma_wait3A = arith.constant 0 : i32
      %dma_wait3A_164 = tpu.memref_slice %arg7[%dma_wait3A] : memref<8192xi32, #tpu.memory_space<vmem>> -> memref<2048xi32, #tpu.memory_space<vmem>>
      %dma_wait3A_165 = arith.constant 0 : i32
      %dma_wait3A_166 = tpu.memref_slice %arg9[%add3A_71, %dma_wait3A_165] : memref<16x2048xi32, #tpu.memory_space<vmem_shared>> -> memref<1x2048xi32, #tpu.memory_space<vmem_shared>>
      %dma_wait3A_167 = tpu.memref_squeeze %dma_wait3A_166 : memref<1x2048xi32, #tpu.memory_space<vmem_shared>> -> memref<2048xi32, #tpu.memory_space<vmem_shared>>
      %dma_wait3A_168 = arith.constant 0 : i32
      %dma_wait3A_169 = tpu.memref_slice %arg7[%dma_wait3A_168] : memref<8192xi32, #tpu.memory_space<vmem>> -> memref<2048xi32, #tpu.memory_space<vmem>>
      %dma_wait3A_170 = arith.constant 0 : i32
      %dma_wait3A_171 = tpu.memref_slice %arg9[%add3A_71, %dma_wait3A_170] : memref<16x2048xi32, #tpu.memory_space<vmem_shared>> -> memref<1x2048xi32, #tpu.memory_space<vmem_shared>>
      %dma_wait3A_172 = tpu.memref_squeeze %dma_wait3A_171 : memref<1x2048xi32, #tpu.memory_space<vmem_shared>> -> memref<2048xi32, #tpu.memory_space<vmem_shared>>
      tpu.wait_dma2 semaphore(%run_scoped3A : memref<!tpu.dma_semaphore, #tpu.memory_space<semaphore_mem>>) src(%dma_wait3A_172 : memref<2048xi32, #tpu.memory_space<vmem_shared>>) dst(%dma_wait3A_169 : memref<2048xi32, #tpu.memory_space<vmem>>)
      tpu.yield
    }) : () -> ()
    %add3A_72 = arith.constant 1 : i32
    %add3A_73 = arith.addi %sub3A_36, %add3A_72 : i32
    "tpu.region"() ({
      %run_scoped3A = tpu.sem_alloc : memref<!tpu.dma_semaphore, #tpu.memory_space<semaphore_mem>>
      %dma_start3A = arith.constant 2048 : i32
      %dma_start3A_155 = tpu.memref_slice %arg7[%dma_start3A] : memref<8192xi32, #tpu.memory_space<vmem>> -> memref<2048xi32, #tpu.memory_space<vmem>>
      %dma_start3A_156 = arith.constant 0 : i32
      %dma_start3A_157 = tpu.memref_slice %arg9[%add3A_73, %dma_start3A_156] : memref<16x2048xi32, #tpu.memory_space<vmem_shared>> -> memref<1x2048xi32, #tpu.memory_space<vmem_shared>>
      %dma_start3A_158 = tpu.memref_squeeze %dma_start3A_157 : memref<1x2048xi32, #tpu.memory_space<vmem_shared>> -> memref<2048xi32, #tpu.memory_space<vmem_shared>>
      %dma_start3A_159 = arith.constant 2048 : i32
      %dma_start3A_160 = tpu.memref_slice %arg7[%dma_start3A_159] : memref<8192xi32, #tpu.memory_space<vmem>> -> memref<2048xi32, #tpu.memory_space<vmem>>
      %dma_start3A_161 = arith.constant 0 : i32
      %dma_start3A_162 = tpu.memref_slice %arg9[%add3A_73, %dma_start3A_161] : memref<16x2048xi32, #tpu.memory_space<vmem_shared>> -> memref<1x2048xi32, #tpu.memory_space<vmem_shared>>
      %dma_start3A_163 = tpu.memref_squeeze %dma_start3A_162 : memref<1x2048xi32, #tpu.memory_space<vmem_shared>> -> memref<2048xi32, #tpu.memory_space<vmem_shared>>
      tpu.enqueue_dma source(%dma_start3A_163 : memref<2048xi32, #tpu.memory_space<vmem_shared>>) target(%dma_start3A_160 : memref<2048xi32, #tpu.memory_space<vmem>>) target_semaphore(%run_scoped3A : memref<!tpu.dma_semaphore, #tpu.memory_space<semaphore_mem>>)
      %dma_wait3A = arith.constant 2048 : i32
      %dma_wait3A_164 = tpu.memref_slice %arg7[%dma_wait3A] : memref<8192xi32, #tpu.memory_space<vmem>> -> memref<2048xi32, #tpu.memory_space<vmem>>
      %dma_wait3A_165 = arith.constant 0 : i32
      %dma_wait3A_166 = tpu.memref_slice %arg9[%add3A_73, %dma_wait3A_165] : memref<16x2048xi32, #tpu.memory_space<vmem_shared>> -> memref<1x2048xi32, #tpu.memory_space<vmem_shared>>
      %dma_wait3A_167 = tpu.memref_squeeze %dma_wait3A_166 : memref<1x2048xi32, #tpu.memory_space<vmem_shared>> -> memref<2048xi32, #tpu.memory_space<vmem_shared>>
      %dma_wait3A_168 = arith.constant 2048 : i32
      %dma_wait3A_169 = tpu.memref_slice %arg7[%dma_wait3A_168] : memref<8192xi32, #tpu.memory_space<vmem>> -> memref<2048xi32, #tpu.memory_space<vmem>>
      %dma_wait3A_170 = arith.constant 0 : i32
      %dma_wait3A_171 = tpu.memref_slice %arg9[%add3A_73, %dma_wait3A_170] : memref<16x2048xi32, #tpu.memory_space<vmem_shared>> -> memref<1x2048xi32, #tpu.memory_space<vmem_shared>>
      %dma_wait3A_172 = tpu.memref_squeeze %dma_wait3A_171 : memref<1x2048xi32, #tpu.memory_space<vmem_shared>> -> memref<2048xi32, #tpu.memory_space<vmem_shared>>
      tpu.wait_dma2 semaphore(%run_scoped3A : memref<!tpu.dma_semaphore, #tpu.memory_space<semaphore_mem>>) src(%dma_wait3A_172 : memref<2048xi32, #tpu.memory_space<vmem_shared>>) dst(%dma_wait3A_169 : memref<2048xi32, #tpu.memory_space<vmem>>)
      tpu.yield
    }) : () -> ()
    %add3A_74 = arith.constant 2 : i32
    %add3A_75 = arith.addi %sub3A_36, %add3A_74 : i32
    "tpu.region"() ({
      %run_scoped3A = tpu.sem_alloc : memref<!tpu.dma_semaphore, #tpu.memory_space<semaphore_mem>>
      %dma_start3A = arith.constant 4096 : i32
      %dma_start3A_155 = tpu.memref_slice %arg7[%dma_start3A] : memref<8192xi32, #tpu.memory_space<vmem>> -> memref<2048xi32, #tpu.memory_space<vmem>>
      %dma_start3A_156 = arith.constant 0 : i32
      %dma_start3A_157 = tpu.memref_slice %arg9[%add3A_75, %dma_start3A_156] : memref<16x2048xi32, #tpu.memory_space<vmem_shared>> -> memref<1x2048xi32, #tpu.memory_space<vmem_shared>>
      %dma_start3A_158 = tpu.memref_squeeze %dma_start3A_157 : memref<1x2048xi32, #tpu.memory_space<vmem_shared>> -> memref<2048xi32, #tpu.memory_space<vmem_shared>>
      %dma_start3A_159 = arith.constant 4096 : i32
      %dma_start3A_160 = tpu.memref_slice %arg7[%dma_start3A_159] : memref<8192xi32, #tpu.memory_space<vmem>> -> memref<2048xi32, #tpu.memory_space<vmem>>
      %dma_start3A_161 = arith.constant 0 : i32
      %dma_start3A_162 = tpu.memref_slice %arg9[%add3A_75, %dma_start3A_161] : memref<16x2048xi32, #tpu.memory_space<vmem_shared>> -> memref<1x2048xi32, #tpu.memory_space<vmem_shared>>
      %dma_start3A_163 = tpu.memref_squeeze %dma_start3A_162 : memref<1x2048xi32, #tpu.memory_space<vmem_shared>> -> memref<2048xi32, #tpu.memory_space<vmem_shared>>
      tpu.enqueue_dma source(%dma_start3A_163 : memref<2048xi32, #tpu.memory_space<vmem_shared>>) target(%dma_start3A_160 : memref<2048xi32, #tpu.memory_space<vmem>>) target_semaphore(%run_scoped3A : memref<!tpu.dma_semaphore, #tpu.memory_space<semaphore_mem>>)
      %dma_wait3A = arith.constant 4096 : i32
      %dma_wait3A_164 = tpu.memref_slice %arg7[%dma_wait3A] : memref<8192xi32, #tpu.memory_space<vmem>> -> memref<2048xi32, #tpu.memory_space<vmem>>
      %dma_wait3A_165 = arith.constant 0 : i32
      %dma_wait3A_166 = tpu.memref_slice %arg9[%add3A_75, %dma_wait3A_165] : memref<16x2048xi32, #tpu.memory_space<vmem_shared>> -> memref<1x2048xi32, #tpu.memory_space<vmem_shared>>
      %dma_wait3A_167 = tpu.memref_squeeze %dma_wait3A_166 : memref<1x2048xi32, #tpu.memory_space<vmem_shared>> -> memref<2048xi32, #tpu.memory_space<vmem_shared>>
      %dma_wait3A_168 = arith.constant 4096 : i32
      %dma_wait3A_169 = tpu.memref_slice %arg7[%dma_wait3A_168] : memref<8192xi32, #tpu.memory_space<vmem>> -> memref<2048xi32, #tpu.memory_space<vmem>>
      %dma_wait3A_170 = arith.constant 0 : i32
      %dma_wait3A_171 = tpu.memref_slice %arg9[%add3A_75, %dma_wait3A_170] : memref<16x2048xi32, #tpu.memory_space<vmem_shared>> -> memref<1x2048xi32, #tpu.memory_space<vmem_shared>>
      %dma_wait3A_172 = tpu.memref_squeeze %dma_wait3A_171 : memref<1x2048xi32, #tpu.memory_space<vmem_shared>> -> memref<2048xi32, #tpu.memory_space<vmem_shared>>
      tpu.wait_dma2 semaphore(%run_scoped3A : memref<!tpu.dma_semaphore, #tpu.memory_space<semaphore_mem>>) src(%dma_wait3A_172 : memref<2048xi32, #tpu.memory_space<vmem_shared>>) dst(%dma_wait3A_169 : memref<2048xi32, #tpu.memory_space<vmem>>)
      tpu.yield
    }) : () -> ()
    %add3A_76 = arith.constant 3 : i32
    %add3A_77 = arith.addi %sub3A_36, %add3A_76 : i32
    "tpu.region"() ({
      %run_scoped3A = tpu.sem_alloc : memref<!tpu.dma_semaphore, #tpu.memory_space<semaphore_mem>>
      %dma_start3A = arith.constant 6144 : i32
      %dma_start3A_155 = tpu.memref_slice %arg7[%dma_start3A] : memref<8192xi32, #tpu.memory_space<vmem>> -> memref<2048xi32, #tpu.memory_space<vmem>>
      %dma_start3A_156 = arith.constant 0 : i32
      %dma_start3A_157 = tpu.memref_slice %arg9[%add3A_77, %dma_start3A_156] : memref<16x2048xi32, #tpu.memory_space<vmem_shared>> -> memref<1x2048xi32, #tpu.memory_space<vmem_shared>>
      %dma_start3A_158 = tpu.memref_squeeze %dma_start3A_157 : memref<1x2048xi32, #tpu.memory_space<vmem_shared>> -> memref<2048xi32, #tpu.memory_space<vmem_shared>>
      %dma_start3A_159 = arith.constant 6144 : i32
      %dma_start3A_160 = tpu.memref_slice %arg7[%dma_start3A_159] : memref<8192xi32, #tpu.memory_space<vmem>> -> memref<2048xi32, #tpu.memory_space<vmem>>
      %dma_start3A_161 = arith.constant 0 : i32
      %dma_start3A_162 = tpu.memref_slice %arg9[%add3A_77, %dma_start3A_161] : memref<16x2048xi32, #tpu.memory_space<vmem_shared>> -> memref<1x2048xi32, #tpu.memory_space<vmem_shared>>
      %dma_start3A_163 = tpu.memref_squeeze %dma_start3A_162 : memref<1x2048xi32, #tpu.memory_space<vmem_shared>> -> memref<2048xi32, #tpu.memory_space<vmem_shared>>
      tpu.enqueue_dma source(%dma_start3A_163 : memref<2048xi32, #tpu.memory_space<vmem_shared>>) target(%dma_start3A_160 : memref<2048xi32, #tpu.memory_space<vmem>>) target_semaphore(%run_scoped3A : memref<!tpu.dma_semaphore, #tpu.memory_space<semaphore_mem>>)
      %dma_wait3A = arith.constant 6144 : i32
      %dma_wait3A_164 = tpu.memref_slice %arg7[%dma_wait3A] : memref<8192xi32, #tpu.memory_space<vmem>> -> memref<2048xi32, #tpu.memory_space<vmem>>
      %dma_wait3A_165 = arith.constant 0 : i32
      %dma_wait3A_166 = tpu.memref_slice %arg9[%add3A_77, %dma_wait3A_165] : memref<16x2048xi32, #tpu.memory_space<vmem_shared>> -> memref<1x2048xi32, #tpu.memory_space<vmem_shared>>
      %dma_wait3A_167 = tpu.memref_squeeze %dma_wait3A_166 : memref<1x2048xi32, #tpu.memory_space<vmem_shared>> -> memref<2048xi32, #tpu.memory_space<vmem_shared>>
      %dma_wait3A_168 = arith.constant 6144 : i32
      %dma_wait3A_169 = tpu.memref_slice %arg7[%dma_wait3A_168] : memref<8192xi32, #tpu.memory_space<vmem>> -> memref<2048xi32, #tpu.memory_space<vmem>>
      %dma_wait3A_170 = arith.constant 0 : i32
      %dma_wait3A_171 = tpu.memref_slice %arg9[%add3A_77, %dma_wait3A_170] : memref<16x2048xi32, #tpu.memory_space<vmem_shared>> -> memref<1x2048xi32, #tpu.memory_space<vmem_shared>>
      %dma_wait3A_172 = tpu.memref_squeeze %dma_wait3A_171 : memref<1x2048xi32, #tpu.memory_space<vmem_shared>> -> memref<2048xi32, #tpu.memory_space<vmem_shared>>
      tpu.wait_dma2 semaphore(%run_scoped3A : memref<!tpu.dma_semaphore, #tpu.memory_space<semaphore_mem>>) src(%dma_wait3A_172 : memref<2048xi32, #tpu.memory_space<vmem_shared>>) dst(%dma_wait3A_169 : memref<2048xi32, #tpu.memory_space<vmem>>)
      tpu.yield
    }) : () -> ()
    %barrier3A_78 = arith.constant 0 : index
    tpu.barrier barrier_id(%barrier3A_78)
    %scan3A_79 = arith.constant 0 : i32
    %scan3A_80 = arith.constant 0 : i32
    %scan3A_81 = arith.constant 128 : i32
    %scan3A_82 = arith.addi %scan3A_80, %scan3A_81 : i32
    %scan3A_83 = arith.constant 1 : i32
    scf.for %scan3A_155 = %scan3A_80 to %scan3A_82 step %scan3A_83  : i32 {
      %mul3A_156 = arith.constant 16 : i32
      %mul3A_157 = arith.muli %scan3A_155, %mul3A_156 : i32
      %get3A = arith.index_cast %mul3A_157 : i32 to index
      %get3A_158 = tpu.vector_load %arg7[%get3A] {strides = array<i32>} : memref<8192xi32, #tpu.memory_space<vmem>>, vector<16xi32>,
      %mul3A_159 = arith.constant 16 : i32
      %mul3A_160 = arith.muli %scan3A_155, %mul3A_159 : i32
      %add3A_161 = arith.constant 2048 : i32
      %add3A_162 = arith.addi %add3A_161, %mul3A_160 : i32
      %get3A_163 = arith.index_cast %add3A_162 : i32 to index
      %get3A_164 = tpu.vector_load %arg7[%get3A_163] {strides = array<i32>} : memref<8192xi32, #tpu.memory_space<vmem>>, vector<16xi32>,
      %add3A_165 = arith.addi %get3A_158, %get3A_164 : vector<16xi32>
      %mul3A_166 = arith.constant 16 : i32
      %mul3A_167 = arith.muli %scan3A_155, %mul3A_166 : i32
      %add3A_168 = arith.constant 4096 : i32
      %add3A_169 = arith.addi %add3A_168, %mul3A_167 : i32
      %get3A_170 = arith.index_cast %add3A_169 : i32 to index
      %get3A_171 = tpu.vector_load %arg7[%get3A_170] {strides = array<i32>} : memref<8192xi32, #tpu.memory_space<vmem>>, vector<16xi32>,
      %add3A_172 = arith.addi %add3A_165, %get3A_171 : vector<16xi32>
      %mul3A_173 = arith.constant 16 : i32
      %mul3A_174 = arith.muli %scan3A_155, %mul3A_173 : i32
      %add3A_175 = arith.constant 6144 : i32
      %add3A_176 = arith.addi %add3A_175, %mul3A_174 : i32
      %get3A_177 = arith.index_cast %add3A_176 : i32 to index
      %get3A_178 = tpu.vector_load %arg7[%get3A_177] {strides = array<i32>} : memref<8192xi32, #tpu.memory_space<vmem>>, vector<16xi32>,
      %add3A_179 = arith.addi %add3A_172, %get3A_178 : vector<16xi32>
      %mul3A_180 = arith.constant 16 : i32
      %mul3A_181 = arith.muli %scan3A_155, %mul3A_180 : i32
      %swap3A = arith.index_cast %mul3A_181 : i32 to index
      %swap3A_182 = tpu.vector_load %arg6[%swap3A] {strides = array<i32>} : memref<2048xi32, #tpu.memory_space<vmem>>, vector<16xi32>,
      tpu.vector_store %arg6[%swap3A], %add3A_179 {strides = array<i32>} : memref<2048xi32, #tpu.memory_space<vmem>>, vector<16xi32>,
    }
    %scan3A_84 = arith.constant 128 : i32
    %scan3A_85 = arith.constant 0 : i32
    %scan3A_86 = arith.constant 0 : i32
    %scan3A_87 = arith.constant 0 : i32
    %scan3A_88 = arith.constant 0 : i32
    %scan3A_89 = arith.constant 0 : i32
    %scan3A_90 = arith.constant 128 : i32
    %scan3A_91 = arith.addi %scan3A_89, %scan3A_90 : i32
    %scan3A_92 = arith.constant 1 : i32
    %scan3A_93:4 = scf.for %scan3A_155 = %scan3A_89 to %scan3A_91 step %scan3A_92 iter_args(%scan3A_156 = %scan3A_85, %scan3A_157 = %scan3A_86, %scan3A_158 = %scan3A_87, %scan3A_159 = %scan3A_88) -> (i32, i32, i32, i32)  : i32 {
      %sub3A_160 = arith.constant 127 : i32
      %sub3A_161 = arith.subi %sub3A_160, %scan3A_155 : i32
      %mul3A_162 = arith.constant 16 : i32
      %mul3A_163 = arith.muli %sub3A_161, %mul3A_162 : i32
      %get3A = arith.index_cast %mul3A_163 : i32 to index
      %get3A_164 = tpu.vector_load %arg6[%get3A] {strides = array<i32>} : memref<2048xi32, #tpu.memory_space<vmem>>, vector<16xi32>,
      %rev3A = arith.constant 15 : i32
      %rev3A_165 = vector.broadcast %rev3A : i32 to vector<16xi32>
      %rev3A_166 = tpu.iota {dimensions = array<i32: 0>} : vector<16xi32>
      %rev3A_167 = arith.subi %rev3A_165, %rev3A_166 : vector<16xi32>
      %rev3A_168 = tpu.dynamic_gather %get3A_164[%rev3A_167] in [0] : vector<16xi32>, vector<16xi32> -> vector<16xi32>
      %broadcast_in_dim3A_169 = arith.constant true
      %broadcast_in_dim3A_170 = vector.broadcast %broadcast_in_dim3A_169 : i1 to vector<16xi1>
      %masked_cumsum3A = tpu.scan <sum>, %rev3A_168 masked %broadcast_in_dim3A_170 : vector<16xi32>, vector<16xi1> -> vector<16xi32>
      %add3A_171 = vector.broadcast %scan3A_159 : i32 to vector<16xi32>
      %add3A_172 = arith.addi %add3A_171, %masked_cumsum3A : vector<16xi32>
      %sub3A_173 = arith.subi %add3A_172, %rev3A_168 : vector<16xi32>
      %ge3A = arith.constant 52429 : i32
      %ge3A_174 = vector.broadcast %ge3A : i32 to vector<16xi32>
      %ge3A_175 = arith.cmpi sge, %add3A_172, %ge3A_174 : vector<16xi32>
      %jit3A_176 = arith.constant 16 : i32
      %broadcast_in_dim3A_177 = vector.broadcast %jit3A_176 : i32 to vector<16xi32>
      %select_n3A_178 = arith.select %ge3A_175, %iota3A, %broadcast_in_dim3A_177 : vector<16xi1>, vector<16xi32>
      %reduce_min3A = arith.constant true
      %reduce_min3A_179 = vector.broadcast %reduce_min3A : i1 to vector<16xi1>
      %reduce_min3A_180 = arith.constant -2147483648 : i32
      %reduce_min3A_181 = vector.broadcast %reduce_min3A_180 : i32 to vector<16xi32>
      %reduce_min3A_182 = arith.xori %select_n3A_178, %reduce_min3A_181 : vector<16xi32>
      %reduce_min3A_183 = tpu.scan <min>, %reduce_min3A_182 masked %reduce_min3A_179 : vector<16xi32>, vector<16xi1> -> vector<16xi32>
      %reduce_min3A_184 = arith.xori %reduce_min3A_183, %reduce_min3A_181 : vector<16xi32>
      %reduce_min3A_185 = vector.extract %reduce_min3A_184[15] : i32 from vector<16xi32>
      %lt3A_186 = arith.constant 16 : i32
      %lt3A_187 = arith.cmpi slt, %reduce_min3A_185, %lt3A_186 : i32
      %mul3A_188 = arith.constant 16 : i32
      %mul3A_189 = arith.muli %sub3A_161, %mul3A_188 : i32
      %add3A_190 = arith.constant 15 : i32
      %add3A_191 = arith.addi %mul3A_189, %add3A_190 : i32
      %sub3A_192 = arith.subi %add3A_191, %reduce_min3A_185 : i32
      %eq3A_193 = vector.broadcast %reduce_min3A_185 : i32 to vector<16xi32>
      %eq3A_194 = arith.cmpi eq, %iota3A, %eq3A_193 : vector<16xi32>
      %jit3A_195 = arith.constant 0 : i32
      %broadcast_in_dim3A_196 = vector.broadcast %jit3A_195 : i32 to vector<16xi32>
      %select_n3A_197 = arith.select %eq3A_194, %sub3A_173, %broadcast_in_dim3A_196 : vector<16xi1>, vector<16xi32>
      %reduce_sum3A = arith.constant true
      %reduce_sum3A_198 = vector.broadcast %reduce_sum3A : i1 to vector<16xi1>
      %reduce_sum3A_199 = tpu.scan <sum>, %select_n3A_197 masked %reduce_sum3A_198 : vector<16xi32>, vector<16xi1> -> vector<16xi32>
      %reduce_sum3A_200 = vector.extract %reduce_sum3A_199[15] : i32 from vector<16xi32>
      %eq3A_201 = arith.constant 0 : i32
      %eq3A_202 = arith.cmpi eq, %scan3A_156, %eq3A_201 : i32
      %and3A_203 = arith.andi %lt3A_187, %eq3A_202 : i1
      %jit3A_204 = arith.constant 1 : i32
      %select_n3A_205 = arith.select %and3A_203, %jit3A_204, %scan3A_156 : i32
      %select_n3A_206 = arith.select %and3A_203, %sub3A_192, %scan3A_157 : i32
      %select_n3A_207 = arith.select %and3A_203, %reduce_sum3A_200, %scan3A_158 : i32
      %reduce_sum3A_208 = arith.constant true
      %reduce_sum3A_209 = vector.broadcast %reduce_sum3A_208 : i1 to vector<16xi1>
      %reduce_sum3A_210 = tpu.scan <sum>, %get3A_164 masked %reduce_sum3A_209 : vector<16xi32>, vector<16xi1> -> vector<16xi32>
      %reduce_sum3A_211 = vector.extract %reduce_sum3A_210[15] : i32 from vector<16xi32>
      %add3A_212 = arith.addi %scan3A_159, %reduce_sum3A_211 : i32
      scf.yield %select_n3A_205, %select_n3A_206, %select_n3A_207, %add3A_212 : i32, i32, i32, i32
    }
    %scan3A_94 = arith.constant 128 : i32
    %scan3A_95 = arith.constant 0 : i32
    %scan3A_96 = arith.constant 0 : i32
    %scan3A_97 = arith.constant 2048 : i32
    %scan3A_98 = arith.addi %scan3A_96, %scan3A_97 : i32
    %scan3A_99 = arith.constant 1 : i32
    scf.for %scan3A_155 = %scan3A_96 to %scan3A_98 step %scan3A_99  : i32 {
      %mul3A_156 = arith.constant 16 : i32
      %mul3A_157 = arith.muli %scan3A_155, %mul3A_156 : i32
      %swap3A = arith.index_cast %mul3A_157 : i32 to index
      %swap3A_158 = tpu.vector_load %arg5[%swap3A] {strides = array<i32>} : memref<32768xi32, #tpu.memory_space<vmem>>, vector<16xi32>,
      tpu.vector_store %arg5[%swap3A], %broadcast_in_dim3A_42 {strides = array<i32>} : memref<32768xi32, #tpu.memory_space<vmem>>, vector<16xi32>,
    }
    %scan3A_100 = arith.constant 2048 : i32
    %add3A_101 = arith.constant 0 : i32
    %add3A_102 = arith.addi %add3A_35, %add3A_101 : i32
    "tpu.region"() ({
      %run_scoped3A = tpu.sem_alloc : memref<!tpu.dma_semaphore, #tpu.memory_space<semaphore_mem>>
      %dma_start3A = tpu.memref_slice %arg2[%add3A_102] : memref<2097152xi32, #tpu.memory_space<hbm>> -> memref<32768xi32, #tpu.memory_space<hbm>>
      %dma_start3A_155 = tpu.memref_slice %arg2[%add3A_102] : memref<2097152xi32, #tpu.memory_space<hbm>> -> memref<32768xi32, #tpu.memory_space<hbm>>
      tpu.enqueue_dma source(%dma_start3A_155 : memref<32768xi32, #tpu.memory_space<hbm>>) target(%arg4 : memref<32768xi32, #tpu.memory_space<vmem>>) target_semaphore(%run_scoped3A : memref<!tpu.dma_semaphore, #tpu.memory_space<semaphore_mem>>)
      %dma_wait3A = tpu.memref_slice %arg2[%add3A_102] : memref<2097152xi32, #tpu.memory_space<hbm>> -> memref<32768xi32, #tpu.memory_space<hbm>>
      %dma_wait3A_156 = tpu.memref_slice %arg2[%add3A_102] : memref<2097152xi32, #tpu.memory_space<hbm>> -> memref<32768xi32, #tpu.memory_space<hbm>>
      tpu.wait_dma2 semaphore(%run_scoped3A : memref<!tpu.dma_semaphore, #tpu.memory_space<semaphore_mem>>) src(%dma_wait3A_156 : memref<32768xi32, #tpu.memory_space<hbm>>) dst(%arg4 : memref<32768xi32, #tpu.memory_space<vmem>>)
      tpu.yield
    }) : () -> ()
    %scan3A_103 = arith.constant 0 : i32
    %scan3A_104 = arith.constant 256 : i32
    %scan3A_105 = arith.addi %scan3A_103, %scan3A_104 : i32
    %scan3A_106 = arith.constant 1 : i32
    scf.for %scan3A_155 = %scan3A_103 to %scan3A_105 step %scan3A_106  : i32 {
      %mul3A_156 = arith.constant 8 : i32
      %mul3A_157 = arith.muli %scan3A_155, %mul3A_156 : i32
      %add3A_158 = arith.constant 0 : i32
      %add3A_159 = arith.addi %mul3A_157, %add3A_158 : i32
      %mul3A_160 = arith.constant 16 : i32
      %mul3A_161 = arith.muli %add3A_159, %mul3A_160 : i32
      %get3A = arith.index_cast %mul3A_161 : i32 to index
      %get3A_162 = tpu.vector_load %arg4[%get3A] {strides = array<i32>} : memref<32768xi32, #tpu.memory_space<vmem>>, vector<16xi32>,
      %shift_right_arithmetic3A = arith.constant 20 : i32
      %shift_right_arithmetic3A_163 = vector.broadcast %shift_right_arithmetic3A : i32 to vector<16xi32>
      %shift_right_arithmetic3A_164 = arith.shrsi %get3A_162, %shift_right_arithmetic3A_163 : vector<16xi32>
      %eq3A_165 = vector.broadcast %scan3A_93#1 : i32 to vector<16xi32>
      %eq3A_166 = arith.cmpi eq, %shift_right_arithmetic3A_164, %eq3A_165 : vector<16xi32>
      %shift_right_arithmetic3A_167 = arith.constant 9 : i32
      %shift_right_arithmetic3A_168 = vector.broadcast %shift_right_arithmetic3A_167 : i32 to vector<16xi32>
      %shift_right_arithmetic3A_169 = arith.shrsi %get3A_162, %shift_right_arithmetic3A_168 : vector<16xi32>
      %and3A_170 = arith.constant 2047 : i32
      %and3A_171 = vector.broadcast %and3A_170 : i32 to vector<16xi32>
      %and3A_172 = arith.andi %shift_right_arithmetic3A_169, %and3A_171 : vector<16xi32>
      %add3A_173 = arith.addi %mul3A_39, %and3A_172 : vector<16xi32>
      tpu.vector_store_idx %arg5[%add3A_173], %broadcast_in_dim3A_40 masked %eq3A_166 {add = true} : memref<32768xi32, #tpu.memory_space<vmem>>[vector<16xi32>], vector<16xi32>, vector<16xi1>
      %mul3A_174 = arith.constant 8 : i32
      %mul3A_175 = arith.muli %scan3A_155, %mul3A_174 : i32
      %add3A_176 = arith.constant 1 : i32
      %add3A_177 = arith.addi %mul3A_175, %add3A_176 : i32
      %mul3A_178 = arith.constant 16 : i32
      %mul3A_179 = arith.muli %add3A_177, %mul3A_178 : i32
      %get3A_180 = arith.index_cast %mul3A_179 : i32 to index
      %get3A_181 = tpu.vector_load %arg4[%get3A_180] {strides = array<i32>} : memref<32768xi32, #tpu.memory_space<vmem>>, vector<16xi32>,
      %shift_right_arithmetic3A_182 = arith.constant 20 : i32
      %shift_right_arithmetic3A_183 = vector.broadcast %shift_right_arithmetic3A_182 : i32 to vector<16xi32>
      %shift_right_arithmetic3A_184 = arith.shrsi %get3A_181, %shift_right_arithmetic3A_183 : vector<16xi32>
      %eq3A_185 = vector.broadcast %scan3A_93#1 : i32 to vector<16xi32>
      %eq3A_186 = arith.cmpi eq, %shift_right_arithmetic3A_184, %eq3A_185 : vector<16xi32>
      %shift_right_arithmetic3A_187 = arith.constant 9 : i32
      %shift_right_arithmetic3A_188 = vector.broadcast %shift_right_arithmetic3A_187 : i32 to vector<16xi32>
      %shift_right_arithmetic3A_189 = arith.shrsi %get3A_181, %shift_right_arithmetic3A_188 : vector<16xi32>
      %and3A_190 = arith.constant 2047 : i32
      %and3A_191 = vector.broadcast %and3A_190 : i32 to vector<16xi32>
      %and3A_192 = arith.andi %shift_right_arithmetic3A_189, %and3A_191 : vector<16xi32>
      %add3A_193 = arith.addi %mul3A_39, %and3A_192 : vector<16xi32>
      tpu.vector_store_idx %arg5[%add3A_193], %broadcast_in_dim3A_40 masked %eq3A_186 {add = true} : memref<32768xi32, #tpu.memory_space<vmem>>[vector<16xi32>], vector<16xi32>, vector<16xi1>
      %mul3A_194 = arith.constant 8 : i32
      %mul3A_195 = arith.muli %scan3A_155, %mul3A_194 : i32
      %add3A_196 = arith.constant 2 : i32
      %add3A_197 = arith.addi %mul3A_195, %add3A_196 : i32
      %mul3A_198 = arith.constant 16 : i32
      %mul3A_199 = arith.muli %add3A_197, %mul3A_198 : i32
      %get3A_200 = arith.index_cast %mul3A_199 : i32 to index
      %get3A_201 = tpu.vector_load %arg4[%get3A_200] {strides = array<i32>} : memref<32768xi32, #tpu.memory_space<vmem>>, vector<16xi32>,
      %shift_right_arithmetic3A_202 = arith.constant 20 : i32
      %shift_right_arithmetic3A_203 = vector.broadcast %shift_right_arithmetic3A_202 : i32 to vector<16xi32>
      %shift_right_arithmetic3A_204 = arith.shrsi %get3A_201, %shift_right_arithmetic3A_203 : vector<16xi32>
      %eq3A_205 = vector.broadcast %scan3A_93#1 : i32 to vector<16xi32>
      %eq3A_206 = arith.cmpi eq, %shift_right_arithmetic3A_204, %eq3A_205 : vector<16xi32>
      %shift_right_arithmetic3A_207 = arith.constant 9 : i32
      %shift_right_arithmetic3A_208 = vector.broadcast %shift_right_arithmetic3A_207 : i32 to vector<16xi32>
      %shift_right_arithmetic3A_209 = arith.shrsi %get3A_201, %shift_right_arithmetic3A_208 : vector<16xi32>
      %and3A_210 = arith.constant 2047 : i32
      %and3A_211 = vector.broadcast %and3A_210 : i32 to vector<16xi32>
      %and3A_212 = arith.andi %shift_right_arithmetic3A_209, %and3A_211 : vector<16xi32>
      %add3A_213 = arith.addi %mul3A_39, %and3A_212 : vector<16xi32>
      tpu.vector_store_idx %arg5[%add3A_213], %broadcast_in_dim3A_40 masked %eq3A_206 {add = true} : memref<32768xi32, #tpu.memory_space<vmem>>[vector<16xi32>], vector<16xi32>, vector<16xi1>
      %mul3A_214 = arith.constant 8 : i32
      %mul3A_215 = arith.muli %scan3A_155, %mul3A_214 : i32
      %add3A_216 = arith.constant 3 : i32
      %add3A_217 = arith.addi %mul3A_215, %add3A_216 : i32
      %mul3A_218 = arith.constant 16 : i32
      %mul3A_219 = arith.muli %add3A_217, %mul3A_218 : i32
      %get3A_220 = arith.index_cast %mul3A_219 : i32 to index
      %get3A_221 = tpu.vector_load %arg4[%get3A_220] {strides = array<i32>} : memref<32768xi32, #tpu.memory_space<vmem>>, vector<16xi32>,
      %shift_right_arithmetic3A_222 = arith.constant 20 : i32
      %shift_right_arithmetic3A_223 = vector.broadcast %shift_right_arithmetic3A_222 : i32 to vector<16xi32>
      %shift_right_arithmetic3A_224 = arith.shrsi %get3A_221, %shift_right_arithmetic3A_223 : vector<16xi32>
      %eq3A_225 = vector.broadcast %scan3A_93#1 : i32 to vector<16xi32>
      %eq3A_226 = arith.cmpi eq, %shift_right_arithmetic3A_224, %eq3A_225 : vector<16xi32>
      %shift_right_arithmetic3A_227 = arith.constant 9 : i32
      %shift_right_arithmetic3A_228 = vector.broadcast %shift_right_arithmetic3A_227 : i32 to vector<16xi32>
      %shift_right_arithmetic3A_229 = arith.shrsi %get3A_221, %shift_right_arithmetic3A_228 : vector<16xi32>
      %and3A_230 = arith.constant 2047 : i32
      %and3A_231 = vector.broadcast %and3A_230 : i32 to vector<16xi32>
      %and3A_232 = arith.andi %shift_right_arithmetic3A_229, %and3A_231 : vector<16xi32>
      %add3A_233 = arith.addi %mul3A_39, %and3A_232 : vector<16xi32>
      tpu.vector_store_idx %arg5[%add3A_233], %broadcast_in_dim3A_40 masked %eq3A_226 {add = true} : memref<32768xi32, #tpu.memory_space<vmem>>[vector<16xi32>], vector<16xi32>, vector<16xi1>
      %mul3A_234 = arith.constant 8 : i32
      %mul3A_235 = arith.muli %scan3A_155, %mul3A_234 : i32
      %add3A_236 = arith.constant 4 : i32
      %add3A_237 = arith.addi %mul3A_235, %add3A_236 : i32
      %mul3A_238 = arith.constant 16 : i32
      %mul3A_239 = arith.muli %add3A_237, %mul3A_238 : i32
      %get3A_240 = arith.index_cast %mul3A_239 : i32 to index
      %get3A_241 = tpu.vector_load %arg4[%get3A_240] {strides = array<i32>} : memref<32768xi32, #tpu.memory_space<vmem>>, vector<16xi32>,
      %shift_right_arithmetic3A_242 = arith.constant 20 : i32
      %shift_right_arithmetic3A_243 = vector.broadcast %shift_right_arithmetic3A_242 : i32 to vector<16xi32>
      %shift_right_arithmetic3A_244 = arith.shrsi %get3A_241, %shift_right_arithmetic3A_243 : vector<16xi32>
      %eq3A_245 = vector.broadcast %scan3A_93#1 : i32 to vector<16xi32>
      %eq3A_246 = arith.cmpi eq, %shift_right_arithmetic3A_244, %eq3A_245 : vector<16xi32>
      %shift_right_arithmetic3A_247 = arith.constant 9 : i32
      %shift_right_arithmetic3A_248 = vector.broadcast %shift_right_arithmetic3A_247 : i32 to vector<16xi32>
      %shift_right_arithmetic3A_249 = arith.shrsi %get3A_241, %shift_right_arithmetic3A_248 : vector<16xi32>
      %and3A_250 = arith.constant 2047 : i32
      %and3A_251 = vector.broadcast %and3A_250 : i32 to vector<16xi32>
      %and3A_252 = arith.andi %shift_right_arithmetic3A_249, %and3A_251 : vector<16xi32>
      %add3A_253 = arith.addi %mul3A_39, %and3A_252 : vector<16xi32>
      tpu.vector_store_idx %arg5[%add3A_253], %broadcast_in_dim3A_40 masked %eq3A_246 {add = true} : memref<32768xi32, #tpu.memory_space<vmem>>[vector<16xi32>], vector<16xi32>, vector<16xi1>
      %mul3A_254 = arith.constant 8 : i32
      %mul3A_255 = arith.muli %scan3A_155, %mul3A_254 : i32
      %add3A_256 = arith.constant 5 : i32
      %add3A_257 = arith.addi %mul3A_255, %add3A_256 : i32
      %mul3A_258 = arith.constant 16 : i32
      %mul3A_259 = arith.muli %add3A_257, %mul3A_258 : i32
      %get3A_260 = arith.index_cast %mul3A_259 : i32 to index
      %get3A_261 = tpu.vector_load %arg4[%get3A_260] {strides = array<i32>} : memref<32768xi32, #tpu.memory_space<vmem>>, vector<16xi32>,
      %shift_right_arithmetic3A_262 = arith.constant 20 : i32
      %shift_right_arithmetic3A_263 = vector.broadcast %shift_right_arithmetic3A_262 : i32 to vector<16xi32>
      %shift_right_arithmetic3A_264 = arith.shrsi %get3A_261, %shift_right_arithmetic3A_263 : vector<16xi32>
      %eq3A_265 = vector.broadcast %scan3A_93#1 : i32 to vector<16xi32>
      %eq3A_266 = arith.cmpi eq, %shift_right_arithmetic3A_264, %eq3A_265 : vector<16xi32>
      %shift_right_arithmetic3A_267 = arith.constant 9 : i32
      %shift_right_arithmetic3A_268 = vector.broadcast %shift_right_arithmetic3A_267 : i32 to vector<16xi32>
      %shift_right_arithmetic3A_269 = arith.shrsi %get3A_261, %shift_right_arithmetic3A_268 : vector<16xi32>
      %and3A_270 = arith.constant 2047 : i32
      %and3A_271 = vector.broadcast %and3A_270 : i32 to vector<16xi32>
      %and3A_272 = arith.andi %shift_right_arithmetic3A_269, %and3A_271 : vector<16xi32>
      %add3A_273 = arith.addi %mul3A_39, %and3A_272 : vector<16xi32>
      tpu.vector_store_idx %arg5[%add3A_273], %broadcast_in_dim3A_40 masked %eq3A_266 {add = true} : memref<32768xi32, #tpu.memory_space<vmem>>[vector<16xi32>], vector<16xi32>, vector<16xi1>
      %mul3A_274 = arith.constant 8 : i32
      %mul3A_275 = arith.muli %scan3A_155, %mul3A_274 : i32
      %add3A_276 = arith.constant 6 : i32
      %add3A_277 = arith.addi %mul3A_275, %add3A_276 : i32
      %mul3A_278 = arith.constant 16 : i32
      %mul3A_279 = arith.muli %add3A_277, %mul3A_278 : i32
      %get3A_280 = arith.index_cast %mul3A_279 : i32 to index
      %get3A_281 = tpu.vector_load %arg4[%get3A_280] {strides = array<i32>} : memref<32768xi32, #tpu.memory_space<vmem>>, vector<16xi32>,
      %shift_right_arithmetic3A_282 = arith.constant 20 : i32
      %shift_right_arithmetic3A_283 = vector.broadcast %shift_right_arithmetic3A_282 : i32 to vector<16xi32>
      %shift_right_arithmetic3A_284 = arith.shrsi %get3A_281, %shift_right_arithmetic3A_283 : vector<16xi32>
      %eq3A_285 = vector.broadcast %scan3A_93#1 : i32 to vector<16xi32>
      %eq3A_286 = arith.cmpi eq, %shift_right_arithmetic3A_284, %eq3A_285 : vector<16xi32>
      %shift_right_arithmetic3A_287 = arith.constant 9 : i32
      %shift_right_arithmetic3A_288 = vector.broadcast %shift_right_arithmetic3A_287 : i32 to vector<16xi32>
      %shift_right_arithmetic3A_289 = arith.shrsi %get3A_281, %shift_right_arithmetic3A_288 : vector<16xi32>
      %and3A_290 = arith.constant 2047 : i32
      %and3A_291 = vector.broadcast %and3A_290 : i32 to vector<16xi32>
      %and3A_292 = arith.andi %shift_right_arithmetic3A_289, %and3A_291 : vector<16xi32>
      %add3A_293 = arith.addi %mul3A_39, %and3A_292 : vector<16xi32>
      tpu.vector_store_idx %arg5[%add3A_293], %broadcast_in_dim3A_40 masked %eq3A_286 {add = true} : memref<32768xi32, #tpu.memory_space<vmem>>[vector<16xi32>], vector<16xi32>, vector<16xi1>
      %mul3A_294 = arith.constant 8 : i32
      %mul3A_295 = arith.muli %scan3A_155, %mul3A_294 : i32
      %add3A_296 = arith.constant 7 : i32
      %add3A_297 = arith.addi %mul3A_295, %add3A_296 : i32
      %mul3A_298 = arith.constant 16 : i32
      %mul3A_299 = arith.muli %add3A_297, %mul3A_298 : i32
      %get3A_300 = arith.index_cast %mul3A_299 : i32 to index
      %get3A_301 = tpu.vector_load %arg4[%get3A_300] {strides = array<i32>} : memref<32768xi32, #tpu.memory_space<vmem>>, vector<16xi32>,
      %shift_right_arithmetic3A_302 = arith.constant 20 : i32
      %shift_right_arithmetic3A_303 = vector.broadcast %shift_right_arithmetic3A_302 : i32 to vector<16xi32>
      %shift_right_arithmetic3A_304 = arith.shrsi %get3A_301, %shift_right_arithmetic3A_303 : vector<16xi32>
      %eq3A_305 = vector.broadcast %scan3A_93#1 : i32 to vector<16xi32>
      %eq3A_306 = arith.cmpi eq, %shift_right_arithmetic3A_304, %eq3A_305 : vector<16xi32>
      %shift_right_arithmetic3A_307 = arith.constant 9 : i32
      %shift_right_arithmetic3A_308 = vector.broadcast %shift_right_arithmetic3A_307 : i32 to vector<16xi32>
      %shift_right_arithmetic3A_309 = arith.shrsi %get3A_301, %shift_right_arithmetic3A_308 : vector<16xi32>
      %and3A_310 = arith.constant 2047 : i32
      %and3A_311 = vector.broadcast %and3A_310 : i32 to vector<16xi32>
      %and3A_312 = arith.andi %shift_right_arithmetic3A_309, %and3A_311 : vector<16xi32>
      %add3A_313 = arith.addi %mul3A_39, %and3A_312 : vector<16xi32>
      tpu.vector_store_idx %arg5[%add3A_313], %broadcast_in_dim3A_40 masked %eq3A_306 {add = true} : memref<32768xi32, #tpu.memory_space<vmem>>[vector<16xi32>], vector<16xi32>, vector<16xi1>
    }
    %scan3A_107 = arith.constant 256 : i32
    %add3A_108 = arith.constant 32768 : i32
    %add3A_109 = arith.addi %add3A_35, %add3A_108 : i32
    "tpu.region"() ({
      %run_scoped3A = tpu.sem_alloc : memref<!tpu.dma_semaphore, #tpu.memory_space<semaphore_mem>>
      %dma_start3A = tpu.memref_slice %arg2[%add3A_109] : memref<2097152xi32, #tpu.memory_space<hbm>> -> memref<32768xi32, #tpu.memory_space<hbm>>
      %dma_start3A_155 = tpu.memref_slice %arg2[%add3A_109] : memref<2097152xi32, #tpu.memory_space<hbm>> -> memref<32768xi32, #tpu.memory_space<hbm>>
      tpu.enqueue_dma source(%dma_start3A_155 : memref<32768xi32, #tpu.memory_space<hbm>>) target(%arg4 : memref<32768xi32, #tpu.memory_space<vmem>>) target_semaphore(%run_scoped3A : memref<!tpu.dma_semaphore, #tpu.memory_space<semaphore_mem>>)
      %dma_wait3A = tpu.memref_slice %arg2[%add3A_109] : memref<2097152xi32, #tpu.memory_space<hbm>> -> memref<32768xi32, #tpu.memory_space<hbm>>
      %dma_wait3A_156 = tpu.memref_slice %arg2[%add3A_109] : memref<2097152xi32, #tpu.memory_space<hbm>> -> memref<32768xi32, #tpu.memory_space<hbm>>
      tpu.wait_dma2 semaphore(%run_scoped3A : memref<!tpu.dma_semaphore, #tpu.memory_space<semaphore_mem>>) src(%dma_wait3A_156 : memref<32768xi32, #tpu.memory_space<hbm>>) dst(%arg4 : memref<32768xi32, #tpu.memory_space<vmem>>)
      tpu.yield
    }) : () -> ()
    %scan3A_110 = arith.constant 0 : i32
    %scan3A_111 = arith.constant 256 : i32
    %scan3A_112 = arith.addi %scan3A_110, %scan3A_111 : i32
    %scan3A_113 = arith.constant 1 : i32
    scf.for %scan3A_155 = %scan3A_110 to %scan3A_112 step %scan3A_113  : i32 {
      %mul3A_156 = arith.constant 8 : i32
      %mul3A_157 = arith.muli %scan3A_155, %mul3A_156 : i32
      %add3A_158 = arith.constant 0 : i32
      %add3A_159 = arith.addi %mul3A_157, %add3A_158 : i32
      %mul3A_160 = arith.constant 16 : i32
      %mul3A_161 = arith.muli %add3A_159, %mul3A_160 : i32
      %get3A = arith.index_cast %mul3A_161 : i32 to index
      %get3A_162 = tpu.vector_load %arg4[%get3A] {strides = array<i32>} : memref<32768xi32, #tpu.memory_space<vmem>>, vector<16xi32>,
      %shift_right_arithmetic3A = arith.constant 20 : i32
      %shift_right_arithmetic3A_163 = vector.broadcast %shift_right_arithmetic3A : i32 to vector<16xi32>
      %shift_right_arithmetic3A_164 = arith.shrsi %get3A_162, %shift_right_arithmetic3A_163 : vector<16xi32>
      %eq3A_165 = vector.broadcast %scan3A_93#1 : i32 to vector<16xi32>
      %eq3A_166 = arith.cmpi eq, %shift_right_arithmetic3A_164, %eq3A_165 : vector<16xi32>
      %shift_right_arithmetic3A_167 = arith.constant 9 : i32
      %shift_right_arithmetic3A_168 = vector.broadcast %shift_right_arithmetic3A_167 : i32 to vector<16xi32>
      %shift_right_arithmetic3A_169 = arith.shrsi %get3A_162, %shift_right_arithmetic3A_168 : vector<16xi32>
      %and3A_170 = arith.constant 2047 : i32
      %and3A_171 = vector.broadcast %and3A_170 : i32 to vector<16xi32>
      %and3A_172 = arith.andi %shift_right_arithmetic3A_169, %and3A_171 : vector<16xi32>
      %add3A_173 = arith.addi %mul3A_39, %and3A_172 : vector<16xi32>
      tpu.vector_store_idx %arg5[%add3A_173], %broadcast_in_dim3A_40 masked %eq3A_166 {add = true} : memref<32768xi32, #tpu.memory_space<vmem>>[vector<16xi32>], vector<16xi32>, vector<16xi1>
      %mul3A_174 = arith.constant 8 : i32
      %mul3A_175 = arith.muli %scan3A_155, %mul3A_174 : i32
      %add3A_176 = arith.constant 1 : i32
      %add3A_177 = arith.addi %mul3A_175, %add3A_176 : i32
      %mul3A_178 = arith.constant 16 : i32
      %mul3A_179 = arith.muli %add3A_177, %mul3A_178 : i32
      %get3A_180 = arith.index_cast %mul3A_179 : i32 to index
      %get3A_181 = tpu.vector_load %arg4[%get3A_180] {strides = array<i32>} : memref<32768xi32, #tpu.memory_space<vmem>>, vector<16xi32>,
      %shift_right_arithmetic3A_182 = arith.constant 20 : i32
      %shift_right_arithmetic3A_183 = vector.broadcast %shift_right_arithmetic3A_182 : i32 to vector<16xi32>
      %shift_right_arithmetic3A_184 = arith.shrsi %get3A_181, %shift_right_arithmetic3A_183 : vector<16xi32>
      %eq3A_185 = vector.broadcast %scan3A_93#1 : i32 to vector<16xi32>
      %eq3A_186 = arith.cmpi eq, %shift_right_arithmetic3A_184, %eq3A_185 : vector<16xi32>
      %shift_right_arithmetic3A_187 = arith.constant 9 : i32
      %shift_right_arithmetic3A_188 = vector.broadcast %shift_right_arithmetic3A_187 : i32 to vector<16xi32>
      %shift_right_arithmetic3A_189 = arith.shrsi %get3A_181, %shift_right_arithmetic3A_188 : vector<16xi32>
      %and3A_190 = arith.constant 2047 : i32
      %and3A_191 = vector.broadcast %and3A_190 : i32 to vector<16xi32>
      %and3A_192 = arith.andi %shift_right_arithmetic3A_189, %and3A_191 : vector<16xi32>
      %add3A_193 = arith.addi %mul3A_39, %and3A_192 : vector<16xi32>
      tpu.vector_store_idx %arg5[%add3A_193], %broadcast_in_dim3A_40 masked %eq3A_186 {add = true} : memref<32768xi32, #tpu.memory_space<vmem>>[vector<16xi32>], vector<16xi32>, vector<16xi1>
      %mul3A_194 = arith.constant 8 : i32
      %mul3A_195 = arith.muli %scan3A_155, %mul3A_194 : i32
      %add3A_196 = arith.constant 2 : i32
      %add3A_197 = arith.addi %mul3A_195, %add3A_196 : i32
      %mul3A_198 = arith.constant 16 : i32
      %mul3A_199 = arith.muli %add3A_197, %mul3A_198 : i32
      %get3A_200 = arith.index_cast %mul3A_199 : i32 to index
      %get3A_201 = tpu.vector_load %arg4[%get3A_200] {strides = array<i32>} : memref<32768xi32, #tpu.memory_space<vmem>>, vector<16xi32>,
      %shift_right_arithmetic3A_202 = arith.constant 20 : i32
      %shift_right_arithmetic3A_203 = vector.broadcast %shift_right_arithmetic3A_202 : i32 to vector<16xi32>
      %shift_right_arithmetic3A_204 = arith.shrsi %get3A_201, %shift_right_arithmetic3A_203 : vector<16xi32>
      %eq3A_205 = vector.broadcast %scan3A_93#1 : i32 to vector<16xi32>
      %eq3A_206 = arith.cmpi eq, %shift_right_arithmetic3A_204, %eq3A_205 : vector<16xi32>
      %shift_right_arithmetic3A_207 = arith.constant 9 : i32
      %shift_right_arithmetic3A_208 = vector.broadcast %shift_right_arithmetic3A_207 : i32 to vector<16xi32>
      %shift_right_arithmetic3A_209 = arith.shrsi %get3A_201, %shift_right_arithmetic3A_208 : vector<16xi32>
      %and3A_210 = arith.constant 2047 : i32
      %and3A_211 = vector.broadcast %and3A_210 : i32 to vector<16xi32>
      %and3A_212 = arith.andi %shift_right_arithmetic3A_209, %and3A_211 : vector<16xi32>
      %add3A_213 = arith.addi %mul3A_39, %and3A_212 : vector<16xi32>
      tpu.vector_store_idx %arg5[%add3A_213], %broadcast_in_dim3A_40 masked %eq3A_206 {add = true} : memref<32768xi32, #tpu.memory_space<vmem>>[vector<16xi32>], vector<16xi32>, vector<16xi1>
      %mul3A_214 = arith.constant 8 : i32
      %mul3A_215 = arith.muli %scan3A_155, %mul3A_214 : i32
      %add3A_216 = arith.constant 3 : i32
      %add3A_217 = arith.addi %mul3A_215, %add3A_216 : i32
      %mul3A_218 = arith.constant 16 : i32
      %mul3A_219 = arith.muli %add3A_217, %mul3A_218 : i32
      %get3A_220 = arith.index_cast %mul3A_219 : i32 to index
      %get3A_221 = tpu.vector_load %arg4[%get3A_220] {strides = array<i32>} : memref<32768xi32, #tpu.memory_space<vmem>>, vector<16xi32>,
      %shift_right_arithmetic3A_222 = arith.constant 20 : i32
      %shift_right_arithmetic3A_223 = vector.broadcast %shift_right_arithmetic3A_222 : i32 to vector<16xi32>
      %shift_right_arithmetic3A_224 = arith.shrsi %get3A_221, %shift_right_arithmetic3A_223 : vector<16xi32>
      %eq3A_225 = vector.broadcast %scan3A_93#1 : i32 to vector<16xi32>
      %eq3A_226 = arith.cmpi eq, %shift_right_arithmetic3A_224, %eq3A_225 : vector<16xi32>
      %shift_right_arithmetic3A_227 = arith.constant 9 : i32
      %shift_right_arithmetic3A_228 = vector.broadcast %shift_right_arithmetic3A_227 : i32 to vector<16xi32>
      %shift_right_arithmetic3A_229 = arith.shrsi %get3A_221, %shift_right_arithmetic3A_228 : vector<16xi32>
      %and3A_230 = arith.constant 2047 : i32
      %and3A_231 = vector.broadcast %and3A_230 : i32 to vector<16xi32>
      %and3A_232 = arith.andi %shift_right_arithmetic3A_229, %and3A_231 : vector<16xi32>
      %add3A_233 = arith.addi %mul3A_39, %and3A_232 : vector<16xi32>
      tpu.vector_store_idx %arg5[%add3A_233], %broadcast_in_dim3A_40 masked %eq3A_226 {add = true} : memref<32768xi32, #tpu.memory_space<vmem>>[vector<16xi32>], vector<16xi32>, vector<16xi1>
      %mul3A_234 = arith.constant 8 : i32
      %mul3A_235 = arith.muli %scan3A_155, %mul3A_234 : i32
      %add3A_236 = arith.constant 4 : i32
      %add3A_237 = arith.addi %mul3A_235, %add3A_236 : i32
      %mul3A_238 = arith.constant 16 : i32
      %mul3A_239 = arith.muli %add3A_237, %mul3A_238 : i32
      %get3A_240 = arith.index_cast %mul3A_239 : i32 to index
      %get3A_241 = tpu.vector_load %arg4[%get3A_240] {strides = array<i32>} : memref<32768xi32, #tpu.memory_space<vmem>>, vector<16xi32>,
      %shift_right_arithmetic3A_242 = arith.constant 20 : i32
      %shift_right_arithmetic3A_243 = vector.broadcast %shift_right_arithmetic3A_242 : i32 to vector<16xi32>
      %shift_right_arithmetic3A_244 = arith.shrsi %get3A_241, %shift_right_arithmetic3A_243 : vector<16xi32>
      %eq3A_245 = vector.broadcast %scan3A_93#1 : i32 to vector<16xi32>
      %eq3A_246 = arith.cmpi eq, %shift_right_arithmetic3A_244, %eq3A_245 : vector<16xi32>
      %shift_right_arithmetic3A_247 = arith.constant 9 : i32
      %shift_right_arithmetic3A_248 = vector.broadcast %shift_right_arithmetic3A_247 : i32 to vector<16xi32>
      %shift_right_arithmetic3A_249 = arith.shrsi %get3A_241, %shift_right_arithmetic3A_248 : vector<16xi32>
      %and3A_250 = arith.constant 2047 : i32
      %and3A_251 = vector.broadcast %and3A_250 : i32 to vector<16xi32>
      %and3A_252 = arith.andi %shift_right_arithmetic3A_249, %and3A_251 : vector<16xi32>
      %add3A_253 = arith.addi %mul3A_39, %and3A_252 : vector<16xi32>
      tpu.vector_store_idx %arg5[%add3A_253], %broadcast_in_dim3A_40 masked %eq3A_246 {add = true} : memref<32768xi32, #tpu.memory_space<vmem>>[vector<16xi32>], vector<16xi32>, vector<16xi1>
      %mul3A_254 = arith.constant 8 : i32
      %mul3A_255 = arith.muli %scan3A_155, %mul3A_254 : i32
      %add3A_256 = arith.constant 5 : i32
      %add3A_257 = arith.addi %mul3A_255, %add3A_256 : i32
      %mul3A_258 = arith.constant 16 : i32
      %mul3A_259 = arith.muli %add3A_257, %mul3A_258 : i32
      %get3A_260 = arith.index_cast %mul3A_259 : i32 to index
      %get3A_261 = tpu.vector_load %arg4[%get3A_260] {strides = array<i32>} : memref<32768xi32, #tpu.memory_space<vmem>>, vector<16xi32>,
      %shift_right_arithmetic3A_262 = arith.constant 20 : i32
      %shift_right_arithmetic3A_263 = vector.broadcast %shift_right_arithmetic3A_262 : i32 to vector<16xi32>
      %shift_right_arithmetic3A_264 = arith.shrsi %get3A_261, %shift_right_arithmetic3A_263 : vector<16xi32>
      %eq3A_265 = vector.broadcast %scan3A_93#1 : i32 to vector<16xi32>
      %eq3A_266 = arith.cmpi eq, %shift_right_arithmetic3A_264, %eq3A_265 : vector<16xi32>
      %shift_right_arithmetic3A_267 = arith.constant 9 : i32
      %shift_right_arithmetic3A_268 = vector.broadcast %shift_right_arithmetic3A_267 : i32 to vector<16xi32>
      %shift_right_arithmetic3A_269 = arith.shrsi %get3A_261, %shift_right_arithmetic3A_268 : vector<16xi32>
      %and3A_270 = arith.constant 2047 : i32
      %and3A_271 = vector.broadcast %and3A_270 : i32 to vector<16xi32>
      %and3A_272 = arith.andi %shift_right_arithmetic3A_269, %and3A_271 : vector<16xi32>
      %add3A_273 = arith.addi %mul3A_39, %and3A_272 : vector<16xi32>
      tpu.vector_store_idx %arg5[%add3A_273], %broadcast_in_dim3A_40 masked %eq3A_266 {add = true} : memref<32768xi32, #tpu.memory_space<vmem>>[vector<16xi32>], vector<16xi32>, vector<16xi1>
      %mul3A_274 = arith.constant 8 : i32
      %mul3A_275 = arith.muli %scan3A_155, %mul3A_274 : i32
      %add3A_276 = arith.constant 6 : i32
      %add3A_277 = arith.addi %mul3A_275, %add3A_276 : i32
      %mul3A_278 = arith.constant 16 : i32
      %mul3A_279 = arith.muli %add3A_277, %mul3A_278 : i32
      %get3A_280 = arith.index_cast %mul3A_279 : i32 to index
      %get3A_281 = tpu.vector_load %arg4[%get3A_280] {strides = array<i32>} : memref<32768xi32, #tpu.memory_space<vmem>>, vector<16xi32>,
      %shift_right_arithmetic3A_282 = arith.constant 20 : i32
      %shift_right_arithmetic3A_283 = vector.broadcast %shift_right_arithmetic3A_282 : i32 to vector<16xi32>
      %shift_right_arithmetic3A_284 = arith.shrsi %get3A_281, %shift_right_arithmetic3A_283 : vector<16xi32>
      %eq3A_285 = vector.broadcast %scan3A_93#1 : i32 to vector<16xi32>
      %eq3A_286 = arith.cmpi eq, %shift_right_arithmetic3A_284, %eq3A_285 : vector<16xi32>
      %shift_right_arithmetic3A_287 = arith.constant 9 : i32
      %shift_right_arithmetic3A_288 = vector.broadcast %shift_right_arithmetic3A_287 : i32 to vector<16xi32>
      %shift_right_arithmetic3A_289 = arith.shrsi %get3A_281, %shift_right_arithmetic3A_288 : vector<16xi32>
      %and3A_290 = arith.constant 2047 : i32
      %and3A_291 = vector.broadcast %and3A_290 : i32 to vector<16xi32>
      %and3A_292 = arith.andi %shift_right_arithmetic3A_289, %and3A_291 : vector<16xi32>
      %add3A_293 = arith.addi %mul3A_39, %and3A_292 : vector<16xi32>
      tpu.vector_store_idx %arg5[%add3A_293], %broadcast_in_dim3A_40 masked %eq3A_286 {add = true} : memref<32768xi32, #tpu.memory_space<vmem>>[vector<16xi32>], vector<16xi32>, vector<16xi1>
      %mul3A_294 = arith.constant 8 : i32
      %mul3A_295 = arith.muli %scan3A_155, %mul3A_294 : i32
      %add3A_296 = arith.constant 7 : i32
      %add3A_297 = arith.addi %mul3A_295, %add3A_296 : i32
      %mul3A_298 = arith.constant 16 : i32
      %mul3A_299 = arith.muli %add3A_297, %mul3A_298 : i32
      %get3A_300 = arith.index_cast %mul3A_299 : i32 to index
      %get3A_301 = tpu.vector_load %arg4[%get3A_300] {strides = array<i32>} : memref<32768xi32, #tpu.memory_space<vmem>>, vector<16xi32>,
      %shift_right_arithmetic3A_302 = arith.constant 20 : i32
      %shift_right_arithmetic3A_303 = vector.broadcast %shift_right_arithmetic3A_302 : i32 to vector<16xi32>
      %shift_right_arithmetic3A_304 = arith.shrsi %get3A_301, %shift_right_arithmetic3A_303 : vector<16xi32>
      %eq3A_305 = vector.broadcast %scan3A_93#1 : i32 to vector<16xi32>
      %eq3A_306 = arith.cmpi eq, %shift_right_arithmetic3A_304, %eq3A_305 : vector<16xi32>
      %shift_right_arithmetic3A_307 = arith.constant 9 : i32
      %shift_right_arithmetic3A_308 = vector.broadcast %shift_right_arithmetic3A_307 : i32 to vector<16xi32>
      %shift_right_arithmetic3A_309 = arith.shrsi %get3A_301, %shift_right_arithmetic3A_308 : vector<16xi32>
      %and3A_310 = arith.constant 2047 : i32
      %and3A_311 = vector.broadcast %and3A_310 : i32 to vector<16xi32>
      %and3A_312 = arith.andi %shift_right_arithmetic3A_309, %and3A_311 : vector<16xi32>
      %add3A_313 = arith.addi %mul3A_39, %and3A_312 : vector<16xi32>
      tpu.vector_store_idx %arg5[%add3A_313], %broadcast_in_dim3A_40 masked %eq3A_306 {add = true} : memref<32768xi32, #tpu.memory_space<vmem>>[vector<16xi32>], vector<16xi32>, vector<16xi1>
    }
    %scan3A_114 = arith.constant 256 : i32
    %scan3A_115 = arith.constant 0 : i32
    %scan3A_116 = arith.constant 0 : i32
    %scan3A_117 = arith.constant 128 : i32
    %scan3A_118 = arith.addi %scan3A_116, %scan3A_117 : i32
    %scan3A_119 = arith.constant 1 : i32
    scf.for %scan3A_155 = %scan3A_116 to %scan3A_118 step %scan3A_119  : i32 {
      %mul3A_156 = arith.constant 16 : i32
      %mul3A_157 = arith.muli %scan3A_155, %mul3A_156 : i32
      %get3A = arith.index_cast %mul3A_157 : i32 to index
      %get3A_158 = tpu.vector_load %arg5[%get3A] {strides = array<i32>} : memref<32768xi32, #tpu.memory_space<vmem>>, vector<16xi32>,
      %mul3A_159 = arith.constant 16 : i32
      %mul3A_160 = arith.muli %scan3A_155, %mul3A_159 : i32
      %add3A_161 = arith.constant 2048 : i32
      %add3A_162 = arith.addi %add3A_161, %mul3A_160 : i32
      %get3A_163 = arith.index_cast %add3A_162 : i32 to index
      %get3A_164 = tpu.vector_load %arg5[%get3A_163] {strides = array<i32>} : memref<32768xi32, #tpu.memory_space<vmem>>, vector<16xi32>,
      %add3A_165 = arith.addi %get3A_158, %get3A_164 : vector<16xi32>
      %mul3A_166 = arith.constant 16 : i32
      %mul3A_167 = arith.muli %scan3A_155, %mul3A_166 : i32
      %add3A_168 = arith.constant 4096 : i32
      %add3A_169 = arith.addi %add3A_168, %mul3A_167 : i32
      %get3A_170 = arith.index_cast %add3A_169 : i32 to index
      %get3A_171 = tpu.vector_load %arg5[%get3A_170] {strides = array<i32>} : memref<32768xi32, #tpu.memory_space<vmem>>, vector<16xi32>,
      %add3A_172 = arith.addi %add3A_165, %get3A_171 : vector<16xi32>
      %mul3A_173 = arith.constant 16 : i32
      %mul3A_174 = arith.muli %scan3A_155, %mul3A_173 : i32
      %add3A_175 = arith.constant 6144 : i32
      %add3A_176 = arith.addi %add3A_175, %mul3A_174 : i32
      %get3A_177 = arith.index_cast %add3A_176 : i32 to index
      %get3A_178 = tpu.vector_load %arg5[%get3A_177] {strides = array<i32>} : memref<32768xi32, #tpu.memory_space<vmem>>, vector<16xi32>,
      %add3A_179 = arith.addi %add3A_172, %get3A_178 : vector<16xi32>
      %mul3A_180 = arith.constant 16 : i32
      %mul3A_181 = arith.muli %scan3A_155, %mul3A_180 : i32
      %add3A_182 = arith.constant 8192 : i32
      %add3A_183 = arith.addi %add3A_182, %mul3A_181 : i32
      %get3A_184 = arith.index_cast %add3A_183 : i32 to index
      %get3A_185 = tpu.vector_load %arg5[%get3A_184] {strides = array<i32>} : memref<32768xi32, #tpu.memory_space<vmem>>, vector<16xi32>,
      %add3A_186 = arith.addi %add3A_179, %get3A_185 : vector<16xi32>
      %mul3A_187 = arith.constant 16 : i32
      %mul3A_188 = arith.muli %scan3A_155, %mul3A_187 : i32
      %add3A_189 = arith.constant 10240 : i32
      %add3A_190 = arith.addi %add3A_189, %mul3A_188 : i32
      %get3A_191 = arith.index_cast %add3A_190 : i32 to index
      %get3A_192 = tpu.vector_load %arg5[%get3A_191] {strides = array<i32>} : memref<32768xi32, #tpu.memory_space<vmem>>, vector<16xi32>,
      %add3A_193 = arith.addi %add3A_186, %get3A_192 : vector<16xi32>
      %mul3A_194 = arith.constant 16 : i32
      %mul3A_195 = arith.muli %scan3A_155, %mul3A_194 : i32
      %add3A_196 = arith.constant 12288 : i32
      %add3A_197 = arith.addi %add3A_196, %mul3A_195 : i32
      %get3A_198 = arith.index_cast %add3A_197 : i32 to index
      %get3A_199 = tpu.vector_load %arg5[%get3A_198] {strides = array<i32>} : memref<32768xi32, #tpu.memory_space<vmem>>, vector<16xi32>,
      %add3A_200 = arith.addi %add3A_193, %get3A_199 : vector<16xi32>
      %mul3A_201 = arith.constant 16 : i32
      %mul3A_202 = arith.muli %scan3A_155, %mul3A_201 : i32
      %add3A_203 = arith.constant 14336 : i32
      %add3A_204 = arith.addi %add3A_203, %mul3A_202 : i32
      %get3A_205 = arith.index_cast %add3A_204 : i32 to index
      %get3A_206 = tpu.vector_load %arg5[%get3A_205] {strides = array<i32>} : memref<32768xi32, #tpu.memory_space<vmem>>, vector<16xi32>,
      %add3A_207 = arith.addi %add3A_200, %get3A_206 : vector<16xi32>
      %mul3A_208 = arith.constant 16 : i32
      %mul3A_209 = arith.muli %scan3A_155, %mul3A_208 : i32
      %add3A_210 = arith.constant 16384 : i32
      %add3A_211 = arith.addi %add3A_210, %mul3A_209 : i32
      %get3A_212 = arith.index_cast %add3A_211 : i32 to index
      %get3A_213 = tpu.vector_load %arg5[%get3A_212] {strides = array<i32>} : memref<32768xi32, #tpu.memory_space<vmem>>, vector<16xi32>,
      %add3A_214 = arith.addi %add3A_207, %get3A_213 : vector<16xi32>
      %mul3A_215 = arith.constant 16 : i32
      %mul3A_216 = arith.muli %scan3A_155, %mul3A_215 : i32
      %add3A_217 = arith.constant 18432 : i32
      %add3A_218 = arith.addi %add3A_217, %mul3A_216 : i32
      %get3A_219 = arith.index_cast %add3A_218 : i32 to index
      %get3A_220 = tpu.vector_load %arg5[%get3A_219] {strides = array<i32>} : memref<32768xi32, #tpu.memory_space<vmem>>, vector<16xi32>,
      %add3A_221 = arith.addi %add3A_214, %get3A_220 : vector<16xi32>
      %mul3A_222 = arith.constant 16 : i32
      %mul3A_223 = arith.muli %scan3A_155, %mul3A_222 : i32
      %add3A_224 = arith.constant 20480 : i32
      %add3A_225 = arith.addi %add3A_224, %mul3A_223 : i32
      %get3A_226 = arith.index_cast %add3A_225 : i32 to index
      %get3A_227 = tpu.vector_load %arg5[%get3A_226] {strides = array<i32>} : memref<32768xi32, #tpu.memory_space<vmem>>, vector<16xi32>,
      %add3A_228 = arith.addi %add3A_221, %get3A_227 : vector<16xi32>
      %mul3A_229 = arith.constant 16 : i32
      %mul3A_230 = arith.muli %scan3A_155, %mul3A_229 : i32
      %add3A_231 = arith.constant 22528 : i32
      %add3A_232 = arith.addi %add3A_231, %mul3A_230 : i32
      %get3A_233 = arith.index_cast %add3A_232 : i32 to index
      %get3A_234 = tpu.vector_load %arg5[%get3A_233] {strides = array<i32>} : memref<32768xi32, #tpu.memory_space<vmem>>, vector<16xi32>,
      %add3A_235 = arith.addi %add3A_228, %get3A_234 : vector<16xi32>
      %mul3A_236 = arith.constant 16 : i32
      %mul3A_237 = arith.muli %scan3A_155, %mul3A_236 : i32
      %add3A_238 = arith.constant 24576 : i32
      %add3A_239 = arith.addi %add3A_238, %mul3A_237 : i32
      %get3A_240 = arith.index_cast %add3A_239 : i32 to index
      %get3A_241 = tpu.vector_load %arg5[%get3A_240] {strides = array<i32>} : memref<32768xi32, #tpu.memory_space<vmem>>, vector<16xi32>,
      %add3A_242 = arith.addi %add3A_235, %get3A_241 : vector<16xi32>
      %mul3A_243 = arith.constant 16 : i32
      %mul3A_244 = arith.muli %scan3A_155, %mul3A_243 : i32
      %add3A_245 = arith.constant 26624 : i32
      %add3A_246 = arith.addi %add3A_245, %mul3A_244 : i32
      %get3A_247 = arith.index_cast %add3A_246 : i32 to index
      %get3A_248 = tpu.vector_load %arg5[%get3A_247] {strides = array<i32>} : memref<32768xi32, #tpu.memory_space<vmem>>, vector<16xi32>,
      %add3A_249 = arith.addi %add3A_242, %get3A_248 : vector<16xi32>
      %mul3A_250 = arith.constant 16 : i32
      %mul3A_251 = arith.muli %scan3A_155, %mul3A_250 : i32
      %add3A_252 = arith.constant 28672 : i32
      %add3A_253 = arith.addi %add3A_252, %mul3A_251 : i32
      %get3A_254 = arith.index_cast %add3A_253 : i32 to index
      %get3A_255 = tpu.vector_load %arg5[%get3A_254] {strides = array<i32>} : memref<32768xi32, #tpu.memory_space<vmem>>, vector<16xi32>,
      %add3A_256 = arith.addi %add3A_249, %get3A_255 : vector<16xi32>
      %mul3A_257 = arith.constant 16 : i32
      %mul3A_258 = arith.muli %scan3A_155, %mul3A_257 : i32
      %add3A_259 = arith.constant 30720 : i32
      %add3A_260 = arith.addi %add3A_259, %mul3A_258 : i32
      %get3A_261 = arith.index_cast %add3A_260 : i32 to index
      %get3A_262 = tpu.vector_load %arg5[%get3A_261] {strides = array<i32>} : memref<32768xi32, #tpu.memory_space<vmem>>, vector<16xi32>,
      %add3A_263 = arith.addi %add3A_256, %get3A_262 : vector<16xi32>
      %mul3A_264 = arith.constant 16 : i32
      %mul3A_265 = arith.muli %scan3A_155, %mul3A_264 : i32
      %swap3A = arith.index_cast %mul3A_265 : i32 to index
      %swap3A_266 = tpu.vector_load %arg6[%swap3A] {strides = array<i32>} : memref<2048xi32, #tpu.memory_space<vmem>>, vector<16xi32>,
      tpu.vector_store %arg6[%swap3A], %add3A_263 {strides = array<i32>} : memref<2048xi32, #tpu.memory_space<vmem>>, vector<16xi32>,
    }
    %scan3A_120 = arith.constant 128 : i32
    "tpu.region"() ({
      %run_scoped3A = tpu.sem_alloc : memref<!tpu.dma_semaphore, #tpu.memory_space<semaphore_mem>>
      %dma_start3A = arith.constant 0 : i32
      %dma_start3A_155 = tpu.memref_slice %arg9[%arg1, %dma_start3A] : memref<16x2048xi32, #tpu.memory_space<vmem_shared>> -> memref<1x2048xi32, #tpu.memory_space<vmem_shared>>
      %dma_start3A_156 = tpu.memref_squeeze %dma_start3A_155 : memref<1x2048xi32, #tpu.memory_space<vmem_shared>> -> memref<2048xi32, #tpu.memory_space<vmem_shared>>
      %dma_start3A_157 = arith.constant 0 : i32
      %dma_start3A_158 = tpu.memref_slice %arg9[%arg1, %dma_start3A_157] : memref<16x2048xi32, #tpu.memory_space<vmem_shared>> -> memref<1x2048xi32, #tpu.memory_space<vmem_shared>>
      %dma_start3A_159 = tpu.memref_squeeze %dma_start3A_158 : memref<1x2048xi32, #tpu.memory_space<vmem_shared>> -> memref<2048xi32, #tpu.memory_space<vmem_shared>>
      tpu.enqueue_dma source(%arg6 : memref<2048xi32, #tpu.memory_space<vmem>>) target(%dma_start3A_159 : memref<2048xi32, #tpu.memory_space<vmem_shared>>) target_semaphore(%run_scoped3A : memref<!tpu.dma_semaphore, #tpu.memory_space<semaphore_mem>>)
      %dma_wait3A = arith.constant 0 : i32
      %dma_wait3A_160 = tpu.memref_slice %arg9[%arg1, %dma_wait3A] : memref<16x2048xi32, #tpu.memory_space<vmem_shared>> -> memref<1x2048xi32, #tpu.memory_space<vmem_shared>>
      %dma_wait3A_161 = tpu.memref_squeeze %dma_wait3A_160 : memref<1x2048xi32, #tpu.memory_space<vmem_shared>> -> memref<2048xi32, #tpu.memory_space<vmem_shared>>
      %dma_wait3A_162 = arith.constant 0 : i32
      %dma_wait3A_163 = tpu.memref_slice %arg9[%arg1, %dma_wait3A_162] : memref<16x2048xi32, #tpu.memory_space<vmem_shared>> -> memref<1x2048xi32, #tpu.memory_space<vmem_shared>>
      %dma_wait3A_164 = tpu.memref_squeeze %dma_wait3A_163 : memref<1x2048xi32, #tpu.memory_space<vmem_shared>> -> memref<2048xi32, #tpu.memory_space<vmem_shared>>
      tpu.wait_dma2 semaphore(%run_scoped3A : memref<!tpu.dma_semaphore, #tpu.memory_space<semaphore_mem>>) src(%arg6 : memref<2048xi32, #tpu.memory_space<vmem>>) dst(%dma_wait3A_164 : memref<2048xi32, #tpu.memory_space<vmem_shared>>)
      tpu.yield
    }) : () -> ()
    %barrier3A_121 = arith.constant 0 : index
    tpu.barrier barrier_id(%barrier3A_121)
    %add3A_122 = arith.constant 0 : i32
    %add3A_123 = arith.addi %sub3A_36, %add3A_122 : i32
    "tpu.region"() ({
      %run_scoped3A = tpu.sem_alloc : memref<!tpu.dma_semaphore, #tpu.memory_space<semaphore_mem>>
      %dma_start3A = arith.constant 0 : i32
      %dma_start3A_155 = tpu.memref_slice %arg7[%dma_start3A] : memref<8192xi32, #tpu.memory_space<vmem>> -> memref<2048xi32, #tpu.memory_space<vmem>>
      %dma_start3A_156 = arith.constant 0 : i32
      %dma_start3A_157 = tpu.memref_slice %arg9[%add3A_123, %dma_start3A_156] : memref<16x2048xi32, #tpu.memory_space<vmem_shared>> -> memref<1x2048xi32, #tpu.memory_space<vmem_shared>>
      %dma_start3A_158 = tpu.memref_squeeze %dma_start3A_157 : memref<1x2048xi32, #tpu.memory_space<vmem_shared>> -> memref<2048xi32, #tpu.memory_space<vmem_shared>>
      %dma_start3A_159 = arith.constant 0 : i32
      %dma_start3A_160 = tpu.memref_slice %arg7[%dma_start3A_159] : memref<8192xi32, #tpu.memory_space<vmem>> -> memref<2048xi32, #tpu.memory_space<vmem>>
      %dma_start3A_161 = arith.constant 0 : i32
      %dma_start3A_162 = tpu.memref_slice %arg9[%add3A_123, %dma_start3A_161] : memref<16x2048xi32, #tpu.memory_space<vmem_shared>> -> memref<1x2048xi32, #tpu.memory_space<vmem_shared>>
      %dma_start3A_163 = tpu.memref_squeeze %dma_start3A_162 : memref<1x2048xi32, #tpu.memory_space<vmem_shared>> -> memref<2048xi32, #tpu.memory_space<vmem_shared>>
      tpu.enqueue_dma source(%dma_start3A_163 : memref<2048xi32, #tpu.memory_space<vmem_shared>>) target(%dma_start3A_160 : memref<2048xi32, #tpu.memory_space<vmem>>) target_semaphore(%run_scoped3A : memref<!tpu.dma_semaphore, #tpu.memory_space<semaphore_mem>>)
      %dma_wait3A = arith.constant 0 : i32
      %dma_wait3A_164 = tpu.memref_slice %arg7[%dma_wait3A] : memref<8192xi32, #tpu.memory_space<vmem>> -> memref<2048xi32, #tpu.memory_space<vmem>>
      %dma_wait3A_165 = arith.constant 0 : i32
      %dma_wait3A_166 = tpu.memref_slice %arg9[%add3A_123, %dma_wait3A_165] : memref<16x2048xi32, #tpu.memory_space<vmem_shared>> -> memref<1x2048xi32, #tpu.memory_space<vmem_shared>>
      %dma_wait3A_167 = tpu.memref_squeeze %dma_wait3A_166 : memref<1x2048xi32, #tpu.memory_space<vmem_shared>> -> memref<2048xi32, #tpu.memory_space<vmem_shared>>
      %dma_wait3A_168 = arith.constant 0 : i32
      %dma_wait3A_169 = tpu.memref_slice %arg7[%dma_wait3A_168] : memref<8192xi32, #tpu.memory_space<vmem>> -> memref<2048xi32, #tpu.memory_space<vmem>>
      %dma_wait3A_170 = arith.constant 0 : i32
      %dma_wait3A_171 = tpu.memref_slice %arg9[%add3A_123, %dma_wait3A_170] : memref<16x2048xi32, #tpu.memory_space<vmem_shared>> -> memref<1x2048xi32, #tpu.memory_space<vmem_shared>>
      %dma_wait3A_172 = tpu.memref_squeeze %dma_wait3A_171 : memref<1x2048xi32, #tpu.memory_space<vmem_shared>> -> memref<2048xi32, #tpu.memory_space<vmem_shared>>
      tpu.wait_dma2 semaphore(%run_scoped3A : memref<!tpu.dma_semaphore, #tpu.memory_space<semaphore_mem>>) src(%dma_wait3A_172 : memref<2048xi32, #tpu.memory_space<vmem_shared>>) dst(%dma_wait3A_169 : memref<2048xi32, #tpu.memory_space<vmem>>)
      tpu.yield
    }) : () -> ()
    %add3A_124 = arith.constant 1 : i32
    %add3A_125 = arith.addi %sub3A_36, %add3A_124 : i32
    "tpu.region"() ({
      %run_scoped3A = tpu.sem_alloc : memref<!tpu.dma_semaphore, #tpu.memory_space<semaphore_mem>>
      %dma_start3A = arith.constant 2048 : i32
      %dma_start3A_155 = tpu.memref_slice %arg7[%dma_start3A] : memref<8192xi32, #tpu.memory_space<vmem>> -> memref<2048xi32, #tpu.memory_space<vmem>>
      %dma_start3A_156 = arith.constant 0 : i32
      %dma_start3A_157 = tpu.memref_slice %arg9[%add3A_125, %dma_start3A_156] : memref<16x2048xi32, #tpu.memory_space<vmem_shared>> -> memref<1x2048xi32, #tpu.memory_space<vmem_shared>>
      %dma_start3A_158 = tpu.memref_squeeze %dma_start3A_157 : memref<1x2048xi32, #tpu.memory_space<vmem_shared>> -> memref<2048xi32, #tpu.memory_space<vmem_shared>>
      %dma_start3A_159 = arith.constant 2048 : i32
      %dma_start3A_160 = tpu.memref_slice %arg7[%dma_start3A_159] : memref<8192xi32, #tpu.memory_space<vmem>> -> memref<2048xi32, #tpu.memory_space<vmem>>
      %dma_start3A_161 = arith.constant 0 : i32
      %dma_start3A_162 = tpu.memref_slice %arg9[%add3A_125, %dma_start3A_161] : memref<16x2048xi32, #tpu.memory_space<vmem_shared>> -> memref<1x2048xi32, #tpu.memory_space<vmem_shared>>
      %dma_start3A_163 = tpu.memref_squeeze %dma_start3A_162 : memref<1x2048xi32, #tpu.memory_space<vmem_shared>> -> memref<2048xi32, #tpu.memory_space<vmem_shared>>
      tpu.enqueue_dma source(%dma_start3A_163 : memref<2048xi32, #tpu.memory_space<vmem_shared>>) target(%dma_start3A_160 : memref<2048xi32, #tpu.memory_space<vmem>>) target_semaphore(%run_scoped3A : memref<!tpu.dma_semaphore, #tpu.memory_space<semaphore_mem>>)
      %dma_wait3A = arith.constant 2048 : i32
      %dma_wait3A_164 = tpu.memref_slice %arg7[%dma_wait3A] : memref<8192xi32, #tpu.memory_space<vmem>> -> memref<2048xi32, #tpu.memory_space<vmem>>
      %dma_wait3A_165 = arith.constant 0 : i32
      %dma_wait3A_166 = tpu.memref_slice %arg9[%add3A_125, %dma_wait3A_165] : memref<16x2048xi32, #tpu.memory_space<vmem_shared>> -> memref<1x2048xi32, #tpu.memory_space<vmem_shared>>
      %dma_wait3A_167 = tpu.memref_squeeze %dma_wait3A_166 : memref<1x2048xi32, #tpu.memory_space<vmem_shared>> -> memref<2048xi32, #tpu.memory_space<vmem_shared>>
      %dma_wait3A_168 = arith.constant 2048 : i32
      %dma_wait3A_169 = tpu.memref_slice %arg7[%dma_wait3A_168] : memref<8192xi32, #tpu.memory_space<vmem>> -> memref<2048xi32, #tpu.memory_space<vmem>>
      %dma_wait3A_170 = arith.constant 0 : i32
      %dma_wait3A_171 = tpu.memref_slice %arg9[%add3A_125, %dma_wait3A_170] : memref<16x2048xi32, #tpu.memory_space<vmem_shared>> -> memref<1x2048xi32, #tpu.memory_space<vmem_shared>>
      %dma_wait3A_172 = tpu.memref_squeeze %dma_wait3A_171 : memref<1x2048xi32, #tpu.memory_space<vmem_shared>> -> memref<2048xi32, #tpu.memory_space<vmem_shared>>
      tpu.wait_dma2 semaphore(%run_scoped3A : memref<!tpu.dma_semaphore, #tpu.memory_space<semaphore_mem>>) src(%dma_wait3A_172 : memref<2048xi32, #tpu.memory_space<vmem_shared>>) dst(%dma_wait3A_169 : memref<2048xi32, #tpu.memory_space<vmem>>)
      tpu.yield
    }) : () -> ()
    %add3A_126 = arith.constant 2 : i32
    %add3A_127 = arith.addi %sub3A_36, %add3A_126 : i32
    "tpu.region"() ({
      %run_scoped3A = tpu.sem_alloc : memref<!tpu.dma_semaphore, #tpu.memory_space<semaphore_mem>>
      %dma_start3A = arith.constant 4096 : i32
      %dma_start3A_155 = tpu.memref_slice %arg7[%dma_start3A] : memref<8192xi32, #tpu.memory_space<vmem>> -> memref<2048xi32, #tpu.memory_space<vmem>>
      %dma_start3A_156 = arith.constant 0 : i32
      %dma_start3A_157 = tpu.memref_slice %arg9[%add3A_127, %dma_start3A_156] : memref<16x2048xi32, #tpu.memory_space<vmem_shared>> -> memref<1x2048xi32, #tpu.memory_space<vmem_shared>>
      %dma_start3A_158 = tpu.memref_squeeze %dma_start3A_157 : memref<1x2048xi32, #tpu.memory_space<vmem_shared>> -> memref<2048xi32, #tpu.memory_space<vmem_shared>>
      %dma_start3A_159 = arith.constant 4096 : i32
      %dma_start3A_160 = tpu.memref_slice %arg7[%dma_start3A_159] : memref<8192xi32, #tpu.memory_space<vmem>> -> memref<2048xi32, #tpu.memory_space<vmem>>
      %dma_start3A_161 = arith.constant 0 : i32
      %dma_start3A_162 = tpu.memref_slice %arg9[%add3A_127, %dma_start3A_161] : memref<16x2048xi32, #tpu.memory_space<vmem_shared>> -> memref<1x2048xi32, #tpu.memory_space<vmem_shared>>
      %dma_start3A_163 = tpu.memref_squeeze %dma_start3A_162 : memref<1x2048xi32, #tpu.memory_space<vmem_shared>> -> memref<2048xi32, #tpu.memory_space<vmem_shared>>
      tpu.enqueue_dma source(%dma_start3A_163 : memref<2048xi32, #tpu.memory_space<vmem_shared>>) target(%dma_start3A_160 : memref<2048xi32, #tpu.memory_space<vmem>>) target_semaphore(%run_scoped3A : memref<!tpu.dma_semaphore, #tpu.memory_space<semaphore_mem>>)
      %dma_wait3A = arith.constant 4096 : i32
      %dma_wait3A_164 = tpu.memref_slice %arg7[%dma_wait3A] : memref<8192xi32, #tpu.memory_space<vmem>> -> memref<2048xi32, #tpu.memory_space<vmem>>
      %dma_wait3A_165 = arith.constant 0 : i32
      %dma_wait3A_166 = tpu.memref_slice %arg9[%add3A_127, %dma_wait3A_165] : memref<16x2048xi32, #tpu.memory_space<vmem_shared>> -> memref<1x2048xi32, #tpu.memory_space<vmem_shared>>
      %dma_wait3A_167 = tpu.memref_squeeze %dma_wait3A_166 : memref<1x2048xi32, #tpu.memory_space<vmem_shared>> -> memref<2048xi32, #tpu.memory_space<vmem_shared>>
      %dma_wait3A_168 = arith.constant 4096 : i32
      %dma_wait3A_169 = tpu.memref_slice %arg7[%dma_wait3A_168] : memref<8192xi32, #tpu.memory_space<vmem>> -> memref<2048xi32, #tpu.memory_space<vmem>>
      %dma_wait3A_170 = arith.constant 0 : i32
      %dma_wait3A_171 = tpu.memref_slice %arg9[%add3A_127, %dma_wait3A_170] : memref<16x2048xi32, #tpu.memory_space<vmem_shared>> -> memref<1x2048xi32, #tpu.memory_space<vmem_shared>>
      %dma_wait3A_172 = tpu.memref_squeeze %dma_wait3A_171 : memref<1x2048xi32, #tpu.memory_space<vmem_shared>> -> memref<2048xi32, #tpu.memory_space<vmem_shared>>
      tpu.wait_dma2 semaphore(%run_scoped3A : memref<!tpu.dma_semaphore, #tpu.memory_space<semaphore_mem>>) src(%dma_wait3A_172 : memref<2048xi32, #tpu.memory_space<vmem_shared>>) dst(%dma_wait3A_169 : memref<2048xi32, #tpu.memory_space<vmem>>)
      tpu.yield
    }) : () -> ()
    %add3A_128 = arith.constant 3 : i32
    %add3A_129 = arith.addi %sub3A_36, %add3A_128 : i32
    "tpu.region"() ({
      %run_scoped3A = tpu.sem_alloc : memref<!tpu.dma_semaphore, #tpu.memory_space<semaphore_mem>>
      %dma_start3A = arith.constant 6144 : i32
      %dma_start3A_155 = tpu.memref_slice %arg7[%dma_start3A] : memref<8192xi32, #tpu.memory_space<vmem>> -> memref<2048xi32, #tpu.memory_space<vmem>>
      %dma_start3A_156 = arith.constant 0 : i32
      %dma_start3A_157 = tpu.memref_slice %arg9[%add3A_129, %dma_start3A_156] : memref<16x2048xi32, #tpu.memory_space<vmem_shared>> -> memref<1x2048xi32, #tpu.memory_space<vmem_shared>>
      %dma_start3A_158 = tpu.memref_squeeze %dma_start3A_157 : memref<1x2048xi32, #tpu.memory_space<vmem_shared>> -> memref<2048xi32, #tpu.memory_space<vmem_shared>>
      %dma_start3A_159 = arith.constant 6144 : i32
      %dma_start3A_160 = tpu.memref_slice %arg7[%dma_start3A_159] : memref<8192xi32, #tpu.memory_space<vmem>> -> memref<2048xi32, #tpu.memory_space<vmem>>
      %dma_start3A_161 = arith.constant 0 : i32
      %dma_start3A_162 = tpu.memref_slice %arg9[%add3A_129, %dma_start3A_161] : memref<16x2048xi32, #tpu.memory_space<vmem_shared>> -> memref<1x2048xi32, #tpu.memory_space<vmem_shared>>
      %dma_start3A_163 = tpu.memref_squeeze %dma_start3A_162 : memref<1x2048xi32, #tpu.memory_space<vmem_shared>> -> memref<2048xi32, #tpu.memory_space<vmem_shared>>
      tpu.enqueue_dma source(%dma_start3A_163 : memref<2048xi32, #tpu.memory_space<vmem_shared>>) target(%dma_start3A_160 : memref<2048xi32, #tpu.memory_space<vmem>>) target_semaphore(%run_scoped3A : memref<!tpu.dma_semaphore, #tpu.memory_space<semaphore_mem>>)
      %dma_wait3A = arith.constant 6144 : i32
      %dma_wait3A_164 = tpu.memref_slice %arg7[%dma_wait3A] : memref<8192xi32, #tpu.memory_space<vmem>> -> memref<2048xi32, #tpu.memory_space<vmem>>
      %dma_wait3A_165 = arith.constant 0 : i32
      %dma_wait3A_166 = tpu.memref_slice %arg9[%add3A_129, %dma_wait3A_165] : memref<16x2048xi32, #tpu.memory_space<vmem_shared>> -> memref<1x2048xi32, #tpu.memory_space<vmem_shared>>
      %dma_wait3A_167 = tpu.memref_squeeze %dma_wait3A_166 : memref<1x2048xi32, #tpu.memory_space<vmem_shared>> -> memref<2048xi32, #tpu.memory_space<vmem_shared>>
      %dma_wait3A_168 = arith.constant 6144 : i32
      %dma_wait3A_169 = tpu.memref_slice %arg7[%dma_wait3A_168] : memref<8192xi32, #tpu.memory_space<vmem>> -> memref<2048xi32, #tpu.memory_space<vmem>>
      %dma_wait3A_170 = arith.constant 0 : i32
      %dma_wait3A_171 = tpu.memref_slice %arg9[%add3A_129, %dma_wait3A_170] : memref<16x2048xi32, #tpu.memory_space<vmem_shared>> -> memref<1x2048xi32, #tpu.memory_space<vmem_shared>>
      %dma_wait3A_172 = tpu.memref_squeeze %dma_wait3A_171 : memref<1x2048xi32, #tpu.memory_space<vmem_shared>> -> memref<2048xi32, #tpu.memory_space<vmem_shared>>
      tpu.wait_dma2 semaphore(%run_scoped3A : memref<!tpu.dma_semaphore, #tpu.memory_space<semaphore_mem>>) src(%dma_wait3A_172 : memref<2048xi32, #tpu.memory_space<vmem_shared>>) dst(%dma_wait3A_169 : memref<2048xi32, #tpu.memory_space<vmem>>)
      tpu.yield
    }) : () -> ()
    %barrier3A_130 = arith.constant 0 : index
    tpu.barrier barrier_id(%barrier3A_130)
    %scan3A_131 = arith.constant 0 : i32
    %scan3A_132 = arith.constant 0 : i32
    %scan3A_133 = arith.constant 128 : i32
    %scan3A_134 = arith.addi %scan3A_132, %scan3A_133 : i32
    %scan3A_135 = arith.constant 1 : i32
    scf.for %scan3A_155 = %scan3A_132 to %scan3A_134 step %scan3A_135  : i32 {
      %mul3A_156 = arith.constant 16 : i32
      %mul3A_157 = arith.muli %scan3A_155, %mul3A_156 : i32
      %get3A = arith.index_cast %mul3A_157 : i32 to index
      %get3A_158 = tpu.vector_load %arg7[%get3A] {strides = array<i32>} : memref<8192xi32, #tpu.memory_space<vmem>>, vector<16xi32>,
      %mul3A_159 = arith.constant 16 : i32
      %mul3A_160 = arith.muli %scan3A_155, %mul3A_159 : i32
      %add3A_161 = arith.constant 2048 : i32
      %add3A_162 = arith.addi %add3A_161, %mul3A_160 : i32
      %get3A_163 = arith.index_cast %add3A_162 : i32 to index
      %get3A_164 = tpu.vector_load %arg7[%get3A_163] {strides = array<i32>} : memref<8192xi32, #tpu.memory_space<vmem>>, vector<16xi32>,
      %add3A_165 = arith.addi %get3A_158, %get3A_164 : vector<16xi32>
      %mul3A_166 = arith.constant 16 : i32
      %mul3A_167 = arith.muli %scan3A_155, %mul3A_166 : i32
      %add3A_168 = arith.constant 4096 : i32
      %add3A_169 = arith.addi %add3A_168, %mul3A_167 : i32
      %get3A_170 = arith.index_cast %add3A_169 : i32 to index
      %get3A_171 = tpu.vector_load %arg7[%get3A_170] {strides = array<i32>} : memref<8192xi32, #tpu.memory_space<vmem>>, vector<16xi32>,
      %add3A_172 = arith.addi %add3A_165, %get3A_171 : vector<16xi32>
      %mul3A_173 = arith.constant 16 : i32
      %mul3A_174 = arith.muli %scan3A_155, %mul3A_173 : i32
      %add3A_175 = arith.constant 6144 : i32
      %add3A_176 = arith.addi %add3A_175, %mul3A_174 : i32
      %get3A_177 = arith.index_cast %add3A_176 : i32 to index
      %get3A_178 = tpu.vector_load %arg7[%get3A_177] {strides = array<i32>} : memref<8192xi32, #tpu.memory_space<vmem>>, vector<16xi32>,
      %add3A_179 = arith.addi %add3A_172, %get3A_178 : vector<16xi32>
      %mul3A_180 = arith.constant 16 : i32
      %mul3A_181 = arith.muli %scan3A_155, %mul3A_180 : i32
      %swap3A = arith.index_cast %mul3A_181 : i32 to index
      %swap3A_182 = tpu.vector_load %arg6[%swap3A] {strides = array<i32>} : memref<2048xi32, #tpu.memory_space<vmem>>, vector<16xi32>,
      tpu.vector_store %arg6[%swap3A], %add3A_179 {strides = array<i32>} : memref<2048xi32, #tpu.memory_space<vmem>>, vector<16xi32>,
    }
    %scan3A_136 = arith.constant 128 : i32
    %sub3A_137 = arith.constant 52429 : i32
    %sub3A_138 = arith.subi %sub3A_137, %scan3A_93#2 : i32
    %scan3A_139 = arith.constant 0 : i32
    %scan3A_140 = arith.constant 0 : i32
    %scan3A_141 = arith.constant 0 : i32
    %scan3A_142 = arith.constant 0 : i32
    %scan3A_143 = arith.constant 0 : i32
    %scan3A_144 = arith.constant 128 : i32
    %scan3A_145 = arith.addi %scan3A_143, %scan3A_144 : i32
    %scan3A_146 = arith.constant 1 : i32
    %scan3A_147:4 = scf.for %scan3A_155 = %scan3A_143 to %scan3A_145 step %scan3A_146 iter_args(%scan3A_156 = %scan3A_139, %scan3A_157 = %scan3A_140, %scan3A_158 = %scan3A_141, %scan3A_159 = %scan3A_142) -> (i32, i32, i32, i32)  : i32 {
      %sub3A_160 = arith.constant 127 : i32
      %sub3A_161 = arith.subi %sub3A_160, %scan3A_155 : i32
      %mul3A_162 = arith.constant 16 : i32
      %mul3A_163 = arith.muli %sub3A_161, %mul3A_162 : i32
      %get3A = arith.index_cast %mul3A_163 : i32 to index
      %get3A_164 = tpu.vector_load %arg6[%get3A] {strides = array<i32>} : memref<2048xi32, #tpu.memory_space<vmem>>, vector<16xi32>,
      %rev3A = arith.constant 15 : i32
      %rev3A_165 = vector.broadcast %rev3A : i32 to vector<16xi32>
      %rev3A_166 = tpu.iota {dimensions = array<i32: 0>} : vector<16xi32>
      %rev3A_167 = arith.subi %rev3A_165, %rev3A_166 : vector<16xi32>
      %rev3A_168 = tpu.dynamic_gather %get3A_164[%rev3A_167] in [0] : vector<16xi32>, vector<16xi32> -> vector<16xi32>
      %broadcast_in_dim3A_169 = arith.constant true
      %broadcast_in_dim3A_170 = vector.broadcast %broadcast_in_dim3A_169 : i1 to vector<16xi1>
      %masked_cumsum3A = tpu.scan <sum>, %rev3A_168 masked %broadcast_in_dim3A_170 : vector<16xi32>, vector<16xi1> -> vector<16xi32>
      %add3A_171 = vector.broadcast %scan3A_159 : i32 to vector<16xi32>
      %add3A_172 = arith.addi %add3A_171, %masked_cumsum3A : vector<16xi32>
      %sub3A_173 = arith.subi %add3A_172, %rev3A_168 : vector<16xi32>
      %ge3A = vector.broadcast %sub3A_138 : i32 to vector<16xi32>
      %ge3A_174 = arith.cmpi sge, %add3A_172, %ge3A : vector<16xi32>
      %jit3A_175 = arith.constant 16 : i32
      %broadcast_in_dim3A_176 = vector.broadcast %jit3A_175 : i32 to vector<16xi32>
      %select_n3A_177 = arith.select %ge3A_174, %iota3A, %broadcast_in_dim3A_176 : vector<16xi1>, vector<16xi32>
      %reduce_min3A = arith.constant true
      %reduce_min3A_178 = vector.broadcast %reduce_min3A : i1 to vector<16xi1>
      %reduce_min3A_179 = arith.constant -2147483648 : i32
      %reduce_min3A_180 = vector.broadcast %reduce_min3A_179 : i32 to vector<16xi32>
      %reduce_min3A_181 = arith.xori %select_n3A_177, %reduce_min3A_180 : vector<16xi32>
      %reduce_min3A_182 = tpu.scan <min>, %reduce_min3A_181 masked %reduce_min3A_178 : vector<16xi32>, vector<16xi1> -> vector<16xi32>
      %reduce_min3A_183 = arith.xori %reduce_min3A_182, %reduce_min3A_180 : vector<16xi32>
      %reduce_min3A_184 = vector.extract %reduce_min3A_183[15] : i32 from vector<16xi32>
      %lt3A_185 = arith.constant 16 : i32
      %lt3A_186 = arith.cmpi slt, %reduce_min3A_184, %lt3A_185 : i32
      %mul3A_187 = arith.constant 16 : i32
      %mul3A_188 = arith.muli %sub3A_161, %mul3A_187 : i32
      %add3A_189 = arith.constant 15 : i32
      %add3A_190 = arith.addi %mul3A_188, %add3A_189 : i32
      %sub3A_191 = arith.subi %add3A_190, %reduce_min3A_184 : i32
      %eq3A_192 = vector.broadcast %reduce_min3A_184 : i32 to vector<16xi32>
      %eq3A_193 = arith.cmpi eq, %iota3A, %eq3A_192 : vector<16xi32>
      %jit3A_194 = arith.constant 0 : i32
      %broadcast_in_dim3A_195 = vector.broadcast %jit3A_194 : i32 to vector<16xi32>
      %select_n3A_196 = arith.select %eq3A_193, %sub3A_173, %broadcast_in_dim3A_195 : vector<16xi1>, vector<16xi32>
      %reduce_sum3A = arith.constant true
      %reduce_sum3A_197 = vector.broadcast %reduce_sum3A : i1 to vector<16xi1>
      %reduce_sum3A_198 = tpu.scan <sum>, %select_n3A_196 masked %reduce_sum3A_197 : vector<16xi32>, vector<16xi1> -> vector<16xi32>
      %reduce_sum3A_199 = vector.extract %reduce_sum3A_198[15] : i32 from vector<16xi32>
      %eq3A_200 = arith.constant 0 : i32
      %eq3A_201 = arith.cmpi eq, %scan3A_156, %eq3A_200 : i32
      %and3A_202 = arith.andi %lt3A_186, %eq3A_201 : i1
      %jit3A_203 = arith.constant 1 : i32
      %select_n3A_204 = arith.select %and3A_202, %jit3A_203, %scan3A_156 : i32
      %select_n3A_205 = arith.select %and3A_202, %sub3A_191, %scan3A_157 : i32
      %select_n3A_206 = arith.select %and3A_202, %reduce_sum3A_199, %scan3A_158 : i32
      %reduce_sum3A_207 = arith.constant true
      %reduce_sum3A_208 = vector.broadcast %reduce_sum3A_207 : i1 to vector<16xi1>
      %reduce_sum3A_209 = tpu.scan <sum>, %get3A_164 masked %reduce_sum3A_208 : vector<16xi32>, vector<16xi1> -> vector<16xi32>
      %reduce_sum3A_210 = vector.extract %reduce_sum3A_209[15] : i32 from vector<16xi32>
      %add3A_211 = arith.addi %scan3A_159, %reduce_sum3A_210 : i32
      scf.yield %select_n3A_204, %select_n3A_205, %select_n3A_206, %add3A_211 : i32, i32, i32, i32
    }
    %scan3A_148 = arith.constant 128 : i32
    %shift_left3A = arith.constant 20 : i32
    %shift_left3A_149 = arith.shli %scan3A_93#1, %shift_left3A : i32
    %shift_left3A_150 = arith.constant 9 : i32
    %shift_left3A_151 = arith.shli %scan3A_147#1, %shift_left3A_150 : i32
    %or3A = arith.ori %shift_left3A_149, %shift_left3A_151 : i32
    %eq3A_152 = arith.constant 0 : i32
    %eq3A_153 = arith.cmpi eq, %select_n3A_7, %eq3A_152 : i32
    %convert_element_type3A = arith.extui %eq3A_153 : i1 to i32
    %cond3A = arith.constant 0 : i32
    %cond3A_154 = arith.cmpi ne, %convert_element_type3A, %cond3A : i32
    scf.if %cond3A_154 {
      %broadcast_in_dim3A_155 = vector.broadcast %or3A : i32 to vector<16xi32>
      %swap3A = arith.constant 0 : index
      %swap3A_156 = tpu.vector_load %arg8[%swap3A] {strides = array<i32>} : memref<16xi32, #tpu.memory_space<vmem>>, vector<16xi32>,
      tpu.vector_store %arg8[%swap3A], %broadcast_in_dim3A_155 {strides = array<i32>} : memref<16xi32, #tpu.memory_space<vmem>>, vector<16xi32>,
      "tpu.region"() ({
        %run_scoped3A = tpu.sem_alloc : memref<!tpu.dma_semaphore, #tpu.memory_space<semaphore_mem>>
        %dma_start3A = arith.constant 0 : i32
        %dma_start3A_157 = tpu.memref_slice %arg3[%add3A_30, %dma_start3A] : memref<8x16xi32, #tpu.memory_space<hbm>> -> memref<1x16xi32, #tpu.memory_space<hbm>>
        %dma_start3A_158 = tpu.memref_squeeze %dma_start3A_157 : memref<1x16xi32, #tpu.memory_space<hbm>> -> memref<16xi32, #tpu.memory_space<hbm>>
        %dma_start3A_159 = arith.constant 0 : i32
        %dma_start3A_160 = tpu.memref_slice %arg3[%add3A_30, %dma_start3A_159] : memref<8x16xi32, #tpu.memory_space<hbm>> -> memref<1x16xi32, #tpu.memory_space<hbm>>
        %dma_start3A_161 = tpu.memref_squeeze %dma_start3A_160 : memref<1x16xi32, #tpu.memory_space<hbm>> -> memref<16xi32, #tpu.memory_space<hbm>>
        tpu.enqueue_dma source(%arg8 : memref<16xi32, #tpu.memory_space<vmem>>) target(%dma_start3A_161 : memref<16xi32, #tpu.memory_space<hbm>>) target_semaphore(%run_scoped3A : memref<!tpu.dma_semaphore, #tpu.memory_space<semaphore_mem>>)
        %dma_wait3A = arith.constant 0 : i32
        %dma_wait3A_162 = tpu.memref_slice %arg3[%add3A_30, %dma_wait3A] : memref<8x16xi32, #tpu.memory_space<hbm>> -> memref<1x16xi32, #tpu.memory_space<hbm>>
        %dma_wait3A_163 = tpu.memref_squeeze %dma_wait3A_162 : memref<1x16xi32, #tpu.memory_space<hbm>> -> memref<16xi32, #tpu.memory_space<hbm>>
        %dma_wait3A_164 = arith.constant 0 : i32
        %dma_wait3A_165 = tpu.memref_slice %arg3[%add3A_30, %dma_wait3A_164] : memref<8x16xi32, #tpu.memory_space<hbm>> -> memref<1x16xi32, #tpu.memory_space<hbm>>
        %dma_wait3A_166 = tpu.memref_squeeze %dma_wait3A_165 : memref<1x16xi32, #tpu.memory_space<hbm>> -> memref<16xi32, #tpu.memory_space<hbm>>
        tpu.wait_dma2 semaphore(%run_scoped3A : memref<!tpu.dma_semaphore, #tpu.memory_space<semaphore_mem>>) src(%arg8 : memref<16xi32, #tpu.memory_space<vmem>>) dst(%dma_wait3A_166 : memref<16xi32, #tpu.memory_space<hbm>>)
        tpu.yield
      }) : () -> ()
    } else {
    }
    return
  }
}

module attributes {stable_mosaic.version = 14 : i64} {
  func.func @_loss_kernel(%arg0: i32, %arg1: i32, %arg2: memref<1x1x512x128xi32, #tpu.memory_space<vmem>>, %arg3: memref<1x19x512x128xf32, #tpu.memory_space<vmem>>, %arg4: memref<1x1x512x128xf32, #tpu.memory_space<vmem>>, %arg5: memref<1x512x128xi32, #tpu.memory_space<vmem>>) attributes {dimension_semantics = [#tpu.dimension_semantics<arbitrary>, #tpu.dimension_semantics<arbitrary>], iteration_bounds = array<i64: 8, 4>, scalar_prefetch = 0 : i64, scratch_operands = 0 : i64, tpu.core_type = #tpu.core_type<tc>, window_params = [{transform_indices = @transform_0, window_bounds = array<i64: 1, 1, 512, 128>}, {transform_indices = @transform_1, window_bounds = array<i64: 1, 19, 512, 128>}, {transform_indices = @transform_2, window_bounds = array<i64: 1, 1, 512, 128>}, {transform_indices = @transform_3, window_bounds = array<i64: 1, 512, 128>}]} {
    %get3A = arith.constant 0 : index
    %get3A_0 = arith.constant 0 : index
    %get3A_1 = arith.constant 0 : index
    %get3A_2 = arith.constant 0 : index
    %get3A_3 = vector.load %arg3[%get3A, %get3A_0, %get3A_1, %get3A_2] : memref<1x19x512x128xf32, #tpu.memory_space<vmem>>, vector<1x19x512x128xf32>
    %get3A_4 = vector.shape_cast %get3A_3 : vector<1x19x512x128xf32> to vector<19x512x128xf32>
    %get3A_5 = arith.constant 0 : index
    %get3A_6 = arith.constant 0 : index
    %get3A_7 = arith.constant 0 : index
    %get3A_8 = arith.constant 0 : index
    %get3A_9 = vector.load %arg2[%get3A_5, %get3A_6, %get3A_7, %get3A_8] : memref<1x1x512x128xi32, #tpu.memory_space<vmem>>, vector<1x1x512x128xi32>
    %get3A_10 = vector.shape_cast %get3A_9 : vector<1x1x512x128xi32> to vector<512x128xi32>
    %get3A_11 = arith.constant 0 : index
    %get3A_12 = arith.constant 0 : index
    %get3A_13 = arith.constant 0 : index
    %get3A_14 = arith.constant 0 : index
    %get3A_15 = vector.load %arg4[%get3A_11, %get3A_12, %get3A_13, %get3A_14] : memref<1x1x512x128xf32, #tpu.memory_space<vmem>>, vector<1x1x512x128xf32>
    %get3A_16 = vector.shape_cast %get3A_15 : vector<1x1x512x128xf32> to vector<512x128xf32>
    %reduce_max3A = arith.constant dense<0xFF800000> : vector<512x128xf32>
    %reduce_max3A_17 = vector.multi_reduction <maximumf>, %get3A_4, %reduce_max3A [0] : vector<19x512x128xf32> to vector<512x128xf32>
    %broadcast_in_dim3A = vector.shape_cast %reduce_max3A_17 : vector<512x128xf32> to vector<1x512x128xf32>
    %sub3A = vector.broadcast %broadcast_in_dim3A : vector<1x512x128xf32> to vector<19x512x128xf32>
    %sub3A_18 = arith.subf %get3A_4, %sub3A : vector<19x512x128xf32>
    %exp3A = math.exp %sub3A_18 : vector<19x512x128xf32>
    %reduce_sum3A = arith.constant dense<0.000000e+00> : vector<512x128xf32>
    %reduce_sum3A_19 = vector.multi_reduction <add>, %exp3A, %reduce_sum3A [0] : vector<19x512x128xf32> to vector<512x128xf32>
    %log3A = math.log %reduce_sum3A_19 : vector<512x128xf32>
    %add3A = arith.addf %log3A, %reduce_max3A_17 : vector<512x128xf32>
    %iota3A = tpu.iota {dimensions = array<i32: 0>} : vector<19x512x128xi32>
    %broadcast_in_dim3A_20 = vector.shape_cast %get3A_10 : vector<512x128xi32> to vector<1x512x128xi32>
    %eq3A = vector.broadcast %broadcast_in_dim3A_20 : vector<1x512x128xi32> to vector<19x512x128xi32>
    %eq3A_21 = arith.cmpi eq, %iota3A, %eq3A : vector<19x512x128xi32>
    %jit3A = arith.constant 0.000000e+00 : f32
    %broadcast_in_dim3A_22 = vector.broadcast %jit3A : f32 to vector<19x512x128xf32>
    %select_n3A = arith.select %eq3A_21, %get3A_4, %broadcast_in_dim3A_22 : vector<19x512x128xi1>, vector<19x512x128xf32>
    %reduce_sum3A_23 = arith.constant dense<0.000000e+00> : vector<512x128xf32>
    %reduce_sum3A_24 = vector.multi_reduction <add>, %select_n3A, %reduce_sum3A_23 [0] : vector<19x512x128xf32> to vector<512x128xf32>
    %sub3A_25 = arith.subf %add3A, %reduce_sum3A_24 : vector<512x128xf32>
    %ne3A = arith.constant 255 : i32
    %ne3A_26 = vector.broadcast %ne3A : i32 to vector<512x128xi32>
    %ne3A_27 = arith.cmpi ne, %get3A_10, %ne3A_26 : vector<512x128xi32>
    %jit3A_28 = arith.constant 0.000000e+00 : f32
    %broadcast_in_dim3A_29 = vector.broadcast %jit3A_28 : f32 to vector<512x128xf32>
    %select_n3A_30 = arith.select %ne3A_27, %sub3A_25, %broadcast_in_dim3A_29 : vector<512x128xi1>, vector<512x128xf32>
    %mul3A = arith.mulf %select_n3A_30, %get3A_16 : vector<512x128xf32>
    %max3A = arith.constant 0.000000e+00 : f32
    %max3A_31 = vector.broadcast %max3A : f32 to vector<512x128xf32>
    %max3A_32 = arith.maximumf %mul3A, %max3A_31 : vector<512x128xf32>
    %bitcast_convert_type3A = tpu.bitcast %max3A_32 : vector<512x128xf32> -> vector<512x128xi32>
    %broadcast_in_dim3A_33 = vector.shape_cast %bitcast_convert_type3A : vector<512x128xi32> to vector<1x512x128xi32>
    %swap3A = arith.constant 0 : index
    %swap3A_34 = arith.constant 0 : index
    %swap3A_35 = arith.constant 0 : index
    %swap3A_36 = vector.load %arg5[%swap3A, %swap3A_34, %swap3A_35] : memref<1x512x128xi32, #tpu.memory_space<vmem>>, vector<1x512x128xi32>
    tpu.vector_store %arg5[%swap3A, %swap3A_34, %swap3A_35], %broadcast_in_dim3A_33 {strides = array<i32>} : memref<1x512x128xi32, #tpu.memory_space<vmem>>, vector<1x512x128xi32>,
    return
  }
  func.func @transform_0(%arg0: i32, %arg1: i32) -> (i32, i32, i32, i32) {
    %c0_i32 = arith.constant 0 : i32
    %c0_i32_0 = arith.constant 0 : i32
    %c0_i32_1 = arith.constant 0 : i32
    return %arg0, %c0_i32, %c0_i32_0, %arg1 : i32, i32, i32, i32
  }
  func.func @transform_1(%arg0: i32, %arg1: i32) -> (i32, i32, i32, i32) {
    %c0_i32 = arith.constant 0 : i32
    %c0_i32_0 = arith.constant 0 : i32
    %c0_i32_1 = arith.constant 0 : i32
    return %arg0, %c0_i32, %c0_i32_0, %arg1 : i32, i32, i32, i32
  }
  func.func @transform_2(%arg0: i32, %arg1: i32) -> (i32, i32, i32, i32) {
    %c0_i32 = arith.constant 0 : i32
    %c0_i32_0 = arith.constant 0 : i32
    %c0_i32_1 = arith.constant 0 : i32
    return %arg0, %c0_i32, %c0_i32_0, %arg1 : i32, i32, i32, i32
  }
  func.func @transform_3(%arg0: i32, %arg1: i32) -> (i32, i32, i32) {
    %c0_i32 = arith.constant 0 : i32
    %c0_i32_0 = arith.constant 0 : i32
    return %arg0, %c0_i32, %arg1 : i32, i32, i32
  }
}

module attributes {stable_mosaic.version = 14 : i64} {
  func.func @_final_kernel(%arg0: i32, %arg1: memref<1x512x512xi32, #tpu.memory_space<vmem>>, %arg2: memref<1x1x16xi32, #tpu.memory_space<vmem>>, %arg3: memref<1x1x1xf32, #tpu.memory_space<vmem>>) attributes {dimension_semantics = [#tpu.dimension_semantics<arbitrary>], iteration_bounds = array<i64: 8>, scalar_prefetch = 0 : i64, scratch_operands = 0 : i64, tpu.core_type = #tpu.core_type<tc>, window_params = [{transform_indices = @transform_0, window_bounds = array<i64: 1, 512, 512>}, {transform_indices = @transform_1, window_bounds = array<i64: 1, 1, 16>}, {transform_indices = @transform_2, window_bounds = array<i64: 1, 1, 1>}]} {
    %get3A = arith.constant 0 : index
    %get3A_0 = arith.constant 0 : index
    %get3A_1 = arith.constant 0 : index
    %get3A_2 = vector.load %arg1[%get3A, %get3A_0, %get3A_1] : memref<1x512x512xi32, #tpu.memory_space<vmem>>, vector<1x512x512xi32>
    %get3A_3 = vector.shape_cast %get3A_2 : vector<1x512x512xi32> to vector<512x512xi32>
    %get3A_4 = arith.constant 0 : index
    %get3A_5 = arith.constant 0 : index
    %get3A_6 = arith.constant 0 : index
    %get3A_7 = vector.load %arg2[%get3A_4, %get3A_5, %get3A_6] : memref<1x1x16xi32, #tpu.memory_space<vmem>>, vector<1x1x16xi32>
    %get3A_8 = vector.shape_cast %get3A_7 : vector<1x1x16xi32> to vector<16xi32>
    %reduce_max3A = vector.shape_cast %get3A_8 : vector<16xi32> to vector<1x16xi32>
    %reduce_max3A_9 = arith.constant dense<-2147483648> : vector<1xi32>
    %reduce_max3A_10 = vector.multi_reduction <maxsi>, %reduce_max3A, %reduce_max3A_9 [1] : vector<1x16xi32> to vector<1xi32>
    %reduce_max3A_11 = vector.shape_cast %reduce_max3A_10 : vector<1xi32> to vector<1x1xi32>
    %reduce_max3A_12 = vector.extract %reduce_max3A_11[0, 0] : i32 from vector<1x1xi32>
    %add3A = arith.constant 512 : i32
    %add3A_13 = arith.addi %reduce_max3A_12, %add3A : i32
    %sub3A = arith.constant 1 : i32
    %sub3A_14 = arith.subi %add3A_13, %sub3A : i32
    %gt3A = vector.broadcast %sub3A_14 : i32 to vector<512x512xi32>
    %gt3A_15 = arith.cmpi sgt, %get3A_3, %gt3A : vector<512x512xi32>
    %convert_element_type3A = arith.extui %gt3A_15 : vector<512x512xi1> to vector<512x512xi32>
    %reduce_sum3A = vector.shape_cast %convert_element_type3A : vector<512x512xi32> to vector<1x512x512xi32>
    %reduce_sum3A_16 = arith.constant dense<0> : vector<1xi32>
    %reduce_sum3A_17 = vector.multi_reduction <add>, %reduce_sum3A, %reduce_sum3A_16 [1, 2] : vector<1x512x512xi32> to vector<1xi32>
    %reduce_sum3A_18 = vector.shape_cast %reduce_sum3A_17 : vector<1xi32> to vector<1x1x1xi32>
    %reduce_sum3A_19 = vector.extract %reduce_sum3A_18[0, 0, 0] : i32 from vector<1x1x1xi32>
    %bitcast_convert_type3A = tpu.bitcast %get3A_3 : vector<512x512xi32> -> vector<512x512xf32>
    %jit3A = arith.constant 0.000000e+00 : f32
    %broadcast_in_dim3A = vector.broadcast %jit3A : f32 to vector<512x512xf32>
    %select_n3A = arith.select %gt3A_15, %bitcast_convert_type3A, %broadcast_in_dim3A : vector<512x512xi1>, vector<512x512xf32>
    %reduce_sum3A_20 = vector.shape_cast %select_n3A : vector<512x512xf32> to vector<1x512x512xf32>
    %reduce_sum3A_21 = arith.constant dense<0.000000e+00> : vector<1xf32>
    %reduce_sum3A_22 = vector.multi_reduction <add>, %reduce_sum3A_20, %reduce_sum3A_21 [1, 2] : vector<1x512x512xf32> to vector<1xf32>
    %reduce_sum3A_23 = vector.shape_cast %reduce_sum3A_22 : vector<1xf32> to vector<1x1x1xf32>
    %reduce_sum3A_24 = vector.extract %reduce_sum3A_23[0, 0, 0] : f32 from vector<1x1x1xf32>
    %add3A_25 = arith.constant 256 : i32
    %add3A_26 = arith.addi %reduce_max3A_12, %add3A_25 : i32
    %bitcast_convert_type3A_27 = arith.bitcast %add3A_26 : i32 to f32
    %sub3A_28 = arith.constant 52429 : i32
    %sub3A_29 = arith.subi %sub3A_28, %reduce_sum3A_19 : i32
    %convert_element_type3A_30 = arith.sitofp %sub3A_29 : i32 to f32
    %mul3A = arith.mulf %convert_element_type3A_30, %bitcast_convert_type3A_27 : f32
    %add3A_31 = arith.addf %reduce_sum3A_24, %mul3A : f32
    %mul3A_32 = arith.constant 2.3841767E-6 : f32
    %mul3A_33 = arith.mulf %add3A_31, %mul3A_32 : f32
    %broadcast_in_dim3A_34 = vector.broadcast %mul3A_33 : f32 to vector<1x1x1xf32>
    %swap3A = arith.constant 0 : index
    %swap3A_35 = arith.constant 0 : index
    %swap3A_36 = arith.constant 0 : index
    %swap3A_37 = vector.load %arg3[%swap3A, %swap3A_35, %swap3A_36] : memref<1x1x1xf32, #tpu.memory_space<vmem>>, vector<1x1x1xf32>
    tpu.vector_store %arg3[%swap3A, %swap3A_35, %swap3A_36], %broadcast_in_dim3A_34 {strides = array<i32>} : memref<1x1x1xf32, #tpu.memory_space<vmem>>, vector<1x1x1xf32>,
    return
  }
  func.func @transform_0(%arg0: i32) -> (i32, i32, i32) {
    %c0_i32 = arith.constant 0 : i32
    %c0_i32_0 = arith.constant 0 : i32
    %c0_i32_1 = arith.constant 0 : i32
    return %arg0, %c0_i32, %c0_i32_0 : i32, i32, i32
  }
  func.func @transform_1(%arg0: i32) -> (i32, i32, i32) {
    %c0_i32 = arith.constant 0 : i32
    %c0_i32_0 = arith.constant 0 : i32
    %c0_i32_1 = arith.constant 0 : i32
    return %arg0, %c0_i32, %c0_i32_0 : i32, i32, i32
  }
  func.func @transform_2(%arg0: i32) -> (i32, i32, i32) {
    %c0_i32 = arith.constant 0 : i32
    %c0_i32_0 = arith.constant 0 : i32
    %c0_i32_1 = arith.constant 0 : i32
    return %arg0, %c0_i32, %c0_i32_0 : i32, i32, i32
  }
}

</mosaic_0001>

<sc_bundles>
// kernel: kernel.5.cloned.1.call-start
scs
__scs_entry_jumppad:
0x0: {  	(pc) =	sbr.rel $0x88, $3  }
0x1: {  	(tag) =	ssettag $0x0;
	lr =	simm.s32 $0x1  }
0x2: {  	[smem:$0x3F9E] =	sst lr;
	_ =	strace $0xD0000000  }
0x3: {  	_ = 	snop  }
0x4: {  	_ = 	snop  }
0x5: {  	_ = 	snop  }
0x6: {  	_ = 	snop  }
0x7: {  	_ = 	snop  }
__scs_overlays_trampoline_lowered:
0x8: {  	[smem:$0x3FAD] =	sst s0  }
0x9: {  	[smem:$0x3FAE] =	sst s1  }
0xa: {  	[smem:$0x3FAF] =	sst s2  }
0xb: {  	[smem:$0x3FB0] =	sst s3  }
0xc: {  	[smem:$0x3FB1] =	sst s4  }
0xd: {  	[smem:$0x3FB2] =	sst s5  }
0xe: {  	[smem:$0x3FB3] =	sst s6  }
0xf: {  	[smem:$0x3FB4] =	sst s7  }
0x10: {  	[smem:$0x3FB5] =	sst s8  }
0x11: {  	[smem:$0x3FB6] =	sst s9;
	s0 =	simm.s32 @!p0 $0x0  }
0x12: {  	s1 =	sld [smem:$0x3F9C];
	s0 =	simm.s32 @p0 $0x1  }
0x13: {  	[smem:$0x3FB7] =	sst s0;
	s0 =	simm.s32 @!p1 $0x0  }
0x14: {  	s2 =	sld [smem:$0x3F9B];
	s0 =	simm.s32 @p1 $0x1  }
0x15: {  	[smem:$0x3FB8] =	sst s0;
	s0 =	simm.s32 @!p2 $0x0  }
0x16: {  	s3 =	sld [smem:$0x3FDB];
	s0 =	simm.s32 @p2 $0x1  }
0x17: {  	s4 =	simm.s32 $0x1BF5;
	[smem:$0x3FBA] =	sst s0  }
0x18: {  	s0 =	sld [smem:$0x3F9D];
	_ =	swait.ge [sflag:s4], $0x0  }
0x19: {  	s7 =	sld [smem:$0x3F9E]  }
0x1a: {  	s8 =	sadd.s32 $0xFFFFE003, lr  }
0x1b: {  	s9 =	sadd.s32 $0xFFFFFEF7, lr;
	s5 =	simm.s32 $0xFFFFFFFF;
	p2 =	slt.u32 s8, $0xFFFFF086  }
0x1c: {  	p1 =	slt.u32 s9, $0xF7A;
	s5 =	simm.s32 @!p2 $0x0  }
0x1d: {  	s5 =	simm.s32 @p1 $0x1;
	p0 =	seq.s32 s7, s2  }
0x1e: {  	s7 =	smul.u32 @!p0 $0xF7A, s2;
	p2 =	seq.s32 @!p0 s5, $0x0  }
0x1f: {  	s9 =	smul.u32 $0xF7A, s1;
	s8 =	simm.s32 @!p0 $0x1BF5;
	p2 =	por !p2, p0  }
0x20: {  	[sflag:s8] =	ssyncset.s32 @!p0 $0xFFFFF086;
	s6 =	sadd.s32 @!p0 s3, s7;
	s7 =	simm.s32 @!p0 $0x108  }
0x21: {  	s3 =	sadd.s32 s3, s9;
	s6 =	sadd.s32 @!p0 $0x88, s6;
	s7 =	simm.s32 @p2 $0x1082  }
0x22: {  	[simem:s7], [sflag:s8] =	dma.local @!p0 [hbm:s6], $0xF7A  }
0x23: {  	s9 =	sor.u32 $0xD0000000, s2;
	s6 =	simm.s32 $0x108;
	_ =	swait.ge @!p0 [sflag:s8], $0x0  }
0x24: {  	s3 =	sadd.s32 $0x88, s3;
	s6 =	simm.s32 @!p1 $0x1082;
	[sflag:s4] =	ssyncset.s32 $0xFFFFF086  }
0x25: {  	[simem:s6], [sflag:s4] =	dma.local [hbm:s3], $0xF7A  }
0x26: {  	[smem:$0x3F9E] =	sst s1;
	(tag) =	ssettag s2;
	_ =	strace s9  }
0x27: {  	s1 =	sld [smem:$0x3FAE]  }
0x28: {  	s2 =	sld [smem:$0x3FAF]  }
0x29: {  	s4 =	sld [smem:$0x3FB1]  }
0x2a: {  	p0 =	seq.s32 s5, $0x0;
	s5 =	sld [smem:$0x3FB2]  }
0x2b: {  	s6 =	sld [smem:$0x3FB3]  }
0x2c: {  	s7 =	sld [smem:$0x3FB4]  }
0x2d: {  	s3 =	simm.s32 $0x108;
	s8 =	sld [smem:$0x3FB5]  }
0x2e: {  	s3 =	simm.s32 @!p0 $0x1082;
	s9 =	sld [smem:$0x3FB6]  }
0x2f: {  	lr =	sadd.s32 s0, s3;
	s0 =	sld [smem:$0x3FAD]  }
0x30: {  	s3 =	sld [smem:$0x3FB0]  }
0x31: {  	[smem:$0x3FB9] =	sst s10  }
0x32: {  	s10 =	sld [smem:$0x3FB7];
	_ =	sdelay $0x3  }
0x33: {  	p0 =	seq.s32 s10, $0x1;
	s10 =	sld [smem:$0x3FB9];
	_ =	sdelay $0x3  }
0x34: {  	[smem:$0x3FB9] =	sst s10  }
0x35: {  	s10 =	sld [smem:$0x3FB8];
	_ =	sdelay $0x3  }
0x36: {  	p1 =	seq.s32 s10, $0x1;
	s10 =	sld [smem:$0x3FB9];
	_ =	sdelay $0x3  }
0x37: {  	[smem:$0x3FB9] =	sst s10  }
0x38: {  	s10 =	sld [smem:$0x3FBA]  }
0x39: {  	_ = 	snop;
	(pc) =	sbr.ind lr, $3  }
0x3a: {  	_ = 	snop  }
0x3b: {  	_ = 	snop  }
0x3c: {  	p2 =	seq.s32 s10, $0x1;
	s10 =	sld [smem:$0x3FB9]  }
0x3d: {  	_ =	shalt  }
0x3e: {  	_ =	shalt  }
0x3f: {  	_ =	shalt  }
0x40: {  	_ =	shalt  }
0x41: {  	_ =	shalt  }
0x42: {  	_ =	shalt  }
0x43: {  	_ =	shalt  }
0x44: {  	_ =	shalt  }
0x45: {  	_ =	shalt  }
0x46: {  	_ =	shalt  }
0x47: {  	_ =	shalt  }
0x48: {  	_ =	shalt  }
0x49: {  	_ =	shalt  }
0x4a: {  	_ =	shalt  }
0x4b: {  	_ =	shalt  }
0x4c: {  	_ =	shalt  }
0x4d: {  	_ =	shalt  }
0x4e: {  	_ =	shalt  }
0x4f: {  	_ =	shalt  }
0x50: {  	_ =	shalt  }
0x51: {  	_ =	shalt  }
0x52: {  	_ =	shalt  }
0x53: {  	_ =	shalt  }
0x54: {  	_ =	shalt  }
0x55: {  	_ =	shalt  }
0x56: {  	_ =	shalt  }
0x57: {  	_ =	shalt  }
0x58: {  	_ =	shalt  }
0x59: {  	_ =	shalt  }
0x5a: {  	_ =	shalt  }
0x5b: {  	_ =	shalt  }
0x5c: {  	_ =	shalt  }
0x5d: {  	_ =	shalt  }
0x5e: {  	_ =	shalt  }
0x5f: {  	_ =	shalt  }
0x60: {  	_ =	shalt  }
0x61: {  	_ =	shalt  }
0x62: {  	_ =	shalt  }
0x63: {  	_ =	shalt  }
0x64: {  	_ =	shalt  }
0x65: {  	_ =	shalt  }
0x66: {  	_ =	shalt  }
0x67: {  	_ =	shalt  }
0x68: {  	_ =	shalt  }
0x69: {  	_ =	shalt  }
0x6a: {  	_ =	shalt  }
0x6b: {  	_ =	shalt  }
0x6c: {  	_ =	shalt  }
0x6d: {  	_ =	shalt  }
0x6e: {  	_ =	shalt  }
0x6f: {  	_ =	shalt  }
0x70: {  	_ =	shalt  }
0x71: {  	_ =	shalt  }
0x72: {  	_ =	shalt  }
0x73: {  	_ =	shalt  }
0x74: {  	_ =	shalt  }
0x75: {  	_ =	shalt  }
0x76: {  	_ =	shalt  }
0x77: {  	_ =	shalt  }
0x78: {  	_ =	shalt  }
0x79: {  	_ =	shalt  }
0x7a: {  	_ =	shalt  }
0x7b: {  	_ =	shalt  }
0x7c: {  	_ =	shalt  }
0x7d: {  	_ =	shalt  }
0x7e: {  	_ =	shalt  }
0x7f: {  	_ =	shalt  }
0x80: {  	_ =	shalt  }
0x81: {  	_ =	shalt  }
0x82: {  	_ =	shalt  }
0x83: {  	_ =	shalt  }
0x84: {  	_ =	shalt  }
0x85: {  	_ =	shalt  }
0x86: {  	_ =	shalt  }
0x87: {  	_ =	shalt  }
.Lfunc_end0:
.L_simem_size_0:
called_computation_lowered:
.L_overlay_start_0:
0x88: {  	s2 =	sld [smem:$0x3FD9]  }
0x89: {  	s3 =	sld [smem:$0x3FFE];
	_ =	sdelay $0x1  }
0x8a: {  	s1 =	srdreg.scid  }
0x8b: {  	s0 =	sand.u32 $0x1, s1  }
0x8c: {  	s16 =	sshll.u32 s0, $0xA;
	s2 =	sadd.s32 s3, s2  }
0x8d: {  	s2 =	sadd.s32 s2, s16  }
0x8e: {  	[smem:$0x3FC5] =	sst s2  }
0x8f: {  	_ = 	snop  }
0x90: {  	(tm) =	ssettm $0x1  }
0x91: {  	s17 =	sld [smem:$0x3FFB];
	_ =	sdelay $0x3  }
0x92: {  	_ =	strace s17  }
0x93: {  	s2 =	sld [smem:$0x3FFC];
	_ =	sdelay $0x3  }
0x94: {  	_ =	strace s2  }
0x95: {  	s2 =	sld [smem:$0x3FFD];
	_ =	sdelay $0x3  }
0x96: {  	_ =	strace s2  }
0x97: {  	_ =	strace $0x8FFFFFFF  }
0x98: {  	s18 =	sld [smem:$0x3FDB];
	_ =	sdelay $0x1  }
0x99: {  	s19 =	simm.s32 $_scs_section_size  }
0x9a: {  	s4 =	simm.s32 $_size__tile_overlayer_lowered;
	s5 =	simm.s32 $_tile_overlayer_lowered  }
0x9b: {  	s22 =	simm.s32 $0x1BFF;
	s21 =	sshll.u32 s5, $0x1;
	s2 =	sadd.s32 s19, s18  }
0x9c: {  	s6 =	simm.s32 $0x0;
	s20 =	sshll.u32 s4, $0x1;
	s4 =	sadd.s32 s21, s2  }
0x9d: {  	[timem:s6], [sflag:s22] =	dma.local [hbm:s4], s20  }
0x9e: {  	_ =	swait.ge [sflag:s22], s20  }
0x9f: {  	s3 =	ssub.s32 $0x0, s20;
	[sflag:s22] =	ssyncset.done $0x0  }
0xa0: {  	[sflag:s22] =	ssyncadd.s32 s3;
	_ =	sdelay $0x1  }
0xa1: {  	s23 =	simm.s32 $0x1B8B  }
0xa2: {  	_ =	swait.ge [sflag:s23], $0x1  }
0xa3: {  	[sflag:s23] =	ssyncset.done $0x0  }
0xa4: {  	s25 =	simm.s32 $0x1B8E;
	s24 =	sld [smem:$0x3FFE];
	[sflag:s23] =	ssyncadd.s32 $0xFFFFFFFF  }
0xa5: {  	s26 =	simm.s32 $execute0_lowered;
	[smem:$0x3FD2] =	sst s25  }
0xa6: {  	s4 =	sshll.u32 s26, $0x1;
	_ =	strace $0x80000046;
	[dreg:$0x1] =	wrdreg $0xFFFFFFFF  }
0xa7: {  	s28 =	simm.s32 $_size_execute0_lowered;
	s2 =	sadd.s32 s2, s4;
	[dreg:$0x0] =	wrdreg $0x0  }
0xa8: {  	s4 =	sshll.u32 s28, $0x1;
	[dreg:$0x2] =	wrdreg s2  }
0xa9: {  	[dreg:$0x3] =	wrdreg s4  }
0xaa: {  	[dreg:$0x4] =	wrdreg $0xC0  }
0xab: {  	_ =	task [dreg:s6], $0x5FFFF  }
0xac: {  	[dreg:$0x1] =	wrdreg $0xFFFFFFFF  }
0xad: {  	[dreg:$0x0] =	wrdreg $0x60  }
0xae: {  	[dreg:$0x2] =	wrdreg s24  }
0xaf: {  	[dreg:$0x3] =	wrdreg $0x128800  }
0xb0: {  	[dreg:$0x4] =	wrdreg $0x9  }
0xb1: {  	_ =	task.clear_ibuf [dreg:s6], $0x5FFFF;
	_ =	strace $0x90000046  }
0xb2: {  	s29 =	simm.s32 $0x9;
	_ =	strace $0x80000048  }
0xb3: {  	_ =	swait.ge [sflag:s29], $0x1  }
0xb4: {  	[sflag:s29] =	ssyncadd.s32 $0xFFFFFFFF  }
0xb5: {  	_ =	strace $0x90000048  }
0xb6: {  	_ =	sfence  }
0xb7: {  	s30 =	sld [smem:$0x0];
	_ =	sdelay $0x2  }
0xb8: {  	s31 =	sshll.u32 s1, $0xD;
	s1 =	sshrl.u32 s1, $0x2  }
0xb9: {  	s3 =	sand.u32 $0x4000, s31;
	s1 =	sadd.s32 s1, s30  }
0xba: {  	s0 =	sor.u32 s3, s0;
	s1 =	sshll.u32 s1, $0x11  }
0xbb: {  	s0 =	sor.u32 s1, s0  }
0xbc: {  	s0 =	sadd.s32 $0x8F2B, s0  }
0xbd: {  	[sflag:s0] =	ssyncadd.remote.s32 $0x1  }
0xbe: {  	_ =	sfence.sel $0xFFFF  }
0xbf: {  	[dreg:$0x0] =	wrdreg $0xFFFFFFFF;
	(pc) =	sbr.abs _section_cstart, $3  }
0xc0: {  	[dreg:$0x1] =	wrdreg $0xFFFFFFFF  }
0xc1: {  	_ =	task.clear_ibuf [dreg:s6], $0x2FFFF;
	_ =	strace $0x9FFFFFFF  }
0xc2: {  	(tm) =	ssettm $0x7FFFFFFF  }
0xc3: {  	_ =	shalt  }
tec
execute0_lowered:
.L_overlay_start_1:
0x0: {  	(tag) =	ssettag $0x1  }
0x1: {  	s0 =	srdreg.scid;
	s1 =	rddreg [dreg:$0x0]  }
0x2: {  	s8 =	stileid.u32;
	s3 =	rddreg [dreg:$0x1]  }
0x3: {  	s12 =	simm.s32 $0x1;
	s13 =	simm.s32 $0x8000;
	s0 =	sand.u32 $0x1, s0  }
0x4: {  	s4 =	sshrl.u32 s8, $0x2;
	s5 =	sand.u32 $0x3, s8;
	s26 =	sshll.u32 s8, $0xB  }
0x5: {  	s8 =	sshll.u32 s8, $0x7;
	s2 =	sshll.u32 s0, $0x2;
	s7 =	sshll.u32 s5, $0xD  }
0x6: {  	s0 =	ssub.s32 $0x2, s0;
	s30 =	sand.u32 $0x200, s8;
	s4 =	sor.u32 s4, s2  }
0x7: {  	s2 =	simm.s32 $0x0;
	s28 =	sshrl.u32 s0, $0x1;
	s6 =	sshll.u32 s4, $0xF  }
0x8: {  	[smem:$0x7FF] =	sst s2;
	s4 =	sshll.u32 s4, $0x4;
	s0 =	ssub.s32 s0, s28  }
0x9: {  	s6 =	sor.u32 s7, s6;
	_ =	strace $0x80000047;
	s0 =	smax.u32 s0, $0x1  }
0xa: {  	s6 =	sadd.s32 s6, s1;
	s1 =	sadd.s32 s4, s1;
	s4 =	sand.u32 $0x4000, s26  }
0xb: {  	[dreg:$0xa] =	wrdreg s0;
	s3 =	sadd.s32 s4, s3;
	s1 =	sadd.s32 $0x40400, s1  }
0xc: {  	s9 =	sadd.s32 $0x400, s6;
	s6 =	sadd.s32 $0x1400, s6;
	[dreg:$0x9] =	wrdreg s1  }
0xd: {  	s31 =	sand.u32 $0x380, s8;
	s8 =	sadd.s32 s30, s3;
	[dreg:$0x4] =	wrdreg s6  }
0xe: {  	s15 =	simm.s32 $0x80;
	s7 =	sadd.s32 s31, s3;
	[dreg:$0x3] =	wrdreg s8  }
0xf: {  	v0 =	vlaneseq.u32;
	s16 =	simm.s32 $0x400;
	s10 =	sadd.s32 $0x80, s8;
	[dreg:$0x5] =	wrdreg s7  }
0x10: {  	s17 =	simm.s32 $0x11000;
	v4 =	vmul.u32 $0xFFFFFFFF, v0;
	s11 =	sadd.s32 $0x100, s8;
	[dreg:$0x6] =	wrdreg s10  }
0x11: {  	v1 =	vimm.s32 $0x0;
	v3 =	vimm.s32 $0x1;
	s18 =	simm.s32 $0x11800;
	s14 =	sadd.s32 $0x180, s8;
	[dreg:$0x7] =	wrdreg s11  }
0x12: {  	s29 =	simm.s32 $0x12000;
	v2 =	vmul.u32 $0x800, v0;
	v5 =	vor.u32 $0x80000000, v0;
	p0 =	sne.s32 s5, $0x0;
	v4 =	vadd.s32 $0xF, v4;
	[dreg:$0x8] =	wrdreg s14  }
.LBB2_1:
0x13: {  	s0 =	simm.s32 $0x40;
	s1 =	simm.s32 $0x0  }
.LBB2_2:
0x14: {  	p1 =	sne.s32 s0, $0x1FFC0;
	[tilespmem:s1+$0x8000] =	vst v1;
	s1 =	smov.u32 s0;
	s0 =	sadd.s32 $0x40, s0  }
.Ltmp0:
0x15: {  	(pc) =	sbr.rel @p1 .LBB2_2-.Ltmp0, $2  }
0x16: {  	_ =	sdelay $0x2  }
0x17: {  	s1 =	sshra.s32 s1, $0x2  }
0x18: {  	[tilespmem:s1+$0x8000] =	vst v1;
	s0 =	simm.s32 $0x0  }
0x19: {  	[tilespmem:s0], [sflag:$0x1] =	stream.linear.gather [hbm4b:s9+s0], $0x8000, $0x38;
	[tilespmem:$0x13080] =	vst v63  }
0x1a: {  	_ =	swait.ge [sflag:s12], $0x8000  }
0x1b: {  	[sflag:s12] =	ssyncset.done $0x0  }
0x1c: {  	[sflag:s12] =	ssyncadd.s32 $0xFFFF8000  }
.LBB2_4:
0x1d: {  	s1 =	sshra.s32 s0, $0x2  }
0x1e: {  	v6 =	vld [tilespmem:s1+$0x0];
	_ =	sdelay $0x4  }
0x1f: {  	v6 =	vshra.s32 v6, $0x14  }
0x20: {  	v6 =	vadd.s32 v2, v6;
	_ =	sdelay $0x4  }
0x21: {  	[tilespmem:v6+s13+$0x0] =	vst.idx.add.s32.msk $0xffff, v3  }
0x22: {  	v6 =	vld [tilespmem:s1+$0x10];
	_ =	sdelay $0x4  }
0x23: {  	v6 =	vshra.s32 v6, $0x14  }
0x24: {  	v6 =	vadd.s32 v2, v6;
	_ =	sdelay $0x4  }
0x25: {  	[tilespmem:v6+s13+$0x0] =	vst.idx.add.s32.msk $0xffff, v3  }
0x26: {  	v6 =	vld [tilespmem:s1+$0x20];
	_ =	sdelay $0x4  }
0x27: {  	v6 =	vshra.s32 v6, $0x14  }
0x28: {  	v6 =	vadd.s32 v2, v6;
	_ =	sdelay $0x4  }
0x29: {  	[tilespmem:v6+s13+$0x0] =	vst.idx.add.s32.msk $0xffff, v3  }
0x2a: {  	v6 =	vld [tilespmem:s1+$0x30];
	_ =	sdelay $0x4  }
0x2b: {  	v6 =	vshra.s32 v6, $0x14  }
0x2c: {  	v6 =	vadd.s32 v2, v6;
	_ =	sdelay $0x4  }
0x2d: {  	[tilespmem:v6+s13+$0x0] =	vst.idx.add.s32.msk $0xffff, v3  }
0x2e: {  	v6 =	vld [tilespmem:s1+$0x40];
	_ =	sdelay $0x4  }
0x2f: {  	v6 =	vshra.s32 v6, $0x14  }
0x30: {  	v6 =	vadd.s32 v2, v6;
	_ =	sdelay $0x4  }
0x31: {  	[tilespmem:v6+s13+$0x0] =	vst.idx.add.s32.msk $0xffff, v3  }
0x32: {  	v6 =	vld [tilespmem:s1+$0x50];
	_ =	sdelay $0x4  }
0x33: {  	v6 =	vshra.s32 v6, $0x14  }
0x34: {  	v6 =	vadd.s32 v2, v6;
	_ =	sdelay $0x4  }
0x35: {  	[tilespmem:v6+s13+$0x0] =	vst.idx.add.s32.msk $0xffff, v3  }
0x36: {  	v6 =	vld [tilespmem:s1+$0x60];
	_ =	sdelay $0x4  }
0x37: {  	v6 =	vshra.s32 v6, $0x14  }
0x38: {  	v6 =	vadd.s32 v2, v6;
	_ =	sdelay $0x4  }
0x39: {  	[tilespmem:v6+s13+$0x0] =	vst.idx.add.s32.msk $0xffff, v3  }
0x3a: {  	v6 =	vld [tilespmem:s1+$0x70];
	_ =	sdelay $0x4  }
0x3b: {  	v6 =	vshra.s32 v6, $0x14  }
0x3c: {  	p1 =	sne.s32 s0, $0x1FE00;
	v6 =	vadd.s32 v2, v6  }
.Ltmp1:
0x3d: {  	_ = 	snop;
	(pc) =	sbr.rel @p1 .LBB2_4-.Ltmp1, $2  }
0x3e: {  	_ =	sdelay $0x2  }
0x3f: {  	s0 =	sadd.s32 $0x200, s0;
	[tilespmem:v6+s13+$0x0] =	vst.idx.add.s32.msk $0xffff, v3  }
0x40: {  	s0 =	simm.s32 $0x0  }
0x41: {  	[tilespmem:s0], [sflag:$0x1] =	stream.linear.gather [hbm4b:s6+s0], $0x8000, $0x38;
	[tilespmem:$0x13080] =	vst v63  }
0x42: {  	_ =	swait.ge [sflag:s12], $0x8000  }
0x43: {  	[sflag:s12] =	ssyncset.done $0x0  }
0x44: {  	s1 =	simm.s32 $0x0;
	[sflag:s12] =	ssyncadd.s32 $0xFFFF8000  }
.LBB2_6:
0x45: {  	s4 =	sshra.s32 s1, $0x2  }
0x46: {  	v6 =	vld [tilespmem:s4+$0x0];
	_ =	sdelay $0x4  }
0x47: {  	v6 =	vshra.s32 v6, $0x14  }
0x48: {  	v6 =	vadd.s32 v2, v6;
	_ =	sdelay $0x3  }
0x49: {  	s3 =	simm.s32 $0x8000  }
0x4a: {  	[tilespmem:v6+s3+$0x0] =	vst.idx.add.s32.msk $0xffff, v3  }
0x4b: {  	v6 =	vld [tilespmem:s4+$0x10];
	_ =	sdelay $0x4  }
0x4c: {  	v6 =	vshra.s32 v6, $0x14  }
0x4d: {  	v6 =	vadd.s32 v2, v6;
	_ =	sdelay $0x4  }
0x4e: {  	[tilespmem:v6+s3+$0x0] =	vst.idx.add.s32.msk $0xffff, v3  }
0x4f: {  	v6 =	vld [tilespmem:s4+$0x20];
	_ =	sdelay $0x4  }
0x50: {  	v6 =	vshra.s32 v6, $0x14  }
0x51: {  	v6 =	vadd.s32 v2, v6;
	_ =	sdelay $0x4  }
0x52: {  	[tilespmem:v6+s3+$0x0] =	vst.idx.add.s32.msk $0xffff, v3  }
0x53: {  	v6 =	vld [tilespmem:s4+$0x30];
	_ =	sdelay $0x4  }
0x54: {  	v6 =	vshra.s32 v6, $0x14  }
0x55: {  	v6 =	vadd.s32 v2, v6;
	_ =	sdelay $0x4  }
0x56: {  	[tilespmem:v6+s3+$0x0] =	vst.idx.add.s32.msk $0xffff, v3  }
0x57: {  	v6 =	vld [tilespmem:s4+$0x40];
	_ =	sdelay $0x4  }
0x58: {  	v6 =	vshra.s32 v6, $0x14  }
0x59: {  	v6 =	vadd.s32 v2, v6;
	_ =	sdelay $0x4  }
0x5a: {  	[tilespmem:v6+s3+$0x0] =	vst.idx.add.s32.msk $0xffff, v3  }
0x5b: {  	v6 =	vld [tilespmem:s4+$0x50];
	_ =	sdelay $0x4  }
0x5c: {  	v6 =	vshra.s32 v6, $0x14  }
0x5d: {  	v6 =	vadd.s32 v2, v6;
	_ =	sdelay $0x4  }
0x5e: {  	[tilespmem:v6+s3+$0x0] =	vst.idx.add.s32.msk $0xffff, v3  }
0x5f: {  	v6 =	vld [tilespmem:s4+$0x60];
	_ =	sdelay $0x4  }
0x60: {  	v6 =	vshra.s32 v6, $0x14  }
0x61: {  	v6 =	vadd.s32 v2, v6;
	_ =	sdelay $0x4  }
0x62: {  	[tilespmem:v6+s3+$0x0] =	vst.idx.add.s32.msk $0xffff, v3  }
0x63: {  	v6 =	vld [tilespmem:s4+$0x70];
	_ =	sdelay $0x4  }
0x64: {  	v6 =	vshra.s32 v6, $0x14  }
0x65: {  	p1 =	sne.s32 s1, $0x1FE00;
	v6 =	vadd.s32 v2, v6  }
.Ltmp2:
0x66: {  	_ = 	snop;
	(pc) =	sbr.rel @p1 .LBB2_6-.Ltmp2, $2  }
0x67: {  	_ =	sdelay $0x2  }
0x68: {  	s1 =	sadd.s32 $0x200, s1;
	[tilespmem:v6+s3+$0x0] =	vst.idx.add.s32.msk $0xffff, v3  }
0x69: {  	s0 =	sand.u32 $0x7F0, s0;
	v7 =	vld [tilespmem:s3+$0x0]  }
0x6a: {  	v6 =	vld [tilespmem:s0+$0x8800]  }
0x6b: {  	v8 =	vld [tilespmem:s0+$0x9000]  }
0x6c: {  	v9 =	vld [tilespmem:s0+$0x9800]  }
0x6d: {  	v10 =	vld [tilespmem:s0+$0xA000]  }
0x6e: {  	v11 =	vld [tilespmem:s0+$0xA800]  }
0x6f: {  	v6 =	vadd.s32 v7, v6;
	v7 =	vld [tilespmem:s0+$0xB000]  }
0x70: {  	v6 =	vadd.s32 v8, v6;
	v8 =	vld [tilespmem:s0+$0xB800]  }
0x71: {  	v58 =	vld [tilespmem:s0+$0xC000];
	v6 =	vadd.s32 v9, v6  }
0x72: {  	v59 =	vld [tilespmem:s0+$0xC800];
	v6 =	vadd.s32 v10, v6  }
0x73: {  	v60 =	vld [tilespmem:s0+$0xD000];
	v6 =	vadd.s32 v11, v6  }
0x74: {  	v6 =	vadd.s32 v7, v6;
	v7 =	vld [tilespmem:s0+$0xD800]  }
0x75: {  	v6 =	vadd.s32 v8, v6;
	v8 =	vld [tilespmem:s0+$0xE000]  }
0x76: {  	v61 =	vld [tilespmem:s0+$0xE800];
	v6 =	vadd.s32 v58, v6  }
0x77: {  	v62 =	vld [tilespmem:s0+$0xF000];
	v6 =	vadd.s32 v59, v6  }
0x78: {  	v63 =	vld [tilespmem:s0+$0xF800];
	v6 =	vadd.s32 v60, v6  }
0x79: {  	v6 =	vadd.s32 v7, v6  }
0x7a: {  	v6 =	vadd.s32 v8, v6  }
0x7b: {  	v6 =	vadd.s32 v61, v6  }
0x7c: {  	v6 =	vadd.s32 v62, v6  }
0x7d: {  	s1 =	simm.s32 $0x10;
	s0 =	simm.s32 $0x10000;
	v6 =	vadd.s32 v63, v6  }
0x7e: {  	s1 =	sand.u32 $0x7F0, s1;
	[tilespmem:s0+$0x0] =	vst v6  }
0x7f: {  	s4 =	simm.s32 $0x20;
	s3 =	simm.s32 $0x8010;
	v6 =	vld [tilespmem:s1+$0x8800]  }
.LBB2_8:
0x80: {  	p1 =	sne.s32 s4, $0x7F0;
	v7 =	vld [tilespmem:s3+$0x0]  }
0x81: {  	v8 =	vld [tilespmem:s1+$0x9000]  }
0x82: {  	v9 =	vld [tilespmem:s1+$0x9800]  }
0x83: {  	v10 =	vld [tilespmem:s1+$0xA000]  }
0x84: {  	v11 =	vld [tilespmem:s1+$0xA800]  }
0x85: {  	v6 =	vadd.s32 v7, v6;
	v7 =	vld [tilespmem:s1+$0xB000]  }
0x86: {  	v6 =	vadd.s32 v8, v6;
	v8 =	vld [tilespmem:s1+$0xB800]  }
0x87: {  	v6 =	vadd.s32 v9, v6;
	v9 =	vld [tilespmem:s1+$0xC000]  }
0x88: {  	v6 =	vadd.s32 v10, v6;
	v10 =	vld [tilespmem:s1+$0xC800]  }
0x89: {  	v6 =	vadd.s32 v11, v6;
	v11 =	vld [tilespmem:s1+$0xD000]  }
0x8a: {  	v6 =	vadd.s32 v7, v6;
	v7 =	vld [tilespmem:s1+$0xD800]  }
0x8b: {  	v6 =	vadd.s32 v8, v6;
	v8 =	vld [tilespmem:s1+$0xE000]  }
0x8c: {  	v6 =	vadd.s32 v9, v6;
	v9 =	vld [tilespmem:s1+$0xE800]  }
0x8d: {  	v6 =	vadd.s32 v10, v6;
	v10 =	vld [tilespmem:s1+$0xF000]  }
0x8e: {  	v6 =	vadd.s32 v11, v6;
	v11 =	vld [tilespmem:s1+$0xF800]  }
0x8f: {  	v6 =	vadd.s32 v7, v6  }
0x90: {  	v6 =	vadd.s32 v8, v6  }
.Ltmp3:
0x91: {  	v6 =	vadd.s32 v9, v6;
	(pc) =	sbr.rel @p1 .LBB2_8-.Ltmp3, $4  }
0x92: {  	v6 =	vadd.s32 v10, v6  }
0x93: {  	s0 =	sadd.s32 $0x10, s0;
	v6 =	vadd.s32 v11, v6  }
0x94: {  	s1 =	sand.u32 $0x7F0, s4;
	[tilespmem:s0+$0x0] =	vst v6  }
0x95: {  	s3 =	sadd.s32 $0x10, s3;
	s4 =	sadd.s32 $0x10, s4;
	v6 =	vld [tilespmem:s1+$0x8800]  }
0x96: {  	v7 =	vld [tilespmem:s3+$0x0]  }
0x97: {  	v8 =	vld [tilespmem:s1+$0x9000]  }
0x98: {  	v9 =	vld [tilespmem:s1+$0x9800]  }
0x99: {  	v10 =	vld [tilespmem:s1+$0xA000]  }
0x9a: {  	v11 =	vld [tilespmem:s1+$0xA800]  }
0x9b: {  	v6 =	vadd.s32 v7, v6;
	v7 =	vld [tilespmem:s1+$0xB000]  }
0x9c: {  	v6 =	vadd.s32 v8, v6;
	v8 =	vld [tilespmem:s1+$0xB800]  }
0x9d: {  	v57 =	vld [tilespmem:s1+$0xC000];
	v6 =	vadd.s32 v9, v6  }
0x9e: {  	v58 =	vld [tilespmem:s1+$0xC800];
	v6 =	vadd.s32 v10, v6  }
0x9f: {  	v59 =	vld [tilespmem:s1+$0xD000];
	v6 =	vadd.s32 v11, v6  }
0xa0: {  	v6 =	vadd.s32 v7, v6;
	v7 =	vld [tilespmem:s1+$0xD800]  }
0xa1: {  	v6 =	vadd.s32 v8, v6;
	v8 =	vld [tilespmem:s1+$0xE000]  }
0xa2: {  	v60 =	vld [tilespmem:s1+$0xE800];
	v6 =	vadd.s32 v57, v6  }
0xa3: {  	v61 =	vld [tilespmem:s1+$0xF000];
	v6 =	vadd.s32 v58, v6  }
0xa4: {  	v62 =	vld [tilespmem:s1+$0xF800];
	v6 =	vadd.s32 v59, v6  }
0xa5: {  	v6 =	vadd.s32 v7, v6  }
0xa6: {  	v6 =	vadd.s32 v8, v6  }
0xa7: {  	v6 =	vadd.s32 v60, v6  }
0xa8: {  	v6 =	vadd.s32 v61, v6  }
0xa9: {  	s0 =	sadd.s32 $0x10, s0;
	v6 =	vadd.s32 v62, v6  }
0xaa: {  	[tilespmem:s0+$0x0] =	vst v6;
	s0 =	simm.s32 $0x10000  }
0xab: {  	[spmem:s7] =	stream.strided.scatter [tilespmem:s0], [sflag:$0x1], $0x800, s16, s15, $0x38;
	[tilespmem:$0x13080] =	vst v63  }
0xac: {  	_ =	swait.ge [sflag:s12], $0x800  }
0xad: {  	[sflag:s12] =	ssyncset.done $0x0  }
0xae: {  	[sflag:s12] =	ssyncadd.s32 $0xFFFFF800  }
0xaf: {  	s28 =	simm.s32 $0x10800;
	[bflag:$0x0] =	sbarrier.arrive $0xFFFF  }
0xb0: {  	[tilespmem:s28], [sflag:$0x1] =	stream.strided.gather [spmem:s8], $0x800, s16, s15, $0x38;
	[tilespmem:$0x13080] =	vst v63  }
0xb1: {  	_ =	swait.ge [sflag:s12], $0x800  }
0xb2: {  	[sflag:s12] =	ssyncset.done $0x0  }
0xb3: {  	[sflag:s12] =	ssyncadd.s32 $0xFFFFF800  }
0xb4: {  	[tilespmem:s17], [sflag:$0x1] =	stream.strided.gather [spmem:s10], $0x800, s16, s15, $0x38;
	[tilespmem:$0x13080] =	vst v63  }
0xb5: {  	_ =	swait.ge [sflag:s12], $0x800  }
0xb6: {  	[sflag:s12] =	ssyncset.done $0x0  }
0xb7: {  	[sflag:s12] =	ssyncadd.s32 $0xFFFFF800  }
0xb8: {  	[tilespmem:s18], [sflag:$0x1] =	stream.strided.gather [spmem:s11], $0x800, s16, s15, $0x38;
	[tilespmem:$0x13080] =	vst v63  }
0xb9: {  	_ =	swait.ge [sflag:s12], $0x800  }
0xba: {  	[sflag:s12] =	ssyncset.done $0x0  }
0xbb: {  	[sflag:s12] =	ssyncadd.s32 $0xFFFFF800  }
0xbc: {  	[tilespmem:s29], [sflag:$0x1] =	stream.strided.gather [spmem:s14], $0x800, s16, s15, $0x38;
	[tilespmem:$0x13080] =	vst v63  }
0xbd: {  	_ =	swait.ge [sflag:s12], $0x800  }
0xbe: {  	[sflag:s12] =	ssyncset.done $0x0  }
0xbf: {  	s20 =	simm.s32 $0x0;
	[sflag:s12] =	ssyncadd.s32 $0xFFFFF800  }
0xc0: {  	s30 =	sand.u32 $0x7F0, s20;
	[bflag:$0x0] =	sbarrier.arrive $0xFFFF  }
0xc1: {  	v6 =	vld [tilespmem:s30+$0x11000]  }
0xc2: {  	v7 =	vld [tilespmem:s28+$0x0]  }
0xc3: {  	v8 =	vld [tilespmem:s30+$0x11800]  }
0xc4: {  	v63 =	vld [tilespmem:s30+$0x12000];
	_ =	sdelay $0x2  }
0xc5: {  	v6 =	vadd.s32 v7, v6  }
0xc6: {  	v6 =	vadd.s32 v8, v6  }
0xc7: {  	s31 =	simm.s32 $0x10;
	v6 =	vadd.s32 v63, v6  }
0xc8: {  	s4 =	sand.u32 $0x7F0, s31;
	[tilespmem:s0+$0x0] =	vst v6  }
0xc9: {  	s3 =	simm.s32 $0x20;
	s1 =	simm.s32 $0x10810;
	v6 =	vld [tilespmem:s4+$0x11000]  }
.LBB2_10:
0xca: {  	p1 =	sne.s32 s3, $0x7F0;
	v7 =	vld [tilespmem:s1+$0x0]  }
0xcb: {  	v8 =	vld [tilespmem:s4+$0x11800]  }
0xcc: {  	v9 =	vld [tilespmem:s4+$0x12000];
	_ =	sdelay $0x2  }
.Ltmp4:
0xcd: {  	v6 =	vadd.s32 v7, v6;
	(pc) =	sbr.rel @p1 .LBB2_10-.Ltmp4, $4  }
0xce: {  	v6 =	vadd.s32 v8, v6  }
0xcf: {  	s0 =	sadd.s32 $0x10, s0;
	v6 =	vadd.s32 v9, v6  }
0xd0: {  	s4 =	sand.u32 $0x7F0, s3;
	[tilespmem:s0+$0x0] =	vst v6  }
0xd1: {  	s1 =	sadd.s32 $0x10, s1;
	s3 =	sadd.s32 $0x10, s3;
	v6 =	vld [tilespmem:s4+$0x11000]  }
0xd2: {  	v7 =	vld [tilespmem:s1+$0x0]  }
0xd3: {  	v8 =	vld [tilespmem:s4+$0x11800]  }
0xd4: {  	v9 =	vld [tilespmem:s4+$0x12000];
	_ =	sdelay $0x2  }
0xd5: {  	v6 =	vadd.s32 v7, v6  }
0xd6: {  	v6 =	vadd.s32 v8, v6  }
0xd7: {  	s0 =	sadd.s32 $0x10, s0;
	v6 =	vadd.s32 v9, v6  }
0xd8: {  	s10 =	simm.s32 $0x107F0;
	[tilespmem:s0+$0x0] =	vst v6  }
0xd9: {  	v6 =	vld [tilespmem:s10+$0x0];
	_ =	sdelay $0x4  }
0xda: {  	(xrf0) =	vadd.scan.msk.s32 $0xffff, v6;
	_ =	sdelay $0x2  }
0xdb: {  	s11 =	simm.s32 $0x107E0  }
0xdc: {  	v7 =	vld [tilespmem:s11+$0x0];
	_ =	sdelay $0x1  }
0xdd: {  	v8, _, _ =	vpop (xrf0)  }
0xde: {  	(v2sf) =	vpush v8, $0xF  }
0xdf: {  	v6 =	vperm.xlane v6, v4  }
0xe0: {  	(xrf0) =	vadd.scan.msk.s32 $0xffff, v7  }
0xe1: {  	s14 =	simm.s32 $0x107D0;
	(xrf0) =	vadd.scan.msk.s32 $0xffff, v6  }
0xe2: {  	v8 =	vld [tilespmem:s14+$0x0];
	_ =	sdelay $0x3  }
0xe3: {  	v7 =	vperm.xlane v7, v4;
	v9, _, _ =	vpop (xrf0)  }
0xe4: {  	(v2sf) =	vpush v9, $0xF;
	v9, _, _ =	vpop (xrf0);
	(xrf0) =	vadd.scan.msk.s32 $0xffff, v8  }
0xe5: {  	v9 =	vadd.s32 s20, v9;
	(xrf0) =	vadd.scan.msk.s32 $0xffff, v7  }
0xe6: {  	vm0 =	vgt.s32 v9, $0xCCCC  }
0xe7: {  	s16 =	simm.s32 $0x107C0;
	v10 =	vnsel vm0, $0x80000010, v5  }
0xe8: {  	v11 =	vld [tilespmem:s16+$0x0];
	(xrf0) =	vmin.scan.msk.u32 $0xffff, v10;
	_ =	sdelay $0x1  }
0xe9: {  	v10, _, _ =	vpop (xrf0);
	s17 =	spop (v2sf)  }
0xea: {  	(v2sf) =	vpush v10, $0xF;
	v10, _, _ =	vpop (xrf0);
	s0 =	sadd.s32 $0x0, s17  }
0xeb: {  	v12 =	vperm.xlane v8, v4;
	v8 =	vadd.s32 s0, v10  }
0xec: {  	(xrf0) =	vadd.scan.msk.s32 $0xffff, v11;
	vm7 =	vgt.s32 v8, $0xCCCC  }
0xed: {  	(xrf0) =	vadd.scan.msk.s32 $0xffff, v12;
	v10, _, _ =	vpop (xrf0);
	v13 =	vnsel vm7, $0x80000010, v5  }
0xee: {  	s18 =	simm.s32 $0x107B0;
	(v2sf) =	vpush v10, $0xF;
	(xrf0) =	vmin.scan.msk.u32 $0xffff, v13  }
0xef: {  	v14 =	vld [tilespmem:s18+$0x0];
	_ =	sdelay $0x2  }
0xf0: {  	s19 =	spop (v2sf);
	v10 =	vperm.xlane v11, v4;
	v11, _, _ =	vpop (xrf0)  }
0xf1: {  	s0 =	sadd.s32 s0, s19;
	v13, _, _ =	vpop (xrf0)  }
0xf2: {  	(v2sf) =	vpush v11, $0xF;
	(xrf0) =	vadd.scan.msk.s32 $0xffff, v14;
	v11 =	vadd.s32 s0, v13;
	v13, _, _ =	vpop (xrf0)  }
0xf3: {  	(xrf0) =	vadd.scan.msk.s32 $0xffff, v10;
	(v2sf) =	vpush v13, $0xF  }
0xf4: {  	s21 =	simm.s32 $0x107A0;
	vm8 =	vgt.s32 v11, $0xCCCC  }
0xf5: {  	v15 =	vnsel vm8, $0x80000010, v5;
	v13 =	vld [tilespmem:s21+$0x0];
	_ =	sdelay $0x1  }
0xf6: {  	(xrf0) =	vmin.scan.msk.u32 $0xffff, v15  }
0xf7: {  	s22 =	spop (v2sf);
	v15, _, _ =	vpop (xrf0)  }
0xf8: {  	s0 =	sadd.s32 s0, s22;
	v16, _, _ =	vpop (xrf0);
	(v2sf) =	vpush v15, $0xF  }
0xf9: {  	v14 =	vperm.xlane v14, v4;
	v15 =	vadd.s32 s0, v16;
	(xrf0) =	vadd.scan.msk.s32 $0xffff, v13  }
0xfa: {  	vm9 =	vgt.s32 v15, $0xCCCC;
	s23 =	spop (v2sf)  }
0xfb: {  	s3 =	simm.s32 $0x10790;
	v56 =	vnsel vm9, $0x80000010, v5;
	(xrf0) =	vadd.scan.msk.s32 $0xffff, v14;
	s26 =	sxor.u32 $0x80000000, s23  }
0xfc: {  	v57 =	vld [tilespmem:s3+$0x0];
	v17, _, _ =	vpop (xrf0);
	(xrf0) =	vmin.scan.msk.u32 $0xffff, v56;
	v58 =	vmov s26  }
0xfd: {  	v6 =	vsub.s32 v9, v6;
	vm10 =	veq.s32 v58, v0  }
0xfe: {  	v6 =	vnsel vm10, $0x0, v6  }
0xff: {  	(v2sf) =	vpush v17, $0xF;
	v9, _, _ =	vpop (xrf0)  }
0x100: {  	s7 =	spop (v2sf);
	(xrf0) =	vadd.scan.msk.s32 $0xffff, v6;
	(v2sf) =	vpush v9, $0xF;
	v9 =	vperm.xlane v13, v4  }
0x101: {  	v6, _, _ =	vpop (xrf0);
	(xrf0) =	vadd.scan.msk.s32 $0xffff, v57;
	s8 =	spop (v2sf)  }
0x102: {  	s0 =	sadd.s32 s0, s7;
	v13, _, _ =	vpop (xrf0);
	(xrf0) =	vadd.scan.msk.s32 $0xffff, v9;
	s6 =	sxor.u32 $0x80000000, s8  }
0x103: {  	(v2sf) =	vpush v13, $0xF;
	v13 =	vadd.s32 s0, v6;
	v59 =	vmov s6  }
0x104: {  	s5 =	simm.s32 $0x10780;
	v7 =	vsub.s32 v8, v7;
	vm11 =	vgt.s32 v13, $0xCCCC;
	vm12 =	veq.s32 v59, v0  }
0x105: {  	v6 =	vld [tilespmem:s5+$0x0];
	v8 =	vnsel vm11, $0x80000010, v5;
	v7 =	vnsel vm12, $0x0, v7  }
0x106: {  	v60, _, _ =	vpop (xrf0);
	(xrf0) =	vmin.scan.msk.u32 $0xffff, v8  }
0x107: {  	s15 =	smov.u32 s9;
	s9 =	spop (v2sf);
	v18, _, _ =	vpop (xrf0)  }
0x108: {  	s29 =	simm.s32 $0x800007BF;
	s0 =	sadd.s32 s0, s9;
	(xrf0) =	vadd.scan.msk.s32 $0xffff, v7;
	v7, _, _ =	vpop (xrf0)  }
0x109: {  	s30 =	simm.s32 $0x800007AF;
	s28 =	simm.s32 $0x8000079F;
	v16 =	vperm.xlane v57, v4;
	v7 =	vadd.s32 s0, v7  }
0x10a: {  	s25 =	simm.s32 $0x8000078F;
	s24 =	simm.s32 $0x8000077F;
	(xrf0) =	vadd.scan.msk.s32 $0xffff, v6;
	vm13 =	vgt.s32 v7, $0xCCCC  }
0x10b: {  	p2 =	por $0x1, $0x1;
	s11 =	simm.s32 $0x10770;
	p1 =	slt.s32 s26, $0x10;
	(v2sf) =	vpush v60, $0xF;
	(xrf0) =	vadd.scan.msk.s32 $0xffff, v16;
	v19 =	vnsel vm13, $0x80000010, v5  }
0x10c: {  	s19 =	simm.s32 $0x0;
	s21 =	simm.s32 $0x0;
	p1 =	por !p2, !p1;
	v20, _, _ =	vpop (xrf0);
	(xrf0) =	vmin.scan.msk.u32 $0xffff, v19  }
0x10d: {  	s22 =	simm.s32 $0x8000076F;
	s1 =	ssub.s32 $0x800007FF, s23;
	p1 =	por !p1, !p1  }
0x10e: {  	s23 =	simm.s32 $0x8000075F;
	s21 =	simm.s32 @p1 $0x1;
	s10 =	spop (v2sf);
	(v2sf) =	vpush v18, $0xF  }
0x10f: {  	s26 =	simm.s32 $0x8000074F;
	p3 =	seq.s32 s21, $0x0;
	p4 =	slt.s32 s6, $0x10;
	v62, _, _ =	vpop (xrf0)  }
0x110: {  	v11 =	vsub.s32 v11, v12;
	s19 =	smov.u32 @p1 s1;
	p5 =	por p1, p1;
	p2 =	por !p3, !p4;
	(v2sf) =	vpush v20, $0xF;
	v12, _, _ =	vpop (xrf0)  }
0x111: {  	s1 =	ssub.s32 $0x800007EF, s8;
	v8 =	vld [tilespmem:s11+$0x0];
	p2 =	por !p2, !p2;
	s14 =	sxor.u32 $0x80000000, s10;
	(v2sf) =	vpush v62, $0xF;
	v63, _, _ =	vpop (xrf0)  }
0x112: {  	p3 =	por p5, p5;
	s21 =	simm.s32 @p2 $0x1;
	v61 =	vmov s14;
	s16 =	spop (v2sf);
	(v2sf) =	vpush v12, $0xF;
	v12, _, _ =	vpop (xrf0)  }
0x113: {  	p4 =	seq.s32 s21, $0x0;
	p6 =	slt.s32 s14, $0x10;
	vm14 =	veq.s32 v61, v0;
	s17 =	spop (v2sf);
	(v2sf) =	vpush v12, $0xF  }
0x114: {  	s19 =	smov.u32 @p2 s1;
	p1 =	por !p4, !p6;
	v11 =	vnsel vm14, $0x0, v11;
	s1 =	sadd.s32 s0, s16  }
0x115: {  	p3 =	por p3, p3;
	v6 =	vperm.xlane v6, v4;
	s3 =	ssub.s32 $0x800007DF, s10;
	p1 =	por !p1, !p1;
	(xrf0) =	vadd.scan.msk.s32 $0xffff, v11;
	v17 =	vadd.s32 s1, v63  }
0x116: {  	p2 =	por p2, p2;
	s21 =	simm.s32 @p1 $0x1;
	s19 =	smov.u32 @p1 s3;
	(xrf0) =	vadd.scan.msk.s32 $0xffff, v8;
	vm15 =	vgt.s32 v17, $0xCCCC  }
0x117: {  	s3 =	simm.s32 $0x10760;
	p5 =	seq.s32 s21, $0x0;
	v11 =	vsub.s32 v15, v10;
	v10 =	vsub.s32 v13, v14;
	(xrf0) =	vadd.scan.msk.s32 $0xffff, v6;
	v13 =	vnsel vm15, $0x80000010, v5;
	s18 =	sxor.u32 $0x80000000, s17  }
0x118: {  	v7 =	vsub.s32 v7, v9;
	s0 =	simm.s32 $0x8000073F;
	v9 =	vsub.s32 v17, v16;
	s31 =	ssub.s32 $0x800007CF, s17;
	(xrf0) =	vmin.scan.msk.u32 $0xffff, v13;
	p4 =	slt.s32 s18, $0x10;
	v13 =	vmov s18;
	v12 =	vld [tilespmem:s3+$0x0]  }
.LBB2_12:
0x119: {  	p6 =	sne.s32 s0, $0x8000000F;
	p5 =	por !p5, !p4  }
0x11a: {  	s4 =	spop (v2sf);
	s5 =	smov.u32 s29;
	s29 =	smov.u32 s30  }
0x11b: {  	vm0 =	veq.s32 v13, v0;
	v13, _, _ =	vpop (xrf0);
	s30 =	smov.u32 s28;
	p4 =	por p2, p2;
	p2 =	por p1, p1  }
0x11c: {  	s28 =	smov.u32 s25;
	v14 =	vnsel vm0, $0x0, v11;
	p1 =	por !p5, !p5;
	(v2sf) =	vpush v13, $0xF;
	s20 =	smov.u32 @p3 s4;
	v11 =	vmovc v10;
	v10 =	vmovc v7;
	v7 =	vmov v9  }
0x11d: {  	s25 =	smov.u32 s24;
	v9, _, _ =	vpop (xrf0);
	s4 =	spop (v2sf);
	s21 =	simm.s32 @p1 $0x1;
	(xrf0) =	vadd.scan.msk.s32 $0xffff, v14  }
.Ltmp5:
0x11e: {  	v13 =	vperm.xlane v8, v4;
	s19 =	smov.u32 @p1 s31;
	(v2sf) =	vpush v9, $0xF;
	v8, _, _ =	vpop (xrf0);
	s1 =	sadd.s32 s1, s4;
	(pc) =	sbr.rel @p6 .LBB2_12-.Ltmp5, $4  }
0x11f: {  	s24 =	smov.u32 s22;
	s22 =	smov.u32 s23;
	s23 =	smov.u32 s26;
	(xrf0) =	vadd.scan.msk.s32 $0xffff, v12;
	v14 =	vadd.s32 s1, v8;
	v8 =	vmov v12  }
0x120: {  	s26 =	smov.u32 s0;
	p3 =	por p4, p4;
	(xrf0) =	vadd.scan.msk.s32 $0xffff, v13;
	v9 =	vsub.s32 v14, v6;
	vm0 =	vgt.s32 v14, $0xCCCC;
	v12, _, _ =	vpop (xrf0);
	s4 =	spop (v2sf);
	v6 =	vmov v13  }
0x121: {  	s3 =	sadd.s32 $0xFFFFFFF0, s3;
	v13 =	vnsel vm0, $0x80000010, v5;
	(v2sf) =	vpush v12, $0xF;
	s6 =	sxor.u32 $0x80000000, s4;
	s31 =	ssub.s32 s5, s4  }
0x122: {  	s0 =	sadd.s32 $0xFFFFFFF0, s0;
	p5 =	seq.s32 s21, $0x0;
	v12 =	vld [tilespmem:s3+$0x0];
	(xrf0) =	vmin.scan.msk.u32 $0xffff, v13;
	p4 =	slt.s32 s6, $0x10;
	v13 =	vmov s6  }
0x123: {  	_ =	sdelay $0x1  }
0x124: {  	v14, _, _ =	vpop (xrf0);
	s0 =	spop (v2sf)  }
0x125: {  	vm0 =	veq.s32 v13, v0;
	s4 =	spop (v2sf);
	v34, _, _ =	vpop (xrf0)  }
0x126: {  	s3 =	sadd.s32 $0xFFFFFFF0, s3;
	v11 =	vnsel vm0, $0x0, v11;
	(v2sf) =	vpush v14, $0xF;
	s4 =	sadd.s32 s1, s4;
	s1 =	spop (v2sf);
	v35, _, _ =	vpop (xrf0)  }
0x127: {  	v8 =	vperm.xlane v8, v4;
	v38 =	vld [tilespmem:s3+$0x0];
	(xrf0) =	vadd.scan.msk.s32 $0xffff, v11;
	(v2sf) =	vpush v34, $0xF;
	s10 =	sxor.u32 $0x80000000, s1;
	v36 =	vadd.s32 s4, v35;
	v37, _, _ =	vpop (xrf0)  }
0x128: {  	(xrf0) =	vadd.scan.msk.s32 $0xffff, v12;
	v39 =	vmov s10;
	vm15 =	vgt.s32 v36, $0xCCCC;
	(v2sf) =	vpush v37, $0xF  }
0x129: {  	(xrf0) =	vadd.scan.msk.s32 $0xffff, v8;
	vm4 =	veq.s32 v39, v0;
	v15 =	vnsel vm15, $0x80000010, v5  }
0x12a: {  	v10 =	vnsel vm4, $0x0, v10;
	(xrf0) =	vmin.scan.msk.u32 $0xffff, v15  }
0x12b: {  	(xrf0) =	vadd.scan.msk.s32 $0xffff, v10  }
0x12c: {  	(xrf0) =	vadd.scan.msk.s32 $0xffff, v38  }
0x12d: {  	v40, _, _ =	vpop (xrf0)  }
0x12e: {  	v41, _, _ =	vpop (xrf0)  }
0x12f: {  	v42 =	vperm.xlane v12, v4;
	(v2sf) =	vpush v40, $0xF;
	v43, _, _ =	vpop (xrf0)  }
0x130: {  	(v2sf) =	vpush v41, $0xF;
	v44, _, _ =	vpop (xrf0)  }
0x131: {  	s6 =	spop (v2sf);
	(xrf0) =	vadd.scan.msk.s32 $0xffff, v42;
	(v2sf) =	vpush v44, $0xF;
	v45, _, _ =	vpop (xrf0)  }
0x132: {  	s5 =	spop (v2sf);
	(v2sf) =	vpush v45, $0xF;
	v46, _, _ =	vpop (xrf0)  }
0x133: {  	s3 =	sadd.s32 $0xFFFFFFF0, s3;
	s4 =	sadd.s32 s4, s5;
	s8 =	spop (v2sf);
	(v2sf) =	vpush v46, $0xF  }
0x134: {  	v47 =	vld [tilespmem:s3+$0x0];
	v12 =	vadd.s32 s4, v43;
	s9 =	sxor.u32 $0x80000000, s8  }
0x135: {  	vm5 =	vgt.s32 v12, $0xCCCC;
	v48 =	vmov s9;
	s3 =	spop (v2sf)  }
0x136: {  	v16 =	vnsel vm5, $0x80000010, v5;
	vm6 =	veq.s32 v48, v0;
	s18 =	spop (v2sf)  }
0x137: {  	(xrf0) =	vmin.scan.msk.u32 $0xffff, v16;
	v7 =	vnsel vm6, $0x0, v7;
	v49, _, _ =	vpop (xrf0);
	s4 =	sadd.s32 s4, s18;
	s16 =	spop (v2sf)  }
0x138: {  	(xrf0) =	vadd.scan.msk.s32 $0xffff, v7;
	v7 =	vperm.xlane v38, v4;
	v50 =	vadd.s32 s4, v49;
	s5 =	sxor.u32 $0x80000000, s16  }
0x139: {  	(xrf0) =	vadd.scan.msk.s32 $0xffff, v47;
	vm7 =	vgt.s32 v50, $0xCCCC;
	v51 =	vmov s5  }
0x13a: {  	(xrf0) =	vadd.scan.msk.s32 $0xffff, v7;
	v52 =	vnsel vm7, $0x80000010, v5;
	vm8 =	veq.s32 v51, v0  }
0x13b: {  	v13 =	vperm.xlane v47, v4;
	(xrf0) =	vmin.scan.msk.u32 $0xffff, v52;
	v9 =	vnsel vm8, $0x0, v9  }
0x13c: {  	(xrf0) =	vadd.scan.msk.s32 $0xffff, v9  }
0x13d: {  	v53, _, _ =	vpop (xrf0);
	(xrf0) =	vadd.scan.msk.s32 $0xffff, v13  }
0x13e: {  	v54, _, _ =	vpop (xrf0);
	s11 =	spop (v2sf)  }
0x13f: {  	v55, _, _ =	vpop (xrf0);
	s7 =	spop (v2sf)  }
0x140: {  	v17, _, _ =	vpop (xrf0);
	s17 =	spop (v2sf)  }
0x141: {  	s4 =	sadd.s32 s4, s7;
	v18, _, _ =	vpop (xrf0);
	s18 =	spop (v2sf)  }
0x142: {  	v56 =	vadd.s32 s4, v17;
	s7 =	sxor.u32 $0x80000000, s17;
	s14 =	spop (v2sf);
	v57, _, _ =	vpop (xrf0)  }
0x143: {  	v6 =	vsub.s32 v36, v6;
	vm9 =	vgt.s32 v56, $0xCCCC;
	v58 =	vmov s7;
	s4 =	sadd.s32 s4, s14;
	v59, _, _ =	vpop (xrf0)  }
0x144: {  	v19 =	vnsel vm9, $0x80000010, v5;
	vm10 =	veq.s32 v58, v0;
	v60 =	vadd.s32 s4, v59  }
0x145: {  	(xrf0) =	vmin.scan.msk.u32 $0xffff, v19;
	v6 =	vnsel vm10, $0x0, v6;
	vm11 =	vgt.s32 v60, $0xCCCC  }
0x146: {  	(xrf0) =	vadd.scan.msk.s32 $0xffff, v6;
	v6 =	vnsel vm11, $0x80000010, v5  }
0x147: {  	(v2sf) =	vpush v53, $0xF;
	(xrf0) =	vmin.scan.msk.u32 $0xffff, v6  }
0x148: {  	(v2sf) =	vpush v54, $0xF  }
0x149: {  	(v2sf) =	vpush v55, $0xF  }
0x14a: {  	(v2sf) =	vpush v18, $0xF  }
0x14b: {  	(v2sf) =	vpush v57, $0xF;
	v6, _, _ =	vpop (xrf0)  }
0x14c: {  	(v2sf) =	vpush v6, $0xF;
	v6, _, _ =	vpop (xrf0)  }
0x14d: {  	(v2sf) =	vpush v6, $0xF;
	v6, _, _ =	vpop (xrf0)  }
0x14e: {  	(v2sf) =	vpush v6, $0xF;
	_ =	sdelay $0x1  }
0x14f: {  	p4 =	por !p5, !p4  }
0x150: {  	p2 =	por p2, p2;
	p4 =	por !p4, !p4  }
0x151: {  	p1 =	por p1, p1;
	s20 =	smov.u32 @p3 s0;
	s21 =	simm.s32 @p4 $0x1  }
0x152: {  	p2 =	por p2, p2;
	p6 =	seq.s32 s21, $0x0;
	p5 =	slt.s32 s10, $0x10  }
0x153: {  	s19 =	smov.u32 @p4 s31;
	s1 =	ssub.s32 s29, s1;
	p3 =	por !p6, !p5  }
0x154: {  	p6 =	por p1, p1;
	p1 =	por !p3, !p3;
	p3 =	por p4, p4  }
0x155: {  	p4 =	por p6, p6;
	s21 =	simm.s32 @p1 $0x1;
	s4 =	spop (v2sf)  }
0x156: {  	p6 =	seq.s32 s21, $0x0;
	p5 =	slt.s32 s9, $0x10;
	s0 =	spop (v2sf)  }
0x157: {  	s20 =	smov.u32 @p2 s6;
	p2 =	por !p6, !p5;
	s29 =	spop (v2sf)  }
0x158: {  	s19 =	smov.u32 @p1 s1;
	p2 =	por !p2, !p2;
	s10 =	spop (v2sf)  }
0x159: {  	s14 =	ssub.s32 s30, s8;
	s30 =	sxor.u32 $0x80000000, s4;
	s8 =	spop (v2sf)  }
0x15a: {  	s21 =	simm.s32 @p2 $0x1;
	v6 =	vmov s30;
	s29 =	sxor.u32 $0x80000000, s10;
	s6 =	spop (v2sf)  }
0x15b: {  	v8 =	vsub.s32 v12, v8;
	s20 =	smov.u32 @p4 s3;
	p6 =	seq.s32 s21, $0x0;
	vm12 =	veq.s32 v6, v0;
	v61 =	vmov s29;
	s1 =	spop (v2sf)  }
0x15c: {  	v10 =	vsub.s32 v50, v42;
	p5 =	slt.s32 s5, $0x10;
	v6 =	vnsel vm12, $0x0, v8;
	vm13 =	veq.s32 v61, v0;
	s9 =	sxor.u32 $0x80000000, s6;
	s3 =	spop (v2sf)  }
0x15d: {  	p3 =	por p3, p3;
	p4 =	por !p6, !p5;
	(xrf0) =	vadd.scan.msk.s32 $0xffff, v6;
	v6 =	vnsel vm13, $0x0, v10;
	v62 =	vmov s9;
	s31 =	sxor.u32 $0x80000000, s3  }
0x15e: {  	p1 =	por p1, p1;
	p5 =	por p3, p3;
	p3 =	por !p4, !p4;
	v7 =	vsub.s32 v56, v7;
	(xrf0) =	vadd.scan.msk.s32 $0xffff, v6;
	vm14 =	veq.s32 v62, v0;
	v6 =	vmov s31  }
0x15f: {  	p1 =	por p1, p1;
	s21 =	simm.s32 @p3 $0x1;
	v63 =	vsub.s32 v60, v13;
	v7 =	vnsel vm14, $0x0, v7;
	vm15 =	veq.s32 v6, v0  }
0x160: {  	s20 =	smov.u32 @p5 s11;
	p6 =	seq.s32 s21, $0x0;
	p5 =	slt.s32 s7, $0x10;
	(xrf0) =	vadd.scan.msk.s32 $0xffff, v7;
	v6 =	vnsel vm15, $0x0, v63  }
0x161: {  	p1 =	por p1, p1;
	p4 =	por !p6, !p5;
	(xrf0) =	vadd.scan.msk.s32 $0xffff, v6  }
0x162: {  	s7 =	ssub.s32 s25, s17;
	s20 =	smov.u32 @p1 s18;
	p1 =	por !p4, !p4  }
0x163: {  	s19 =	smov.u32 @p2 s14;
	p2 =	por p2, p2;
	s21 =	simm.s32 @p1 $0x1  }
0x164: {  	p2 =	por p2, p2;
	p6 =	seq.s32 s21, $0x0;
	p5 =	slt.s32 s30, $0x10;
	v6, _, _ =	vpop (xrf0)  }
0x165: {  	s14 =	ssub.s32 s28, s16;
	p2 =	por p2, p2;
	p4 =	por !p6, !p5;
	(v2sf) =	vpush v6, $0xF;
	v6, _, _ =	vpop (xrf0)  }
0x166: {  	s19 =	smov.u32 @p3 s14;
	s20 =	smov.u32 @p2 s0;
	p2 =	por !p4, !p4;
	(v2sf) =	vpush v6, $0xF;
	v6, _, _ =	vpop (xrf0)  }
0x167: {  	p3 =	por p3, p3;
	s19 =	smov.u32 @p1 s7;
	s21 =	simm.s32 @p2 $0x1;
	(v2sf) =	vpush v6, $0xF;
	v6, _, _ =	vpop (xrf0)  }
0x168: {  	p1 =	por p1, p1;
	p5 =	slt.s32 s29, $0x10;
	p6 =	seq.s32 s21, $0x0;
	(v2sf) =	vpush v6, $0xF  }
0x169: {  	p3 =	por p3, p3;
	p1 =	por p1, p1;
	p4 =	por !p6, !p5  }
0x16a: {  	p3 =	por p3, p3;
	p1 =	por p1, p1;
	p4 =	por !p4, !p4  }
0x16b: {  	s4 =	ssub.s32 s24, s4;
	s0 =	ssub.s32 s22, s10;
	s21 =	simm.s32 @p4 $0x1  }
0x16c: {  	s19 =	smov.u32 @p2 s4;
	p6 =	seq.s32 s21, $0x0;
	p5 =	slt.s32 s9, $0x10  }
0x16d: {  	s20 =	smov.u32 @p3 s8;
	p2 =	por p2, p2;
	p3 =	por !p6, !p5  }
0x16e: {  	s19 =	smov.u32 @p4 s0;
	p4 =	por p4, p4;
	p3 =	por !p3, !p3  }
0x16f: {  	p2 =	por p2, p2;
	p4 =	por p4, p4;
	s21 =	simm.s32 @p3 $0x1  }
0x170: {  	s0 =	ssub.s32 s23, s6;
	p5 =	slt.s32 s31, $0x10;
	p6 =	seq.s32 s21, $0x0  }
0x171: {  	s20 =	smov.u32 @p1 s1;
	p1 =	por p2, p2;
	p2 =	por !p6, !p5  }
0x172: {  	s19 =	smov.u32 @p3 s0;
	s0 =	ssub.s32 s26, s3;
	p2 =	por !p2, !p2  }
0x173: {  	p3 =	por p3, p3;
	s19 =	smov.u32 @p2 s0;
	p2 =	por p2, p2  }
0x174: {  	p3 =	por p3, p3;
	p2 =	por p2, p2;
	s1 =	spop (v2sf)  }
0x175: {  	s20 =	smov.u32 @p1 s1;
	p1 =	por p4, p4;
	s0 =	spop (v2sf)  }
0x176: {  	s20 =	smov.u32 @p1 s0;
	p1 =	por p3, p3;
	s0 =	spop (v2sf)  }
0x177: {  	s20 =	smov.u32 @p1 s0;
	p1 =	por p2, p2;
	s0 =	spop (v2sf)  }
0x178: {  	s1 =	simm.s32 $0x0;
	s20 =	smov.u32 @p1 s0;
	s0 =	simm.s32 $0x40  }
.LBB2_14:
0x179: {  	p1 =	sne.s32 s0, $0x1FFC0;
	[tilespmem:s1+$0x8000] =	vst v1;
	s1 =	smov.u32 s0;
	s0 =	sadd.s32 $0x40, s0  }
.Ltmp6:
0x17a: {  	(pc) =	sbr.rel @p1 .LBB2_14-.Ltmp6, $2  }
0x17b: {  	_ =	sdelay $0x2  }
0x17c: {  	s1 =	sshra.s32 s1, $0x2  }
0x17d: {  	[tilespmem:s1+$0x8000] =	vst v1;
	s0 =	simm.s32 $0x0  }
0x17e: {  	[tilespmem:s0], [sflag:$0x1] =	stream.linear.gather [hbm4b:s15+s0], $0x8000, $0x38;
	[tilespmem:$0x13080] =	vst v63  }
0x17f: {  	_ =	swait.ge [sflag:s12], $0x8000  }
0x180: {  	s9 =	smov.u32 s15;
	[sflag:s12] =	ssyncset.done $0x0  }
0x181: {  	v6 =	vmov s19;
	s29 =	simm.s32 $0x12000;
	s6 =	rddreg [dreg:$0x4];
	[sflag:s12] =	ssyncadd.s32 $0xFFFF8000  }
.LBB2_16:
0x182: {  	s1 =	sshra.s32 s0, $0x2  }
0x183: {  	v7 =	vld [tilespmem:s1+$0x0];
	_ =	sdelay $0x4  }
0x184: {  	v8 =	vshra.s32 v7, $0x14;
	v7 =	vshrl.u32 v7, $0x9  }
0x185: {  	vm0 =	veq.s32 v8, v6;
	v7 =	vand.u32 $0x7FF, v7  }
0x186: {  	v7 =	vor.u32 v2, v7;
	_ =	sdelay $0x4  }
0x187: {  	[tilespmem:v7+s13+$0x0] =	vst.idx.add.s32.msk vm0, v3  }
0x188: {  	v7 =	vld [tilespmem:s1+$0x10];
	_ =	sdelay $0x4  }
0x189: {  	v8 =	vshra.s32 v7, $0x14;
	v7 =	vshrl.u32 v7, $0x9  }
0x18a: {  	vm9 =	veq.s32 v8, v6;
	v7 =	vand.u32 $0x7FF, v7  }
0x18b: {  	v7 =	vor.u32 v2, v7;
	_ =	sdelay $0x4  }
0x18c: {  	[tilespmem:v7+s13+$0x0] =	vst.idx.add.s32.msk vm9, v3  }
0x18d: {  	v7 =	vld [tilespmem:s1+$0x20];
	_ =	sdelay $0x4  }
0x18e: {  	v8 =	vshra.s32 v7, $0x14;
	v7 =	vshrl.u32 v7, $0x9  }
0x18f: {  	vm10 =	veq.s32 v8, v6;
	v7 =	vand.u32 $0x7FF, v7  }
0x190: {  	v7 =	vor.u32 v2, v7;
	_ =	sdelay $0x4  }
0x191: {  	[tilespmem:v7+s13+$0x0] =	vst.idx.add.s32.msk vm10, v3  }
0x192: {  	v7 =	vld [tilespmem:s1+$0x30];
	_ =	sdelay $0x4  }
0x193: {  	v8 =	vshra.s32 v7, $0x14;
	v7 =	vshrl.u32 v7, $0x9  }
0x194: {  	vm11 =	veq.s32 v8, v6;
	v7 =	vand.u32 $0x7FF, v7  }
0x195: {  	v7 =	vor.u32 v2, v7;
	_ =	sdelay $0x4  }
0x196: {  	[tilespmem:v7+s13+$0x0] =	vst.idx.add.s32.msk vm11, v3  }
0x197: {  	v7 =	vld [tilespmem:s1+$0x40];
	_ =	sdelay $0x4  }
0x198: {  	v8 =	vshra.s32 v7, $0x14;
	v7 =	vshrl.u32 v7, $0x9  }
0x199: {  	vm12 =	veq.s32 v8, v6;
	v7 =	vand.u32 $0x7FF, v7  }
0x19a: {  	v7 =	vor.u32 v2, v7;
	_ =	sdelay $0x4  }
0x19b: {  	[tilespmem:v7+s13+$0x0] =	vst.idx.add.s32.msk vm12, v3  }
0x19c: {  	v7 =	vld [tilespmem:s1+$0x50];
	_ =	sdelay $0x4  }
0x19d: {  	v8 =	vshra.s32 v7, $0x14;
	v7 =	vshrl.u32 v7, $0x9  }
0x19e: {  	vm13 =	veq.s32 v8, v6;
	v7 =	vand.u32 $0x7FF, v7  }
0x19f: {  	v7 =	vor.u32 v2, v7;
	_ =	sdelay $0x4  }
0x1a0: {  	[tilespmem:v7+s13+$0x0] =	vst.idx.add.s32.msk vm13, v3  }
0x1a1: {  	v7 =	vld [tilespmem:s1+$0x60];
	_ =	sdelay $0x4  }
0x1a2: {  	v8 =	vshra.s32 v7, $0x14;
	v7 =	vshrl.u32 v7, $0x9  }
0x1a3: {  	vm14 =	veq.s32 v8, v6;
	v7 =	vand.u32 $0x7FF, v7  }
0x1a4: {  	v7 =	vor.u32 v2, v7;
	_ =	sdelay $0x4  }
0x1a5: {  	[tilespmem:v7+s13+$0x0] =	vst.idx.add.s32.msk vm14, v3  }
0x1a6: {  	v7 =	vld [tilespmem:s1+$0x70];
	_ =	sdelay $0x4  }
0x1a7: {  	v8 =	vshra.s32 v7, $0x14;
	v7 =	vshrl.u32 v7, $0x9  }
0x1a8: {  	vm15 =	veq.s32 v8, v6;
	v7 =	vand.u32 $0x7FF, v7  }
0x1a9: {  	p1 =	sne.s32 s0, $0x1FE00;
	v7 =	vor.u32 v2, v7  }
.Ltmp7:
0x1aa: {  	_ = 	snop;
	(pc) =	sbr.rel @p1 .LBB2_16-.Ltmp7, $2  }
0x1ab: {  	_ =	sdelay $0x2  }
0x1ac: {  	s0 =	sadd.s32 $0x200, s0;
	[tilespmem:v7+s13+$0x0] =	vst.idx.add.s32.msk vm15, v3  }
0x1ad: {  	s0 =	simm.s32 $0x0  }
0x1ae: {  	[tilespmem:s0], [sflag:$0x1] =	stream.linear.gather [hbm4b:s6+s0], $0x8000, $0x38;
	[tilespmem:$0x13080] =	vst v63  }
0x1af: {  	_ =	swait.ge [sflag:s12], $0x8000  }
0x1b0: {  	s8 =	rddreg [dreg:$0x3]  }
0x1b1: {  	s1 =	simm.s32 $0x0;
	s7 =	rddreg [dreg:$0x5]  }
0x1b2: {  	s15 =	simm.s32 $0x80;
	s16 =	simm.s32 $0x400;
	s10 =	rddreg [dreg:$0x6]  }
0x1b3: {  	s17 =	simm.s32 $0x11000;
	[sflag:s12] =	ssyncset.done $0x0;
	s11 =	rddreg [dreg:$0x7]  }
0x1b4: {  	s18 =	simm.s32 $0x11800;
	s14 =	rddreg [dreg:$0x8];
	[sflag:s12] =	ssyncadd.s32 $0xFFFF8000  }
.LBB2_18:
0x1b5: {  	s4 =	sshra.s32 s1, $0x2  }
0x1b6: {  	v7 =	vld [tilespmem:s4+$0x0];
	_ =	sdelay $0x4  }
0x1b7: {  	v8 =	vshra.s32 v7, $0x14;
	v7 =	vshrl.u32 v7, $0x9  }
0x1b8: {  	vm0 =	veq.s32 v8, v6;
	v7 =	vand.u32 $0x7FF, v7  }
0x1b9: {  	v7 =	vor.u32 v2, v7;
	_ =	sdelay $0x3  }
0x1ba: {  	s3 =	simm.s32 $0x8000  }
0x1bb: {  	[tilespmem:v7+s3+$0x0] =	vst.idx.add.s32.msk vm0, v3  }
0x1bc: {  	v7 =	vld [tilespmem:s4+$0x10];
	_ =	sdelay $0x4  }
0x1bd: {  	v8 =	vshra.s32 v7, $0x14;
	v7 =	vshrl.u32 v7, $0x9  }
0x1be: {  	vm9 =	veq.s32 v8, v6;
	v7 =	vand.u32 $0x7FF, v7  }
0x1bf: {  	v7 =	vor.u32 v2, v7;
	_ =	sdelay $0x4  }
0x1c0: {  	[tilespmem:v7+s3+$0x0] =	vst.idx.add.s32.msk vm9, v3  }
0x1c1: {  	v7 =	vld [tilespmem:s4+$0x20];
	_ =	sdelay $0x4  }
0x1c2: {  	v8 =	vshra.s32 v7, $0x14;
	v7 =	vshrl.u32 v7, $0x9  }
0x1c3: {  	vm10 =	veq.s32 v8, v6;
	v7 =	vand.u32 $0x7FF, v7  }
0x1c4: {  	v7 =	vor.u32 v2, v7;
	_ =	sdelay $0x4  }
0x1c5: {  	[tilespmem:v7+s3+$0x0] =	vst.idx.add.s32.msk vm10, v3  }
0x1c6: {  	v7 =	vld [tilespmem:s4+$0x30];
	_ =	sdelay $0x4  }
0x1c7: {  	v8 =	vshra.s32 v7, $0x14;
	v7 =	vshrl.u32 v7, $0x9  }
0x1c8: {  	vm11 =	veq.s32 v8, v6;
	v7 =	vand.u32 $0x7FF, v7  }
0x1c9: {  	v7 =	vor.u32 v2, v7;
	_ =	sdelay $0x4  }
0x1ca: {  	[tilespmem:v7+s3+$0x0] =	vst.idx.add.s32.msk vm11, v3  }
0x1cb: {  	v7 =	vld [tilespmem:s4+$0x40];
	_ =	sdelay $0x4  }
0x1cc: {  	v8 =	vshra.s32 v7, $0x14;
	v7 =	vshrl.u32 v7, $0x9  }
0x1cd: {  	vm12 =	veq.s32 v8, v6;
	v7 =	vand.u32 $0x7FF, v7  }
0x1ce: {  	v7 =	vor.u32 v2, v7;
	_ =	sdelay $0x4  }
0x1cf: {  	[tilespmem:v7+s3+$0x0] =	vst.idx.add.s32.msk vm12, v3  }
0x1d0: {  	v7 =	vld [tilespmem:s4+$0x50];
	_ =	sdelay $0x4  }
0x1d1: {  	v8 =	vshra.s32 v7, $0x14;
	v7 =	vshrl.u32 v7, $0x9  }
0x1d2: {  	vm13 =	veq.s32 v8, v6;
	v7 =	vand.u32 $0x7FF, v7  }
0x1d3: {  	v7 =	vor.u32 v2, v7;
	_ =	sdelay $0x4  }
0x1d4: {  	[tilespmem:v7+s3+$0x0] =	vst.idx.add.s32.msk vm13, v3  }
0x1d5: {  	v7 =	vld [tilespmem:s4+$0x60];
	_ =	sdelay $0x4  }
0x1d6: {  	v8 =	vshra.s32 v7, $0x14;
	v7 =	vshrl.u32 v7, $0x9  }
0x1d7: {  	vm14 =	veq.s32 v8, v6;
	v7 =	vand.u32 $0x7FF, v7  }
0x1d8: {  	v7 =	vor.u32 v2, v7;
	_ =	sdelay $0x4  }
0x1d9: {  	[tilespmem:v7+s3+$0x0] =	vst.idx.add.s32.msk vm14, v3  }
0x1da: {  	v7 =	vld [tilespmem:s4+$0x70];
	_ =	sdelay $0x4  }
0x1db: {  	v8 =	vshra.s32 v7, $0x14;
	v7 =	vshrl.u32 v7, $0x9  }
0x1dc: {  	vm15 =	veq.s32 v8, v6;
	v7 =	vand.u32 $0x7FF, v7  }
0x1dd: {  	p1 =	sne.s32 s1, $0x1FE00;
	v7 =	vor.u32 v2, v7  }
.Ltmp8:
0x1de: {  	_ = 	snop;
	(pc) =	sbr.rel @p1 .LBB2_18-.Ltmp8, $2  }
0x1df: {  	_ =	sdelay $0x2  }
0x1e0: {  	s1 =	sadd.s32 $0x200, s1;
	[tilespmem:v7+s3+$0x0] =	vst.idx.add.s32.msk vm15, v3  }
0x1e1: {  	s0 =	sand.u32 $0x7F0, s0;
	v7 =	vld [tilespmem:s3+$0x0]  }
0x1e2: {  	v6 =	vld [tilespmem:s0+$0x8800]  }
0x1e3: {  	v8 =	vld [tilespmem:s0+$0x9000]  }
0x1e4: {  	v9 =	vld [tilespmem:s0+$0x9800]  }
0x1e5: {  	v10 =	vld [tilespmem:s0+$0xA000]  }
0x1e6: {  	v11 =	vld [tilespmem:s0+$0xA800]  }
0x1e7: {  	v6 =	vadd.s32 v7, v6;
	v7 =	vld [tilespmem:s0+$0xB000]  }
0x1e8: {  	v6 =	vadd.s32 v8, v6;
	v8 =	vld [tilespmem:s0+$0xB800]  }
0x1e9: {  	v58 =	vld [tilespmem:s0+$0xC000];
	v6 =	vadd.s32 v9, v6  }
0x1ea: {  	v59 =	vld [tilespmem:s0+$0xC800];
	v6 =	vadd.s32 v10, v6  }
0x1eb: {  	v60 =	vld [tilespmem:s0+$0xD000];
	v6 =	vadd.s32 v11, v6  }
0x1ec: {  	v6 =	vadd.s32 v7, v6;
	v7 =	vld [tilespmem:s0+$0xD800]  }
0x1ed: {  	v6 =	vadd.s32 v8, v6;
	v8 =	vld [tilespmem:s0+$0xE000]  }
0x1ee: {  	v61 =	vld [tilespmem:s0+$0xE800];
	v6 =	vadd.s32 v58, v6  }
0x1ef: {  	v62 =	vld [tilespmem:s0+$0xF000];
	v6 =	vadd.s32 v59, v6  }
0x1f0: {  	v63 =	vld [tilespmem:s0+$0xF800];
	v6 =	vadd.s32 v60, v6  }
0x1f1: {  	v6 =	vadd.s32 v7, v6  }
0x1f2: {  	v6 =	vadd.s32 v8, v6  }
0x1f3: {  	v6 =	vadd.s32 v61, v6  }
0x1f4: {  	v6 =	vadd.s32 v62, v6  }
0x1f5: {  	s1 =	simm.s32 $0x10;
	s0 =	simm.s32 $0x10000;
	v6 =	vadd.s32 v63, v6  }
0x1f6: {  	s1 =	sand.u32 $0x7F0, s1;
	[tilespmem:s0+$0x0] =	vst v6  }
0x1f7: {  	s4 =	simm.s32 $0x20;
	s3 =	simm.s32 $0x8010;
	v6 =	vld [tilespmem:s1+$0x8800]  }
.LBB2_20:
0x1f8: {  	p1 =	sne.s32 s4, $0x7F0;
	v7 =	vld [tilespmem:s3+$0x0]  }
0x1f9: {  	v8 =	vld [tilespmem:s1+$0x9000]  }
0x1fa: {  	v9 =	vld [tilespmem:s1+$0x9800]  }
0x1fb: {  	v10 =	vld [tilespmem:s1+$0xA000]  }
0x1fc: {  	v11 =	vld [tilespmem:s1+$0xA800]  }
0x1fd: {  	v6 =	vadd.s32 v7, v6;
	v7 =	vld [tilespmem:s1+$0xB000]  }
0x1fe: {  	v6 =	vadd.s32 v8, v6;
	v8 =	vld [tilespmem:s1+$0xB800]  }
0x1ff: {  	v6 =	vadd.s32 v9, v6;
	v9 =	vld [tilespmem:s1+$0xC000]  }
0x200: {  	v6 =	vadd.s32 v10, v6;
	v10 =	vld [tilespmem:s1+$0xC800]  }
0x201: {  	v6 =	vadd.s32 v11, v6;
	v11 =	vld [tilespmem:s1+$0xD000]  }
0x202: {  	v6 =	vadd.s32 v7, v6;
	v7 =	vld [tilespmem:s1+$0xD800]  }
0x203: {  	v6 =	vadd.s32 v8, v6;
	v8 =	vld [tilespmem:s1+$0xE000]  }
0x204: {  	v6 =	vadd.s32 v9, v6;
	v9 =	vld [tilespmem:s1+$0xE800]  }
0x205: {  	v6 =	vadd.s32 v10, v6;
	v10 =	vld [tilespmem:s1+$0xF000]  }
0x206: {  	v6 =	vadd.s32 v11, v6;
	v11 =	vld [tilespmem:s1+$0xF800]  }
0x207: {  	v6 =	vadd.s32 v7, v6  }
0x208: {  	v6 =	vadd.s32 v8, v6  }
.Ltmp9:
0x209: {  	v6 =	vadd.s32 v9, v6;
	(pc) =	sbr.rel @p1 .LBB2_20-.Ltmp9, $4  }
0x20a: {  	v6 =	vadd.s32 v10, v6  }
0x20b: {  	s0 =	sadd.s32 $0x10, s0;
	v6 =	vadd.s32 v11, v6  }
0x20c: {  	s1 =	sand.u32 $0x7F0, s4;
	[tilespmem:s0+$0x0] =	vst v6  }
0x20d: {  	s3 =	sadd.s32 $0x10, s3;
	s4 =	sadd.s32 $0x10, s4;
	v6 =	vld [tilespmem:s1+$0x8800]  }
0x20e: {  	v7 =	vld [tilespmem:s3+$0x0]  }
0x20f: {  	v8 =	vld [tilespmem:s1+$0x9000]  }
0x210: {  	v9 =	vld [tilespmem:s1+$0x9800]  }
0x211: {  	v10 =	vld [tilespmem:s1+$0xA000]  }
0x212: {  	v11 =	vld [tilespmem:s1+$0xA800]  }
0x213: {  	v6 =	vadd.s32 v7, v6;
	v7 =	vld [tilespmem:s1+$0xB000]  }
0x214: {  	v6 =	vadd.s32 v8, v6;
	v8 =	vld [tilespmem:s1+$0xB800]  }
0x215: {  	v57 =	vld [tilespmem:s1+$0xC000];
	v6 =	vadd.s32 v9, v6  }
0x216: {  	v58 =	vld [tilespmem:s1+$0xC800];
	v6 =	vadd.s32 v10, v6  }
0x217: {  	v59 =	vld [tilespmem:s1+$0xD000];
	v6 =	vadd.s32 v11, v6  }
0x218: {  	v6 =	vadd.s32 v7, v6;
	v7 =	vld [tilespmem:s1+$0xD800]  }
0x219: {  	v6 =	vadd.s32 v8, v6;
	v8 =	vld [tilespmem:s1+$0xE000]  }
0x21a: {  	v60 =	vld [tilespmem:s1+$0xE800];
	v6 =	vadd.s32 v57, v6  }
0x21b: {  	v61 =	vld [tilespmem:s1+$0xF000];
	v6 =	vadd.s32 v58, v6  }
0x21c: {  	v62 =	vld [tilespmem:s1+$0xF800];
	v6 =	vadd.s32 v59, v6  }
0x21d: {  	v6 =	vadd.s32 v7, v6  }
0x21e: {  	v6 =	vadd.s32 v8, v6  }
0x21f: {  	v6 =	vadd.s32 v60, v6  }
0x220: {  	v6 =	vadd.s32 v61, v6  }
0x221: {  	s0 =	sadd.s32 $0x10, s0;
	v6 =	vadd.s32 v62, v6  }
0x222: {  	[tilespmem:s0+$0x0] =	vst v6;
	s0 =	simm.s32 $0x10000  }
0x223: {  	[spmem:s7] =	stream.strided.scatter [tilespmem:s0], [sflag:$0x1], $0x800, s16, s15, $0x38;
	[tilespmem:$0x13080] =	vst v63  }
0x224: {  	_ =	swait.ge [sflag:s12], $0x800  }
0x225: {  	[sflag:s12] =	ssyncset.done $0x0  }
0x226: {  	[sflag:s12] =	ssyncadd.s32 $0xFFFFF800  }
0x227: {  	s28 =	simm.s32 $0x10800;
	[bflag:$0x0] =	sbarrier.arrive $0xFFFF  }
0x228: {  	[tilespmem:s28], [sflag:$0x1] =	stream.strided.gather [spmem:s8], $0x800, s16, s15, $0x38;
	[tilespmem:$0x13080] =	vst v63  }
0x229: {  	_ =	swait.ge [sflag:s12], $0x800  }
0x22a: {  	[sflag:s12] =	ssyncset.done $0x0  }
0x22b: {  	[sflag:s12] =	ssyncadd.s32 $0xFFFFF800  }
0x22c: {  	[tilespmem:s17], [sflag:$0x1] =	stream.strided.gather [spmem:s10], $0x800, s16, s15, $0x38;
	[tilespmem:$0x13080] =	vst v63  }
0x22d: {  	_ =	swait.ge [sflag:s12], $0x800  }
0x22e: {  	[sflag:s12] =	ssyncset.done $0x0  }
0x22f: {  	[sflag:s12] =	ssyncadd.s32 $0xFFFFF800  }
0x230: {  	[tilespmem:s18], [sflag:$0x1] =	stream.strided.gather [spmem:s11], $0x800, s16, s15, $0x38;
	[tilespmem:$0x13080] =	vst v63  }
0x231: {  	_ =	swait.ge [sflag:s12], $0x800  }
0x232: {  	[sflag:s12] =	ssyncset.done $0x0  }
0x233: {  	[sflag:s12] =	ssyncadd.s32 $0xFFFFF800  }
0x234: {  	[tilespmem:s29], [sflag:$0x1] =	stream.strided.gather [spmem:s14], $0x800, s16, s15, $0x38;
	[tilespmem:$0x13080] =	vst v63  }
0x235: {  	_ =	swait.ge [sflag:s12], $0x800  }
0x236: {  	[sflag:s12] =	ssyncset.done $0x0  }
0x237: {  	s30 =	simm.s32 $0x0;
	[sflag:s12] =	ssyncadd.s32 $0xFFFFF800  }
0x238: {  	s3 =	sand.u32 $0x7F0, s30;
	[bflag:$0x0] =	sbarrier.arrive $0xFFFF  }
0x239: {  	v6 =	vld [tilespmem:s3+$0x11000]  }
0x23a: {  	v7 =	vld [tilespmem:s28+$0x0]  }
0x23b: {  	v8 =	vld [tilespmem:s3+$0x11800]  }
0x23c: {  	v63 =	vld [tilespmem:s3+$0x12000];
	_ =	sdelay $0x2  }
0x23d: {  	v6 =	vadd.s32 v7, v6  }
0x23e: {  	v6 =	vadd.s32 v8, v6  }
0x23f: {  	s31 =	simm.s32 $0x10;
	v6 =	vadd.s32 v63, v6  }
0x240: {  	s4 =	sand.u32 $0x7F0, s31;
	[tilespmem:s0+$0x0] =	vst v6  }
0x241: {  	s1 =	simm.s32 $0x10810;
	s3 =	simm.s32 $0x20;
	v6 =	vld [tilespmem:s4+$0x11000]  }
.LBB2_22:
0x242: {  	p1 =	sne.s32 s3, $0x7F0;
	v7 =	vld [tilespmem:s1+$0x0]  }
0x243: {  	v8 =	vld [tilespmem:s4+$0x11800]  }
0x244: {  	v9 =	vld [tilespmem:s4+$0x12000];
	_ =	sdelay $0x2  }
.Ltmp10:
0x245: {  	v6 =	vadd.s32 v7, v6;
	(pc) =	sbr.rel @p1 .LBB2_22-.Ltmp10, $4  }
0x246: {  	v6 =	vadd.s32 v8, v6  }
0x247: {  	s0 =	sadd.s32 $0x10, s0;
	v6 =	vadd.s32 v9, v6  }
0x248: {  	s4 =	sand.u32 $0x7F0, s3;
	[tilespmem:s0+$0x0] =	vst v6  }
0x249: {  	s1 =	sadd.s32 $0x10, s1;
	s3 =	sadd.s32 $0x10, s3;
	v6 =	vld [tilespmem:s4+$0x11000]  }
0x24a: {  	v7 =	vld [tilespmem:s1+$0x0]  }
0x24b: {  	v8 =	vld [tilespmem:s4+$0x11800]  }
0x24c: {  	v9 =	vld [tilespmem:s4+$0x12000];
	_ =	sdelay $0x2  }
0x24d: {  	v6 =	vadd.s32 v7, v6  }
0x24e: {  	v6 =	vadd.s32 v8, v6  }
0x24f: {  	s0 =	sadd.s32 $0x10, s0;
	v6 =	vadd.s32 v9, v6  }
0x250: {  	s4 =	simm.s32 $0x107F0;
	[tilespmem:s0+$0x0] =	vst v6  }
0x251: {  	v6 =	vld [tilespmem:s4+$0x0];
	_ =	sdelay $0x3  }
0x252: {  	s5 =	simm.s32 $0x107E0  }
0x253: {  	v7 =	vld [tilespmem:s5+$0x0];
	(xrf0) =	vadd.scan.msk.s32 $0xffff, v6;
	_ =	sdelay $0x1  }
0x254: {  	v6 =	vperm.xlane v6, v4;
	_ =	sdelay $0x2  }
0x255: {  	(xrf0) =	vadd.scan.msk.s32 $0xffff, v7  }
0x256: {  	s21 =	simm.s32 $0x107D0;
	(xrf0) =	vadd.scan.msk.s32 $0xffff, v6;
	v6, _, _ =	vpop (xrf0)  }
0x257: {  	v8 =	vld [tilespmem:s21+$0x0];
	(v2sf) =	vpush v6, $0xF;
	_ =	sdelay $0x3  }
0x258: {  	v6, _, _ =	vpop (xrf0)  }
0x259: {  	s22 =	ssub.s32 $0xCCCD, s20;
	s20 =	simm.s32 $0x0;
	v7 =	vperm.xlane v7, v4;
	(xrf0) =	vadd.scan.msk.s32 $0xffff, v8;
	v9, _, _ =	vpop (xrf0)  }
0x25a: {  	(v2sf) =	vpush v6, $0xF;
	v6 =	vmov s22;
	v9 =	vadd.s32 s20, v9  }
0x25b: {  	vm0 =	vlt.s32 v9, v6  }
0x25c: {  	s23 =	simm.s32 $0x107C0;
	(xrf0) =	vadd.scan.msk.s32 $0xffff, v7;
	v7 =	vsel vm0, $0x80000010, v5  }
0x25d: {  	v9 =	vld [tilespmem:s23+$0x0];
	(xrf0) =	vmin.scan.msk.u32 $0xffff, v7;
	_ =	sdelay $0x1  }
0x25e: {  	v8 =	vperm.xlane v8, v4;
	v7, _, _ =	vpop (xrf0)  }
0x25f: {  	(v2sf) =	vpush v7, $0xF;
	_ =	sdelay $0x1  }
0x260: {  	v7, _, _ =	vpop (xrf0);
	(xrf0) =	vadd.scan.msk.s32 $0xffff, v9  }
0x261: {  	s25 =	simm.s32 $0x107B0;
	(xrf0) =	vadd.scan.msk.s32 $0xffff, v8;
	v8, _, _ =	vpop (xrf0);
	s24 =	spop (v2sf)  }
0x262: {  	(v2sf) =	vpush v8, $0xF;
	v8 =	vld [tilespmem:s25+$0x0];
	s0 =	sadd.s32 $0x0, s24  }
0x263: {  	v7 =	vadd.s32 s0, v7  }
0x264: {  	vm13 =	vlt.s32 v7, v6  }
0x265: {  	v7 =	vsel vm13, $0x80000010, v5  }
0x266: {  	(xrf0) =	vmin.scan.msk.u32 $0xffff, v7;
	v7 =	vperm.xlane v9, v4  }
0x267: {  	v10, _, _ =	vpop (xrf0);
	s26 =	spop (v2sf);
	(xrf0) =	vadd.scan.msk.s32 $0xffff, v8  }
0x268: {  	s0 =	sadd.s32 s0, s26;
	v9, _, _ =	vpop (xrf0);
	(xrf0) =	vadd.scan.msk.s32 $0xffff, v7  }
0x269: {  	v9 =	vadd.s32 s0, v9  }
0x26a: {  	vm14 =	vlt.s32 v9, v6  }
0x26b: {  	v7 =	vsel vm14, $0x80000010, v5  }
0x26c: {  	(xrf0) =	vmin.scan.msk.u32 $0xffff, v7;
	v9, _, _ =	vpop (xrf0)  }
0x26d: {  	s31 =	spop (v2sf);
	v11, _, _ =	vpop (xrf0)  }
0x26e: {  	(v2sf) =	vpush v10, $0xF;
	s1 =	sadd.s32 s0, s31;
	v10, _, _ =	vpop (xrf0)  }
0x26f: {  	(v2sf) =	vpush v9, $0xF;
	v9 =	vadd.s32 s1, v10;
	_ =	sdelay $0x2  }
0x270: {  	s30 =	simm.s32 $0x107A0;
	(v2sf) =	vpush v11, $0xF;
	vm15 =	vlt.s32 v9, v6;
	v9, _, _ =	vpop (xrf0)  }
0x271: {  	v7 =	vld [tilespmem:s30+$0x0];
	s0 =	spop (v2sf);
	(v2sf) =	vpush v9, $0xF;
	_ =	sdelay $0x2  }
0x272: {  	s28 =	simm.s32 $0x800007CF  }
0x273: {  	s3 =	simm.s32 $0x8000079F;
	s21 =	simm.s32 $0x800007AF;
	v8 =	vperm.xlane v8, v4  }
0x274: {  	s4 =	simm.s32 $0x10790;
	s22 =	simm.s32 $0x800007BF;
	(xrf0) =	vadd.scan.msk.s32 $0xffff, v7  }
0x275: {  	s23 =	simm.s32 $0x800007DF;
	s25 =	simm.s32 $0x800007EF;
	(xrf0) =	vadd.scan.msk.s32 $0xffff, v8  }
0x276: {  	s24 =	simm.s32 $0x0;
	s26 =	simm.s32 $0x800007FF;
	s5 =	sxor.u32 $0x80000000, s0;
	v8 =	vsel vm15, $0x80000010, v5  }
.LBB2_24:
0x277: {  	v9 =	vld [tilespmem:s4+$0x0];
	p1 =	sne.s32 s3, $0x8000000F;
	(xrf0) =	vmin.scan.msk.u32 $0xffff, v8;
	p2 =	slt.s32 s5, $0x10;
	p3 =	seq.s32 s20, $0x0  }
0x278: {  	s0 =	ssub.s32 s26, s0;
	s26 =	smov.u32 s25;
	p2 =	por !p3, !p2  }
0x279: {  	s25 =	smov.u32 s23;
	s23 =	smov.u32 s28;
	p2 =	por !p2, !p2  }
.Ltmp11:
0x27a: {  	v8, _, _ =	vpop (xrf0);
	s5 =	spop (v2sf);
	s20 =	simm.s32 @p2 $0x1;
	(pc) =	sbr.rel @p1 .LBB2_24-.Ltmp11, $4  }
0x27b: {  	v10 =	vperm.xlane v7, v4;
	s28 =	smov.u32 s22;
	s24 =	smov.u32 @p2 s0;
	(v2sf) =	vpush v8, $0xF;
	v7, _, _ =	vpop (xrf0);
	s1 =	sadd.s32 s1, s5  }
0x27c: {  	s22 =	smov.u32 s21;
	s21 =	smov.u32 s3;
	(xrf0) =	vadd.scan.msk.s32 $0xffff, v9;
	v8 =	vadd.s32 s1, v7;
	v7 =	vmov v9  }
0x27d: {  	(xrf0) =	vadd.scan.msk.s32 $0xffff, v10;
	vm0 =	vlt.s32 v8, v6;
	v9, _, _ =	vpop (xrf0);
	s0 =	spop (v2sf)  }
0x27e: {  	s4 =	sadd.s32 $0xFFFFFFF0, s4;
	s3 =	sadd.s32 $0xFFFFFFF0, s3;
	v8 =	vsel vm0, $0x80000010, v5;
	(v2sf) =	vpush v9, $0xF;
	s5 =	sxor.u32 $0x80000000, s0  }
0x27f: {  	_ =	sdelay $0x2  }
0x280: {  	v7 =	vperm.xlane v7, v4;
	_ =	sdelay $0x1  }
0x281: {  	(xrf0) =	vmin.scan.msk.u32 $0xffff, v8  }
0x282: {  	(xrf0) =	vadd.scan.msk.s32 $0xffff, v7  }
0x283: {  	s3 =	spop (v2sf);
	v7, _, _ =	vpop (xrf0)  }
0x284: {  	s1 =	sadd.s32 s1, s3;
	v61, _, _ =	vpop (xrf0)  }
0x285: {  	v8 =	vadd.s32 s1, v61  }
0x286: {  	s3 =	spop (v2sf);
	vm0 =	vlt.s32 v8, v6  }
0x287: {  	v62, _, _ =	vpop (xrf0);
	v9 =	vsel vm0, $0x80000010, v5;
	s4 =	spop (v2sf)  }
0x288: {  	v63, _, _ =	vpop (xrf0);
	(xrf0) =	vmin.scan.msk.u32 $0xffff, v9;
	s1 =	sadd.s32 s1, s4  }
0x289: {  	v9 =	vadd.s32 s1, v63  }
0x28a: {  	(v2sf) =	vpush v7, $0xF;
	vm15 =	vlt.s32 v9, v6  }
0x28b: {  	(v2sf) =	vpush v62, $0xF;
	v6 =	vsel vm15, $0x80000010, v5  }
0x28c: {  	(xrf0) =	vmin.scan.msk.u32 $0xffff, v6;
	_ =	sdelay $0x1  }
0x28d: {  	v6, _, _ =	vpop (xrf0)  }
0x28e: {  	(v2sf) =	vpush v6, $0xF  }
0x28f: {  	p1 =	slt.s32 s5, $0x10;
	p2 =	seq.s32 s20, $0x0  }
0x290: {  	p1 =	por !p2, !p1  }
0x291: {  	p1 =	por !p1, !p1;
	v6, _, _ =	vpop (xrf0)  }
0x292: {  	s30 =	sxor.u32 $0x80000000, s3;
	s20 =	simm.s32 @p1 $0x1;
	(v2sf) =	vpush v6, $0xF  }
0x293: {  	p4 =	slt.s32 s30, $0x10;
	p3 =	seq.s32 s20, $0x0  }
0x294: {  	p2 =	por !p3, !p4  }
0x295: {  	p2 =	por !p2, !p2;
	s1 =	spop (v2sf)  }
0x296: {  	s20 =	simm.s32 @p2 $0x1;
	s31 =	sxor.u32 $0x80000000, s1  }
0x297: {  	p4 =	seq.s32 s20, $0x0;
	p5 =	slt.s32 s31, $0x10  }
0x298: {  	p3 =	por !p4, !p5;
	s5 =	spop (v2sf)  }
0x299: {  	p3 =	por !p3, !p3;
	s4 =	spop (v2sf)  }
0x29a: {  	s20 =	simm.s32 @p3 $0x1;
	s30 =	sxor.u32 $0x80000000, s4  }
0x29b: {  	p5 =	seq.s32 s20, $0x0;
	p6 =	slt.s32 s30, $0x10  }
0x29c: {  	p4 =	por !p5, !p6  }
0x29d: {  	s0 =	ssub.s32 s26, s0;
	p4 =	por !p4, !p4;
	s5 =	spop (v2sf)  }
0x29e: {  	s3 =	ssub.s32 s25, s3;
	s20 =	simm.s32 @p4 $0x1;
	s31 =	sxor.u32 $0x80000000, s5  }
0x29f: {  	s24 =	smov.u32 @p1 s0;
	p6 =	seq.s32 s20, $0x0;
	p5 =	slt.s32 s31, $0x10  }
0x2a0: {  	s24 =	smov.u32 @p2 s3;
	p1 =	por !p6, !p5  }
0x2a1: {  	s0 =	ssub.s32 s23, s1;
	p1 =	por !p1, !p1;
	s26 =	spop (v2sf)  }
0x2a2: {  	s24 =	smov.u32 @p3 s0;
	s20 =	simm.s32 @p1 $0x1;
	s30 =	sxor.u32 $0x80000000, s26  }
0x2a3: {  	s3 =	ssub.s32 s28, s4;
	p5 =	slt.s32 s30, $0x10;
	p6 =	seq.s32 s20, $0x0  }
0x2a4: {  	s24 =	smov.u32 @p4 s3;
	s0 =	ssub.s32 s22, s5;
	p2 =	por !p6, !p5  }
0x2a5: {  	s24 =	smov.u32 @p1 s0;
	s0 =	ssub.s32 s21, s26;
	p1 =	por !p2, !p2  }
0x2a6: {  	s24 =	smov.u32 @p1 s0  }
0x2a7: {  	s0 =	sshll.u32 @!p0 s19, $0x14;
	s1 =	sshll.u32 @!p0 s24, $0x9  }
0x2a8: {  	s0 =	sor.u32 @!p0 s0, s1  }
0x2a9: {  	v6 =	vmov @!p0 s0  }
0x2aa: {  	s3 =	rddreg [dreg:$0x9];
	s1 =	simm.s32 @!p0 $0x12800;
	s0 =	simm.s32 @!p0 $0x0;
	[tilespmem:$0x12800] =	vst @!p0 v6  }
0x2ab: {  	[hbm4b:s3+s0] =	stream.linear.scatter @!p0 [tilespmem:s1], [sflag:$0x1], $0x80, $0x38;
	[tilespmem:$0x13080] =	vst v63  }
0x2ac: {  	s0 =	simm.s32 @!p0 $0x1  }
0x2ad: {  	_ =	swait.ge @!p0 [sflag:s0], $0x80  }
0x2ae: {  	s2 =	sadd.s32 $0x1, s2;
	s31 =	rddreg [dreg:$0xa]  }
0x2af: {  	p1 =	sne.s32 s2, s31  }
.Ltmp12:
0x2b0: {  	_ = 	snop;
	(pc) =	sbr.rel @p1 .LBB2_1-.Ltmp12, $3  }
0x2b1: {  	_ =	sdelay $0x1  }
0x2b2: {  	[sflag:s0] =	ssyncset.done @!p0 $0x0  }
0x2b3: {  	[sflag:s0] =	ssyncadd.s32 @!p0 $0xFFFFFF80  }
0x2b4: {  	_ =	sfence.sel $0x180000  }
0x2b5: {  	[bflag:$0x0] =	sbarrier.arrive $0xFFFF  }
0x2b6: {  	_ =	strace $0x90000047  }
0x2b7: {  	s0 =	stileid.u32;
	[bflag:$0x2] =	sbarrier.arrive $0xFFFF  }
0x2b8: {  	p0 =	sne.s32 s0, $0x0;
	s0 =	rddreg [dreg:$0x2]  }
0x2b9: {  	s0 =	sadd.s32 @!p0 $0x100000, s0  }
0x2ba: {  	[sflag:s0] =	ssyncadd.tile.s32 @!p0 $0x1;
	_ =	shalt  }
.Lfunc_end2:
_tile_overlayer_lowered:
.L_overlay_start_2:
0x2bb: {  	(tag) =	ssettag $0x2  }
0x2bc: {  	s0 =	rddreg [dreg:$0x0];
	s2 =	stileid.u32  }
0x2bd: {  	s1 =	rddreg [dreg:$0x1];
	p0 =	sne.s32 s2, $0x0  }
0x2be: {  	s3 =	rddreg [dreg:$0x2];
	[bflag:$0x3] =	sbarrier.arrive $0xFFFF;
	s2 =	simm.s32 @!p0 $0x1C01  }
0x2bf: {  	[timem:s3], [sflag:s2] =	dma.local @!p0 [hbm:s0], s1  }
0x2c0: {  	s0 =	simm.s32 @!p0 $0x1  }
0x2c1: {  	_ =	swait.ge @!p0 [sflag:s0], s1  }
0x2c2: {  	s1 =	ssub.s32 @!p0 $0x0, s1;
	[sflag:s0] =	ssyncset.done @!p0 $0x0  }
0x2c3: {  	[sflag:s0] =	ssyncadd.s32 @!p0 s1  }
0x2c4: {  	[bflag:$0x3] =	sbarrier.arrive $0xFFFF  }
0x2c5: {  	_ =	shalt  }

</sc_bundles>
